<compile_context>
chip_gen: v7x
topology: tpu7x:2x2x1
jax: 0.10.2.dev20260603
libtpu: 0.0.44.dev20260713+nightly
codegen_flags: <defaults>
</compile_context>

<pallas_src>
import jax
import jax.numpy as jnp
from jax import lax
from jax.experimental import pallas as pl
from jax.experimental.pallas import tpu as pltpu

_N, _E, _D, _DE = 10000, 320000, 128, 4
_OUT0, _OUT1, _OUT2, _LT, _NDEG = 64, 64, 128, 12, 64

_BN = 2000


def _deg_update(aggh, agga, di, ha_ref, hb_ref, out_w):

    def dstep(d, acc):
        m = di == d
        am = jnp.where(m, aggh, 0.0)
        aa = jnp.where(m, agga, 0.0)
        return (acc
                + jnp.dot(am, ha_ref[d], preferred_element_type=jnp.float32)
                + jnp.dot(aa, hb_ref[d], preferred_element_type=jnp.float32))

    acc = lax.fori_loop(0, _NDEG, dstep,
                        jnp.zeros((aggh.shape[0], out_w), jnp.float32))
    return jax.nn.sigmoid(acc)


def _tc1_body(ph_ref, pa_ref, deg_ref, ha_ref, hb_ref, h1_ref):
    di = jnp.minimum(deg_ref[...], _NDEG - 1)
    h1_ref[...] = _deg_update(ph_ref[...], pa_ref[...], di,
                              ha_ref, hb_ref, _OUT0)


def _tc1(agg_h, agg_a, deg, h1a, h1b):
    grid = (_N // _BN,)
    return pl.pallas_call(
        _tc1_body,
        grid=grid,
        in_specs=[
            pl.BlockSpec((_BN, _D), lambda i: (i, 0)),
            pl.BlockSpec((_BN, _DE), lambda i: (i, 0)),
            pl.BlockSpec((_BN, 1), lambda i: (i, 0)),
            pl.BlockSpec(h1a.shape, lambda i: (0, 0, 0)),
            pl.BlockSpec(h1b.shape, lambda i: (0, 0, 0)),
        ],
        out_specs=pl.BlockSpec((_BN, _OUT0), lambda i: (i, 0)),
        out_shape=jax.ShapeDtypeStruct((_N, _OUT0), jnp.float32),
    )(agg_h, agg_a, deg, h1a, h1b)


def _softmax_colsum(x, w_ref):
    y = jnp.dot(x, w_ref[...], preferred_element_type=jnp.float32)
    y = y - jnp.max(y, axis=1, keepdims=True)
    e = jnp.exp(y)
    p = e / jnp.sum(e, axis=1, keepdims=True)
    return jnp.sum(p, axis=0, keepdims=True)


def _tc2_body(p2_ref, pa_ref, deg_ref, hin_ref, h1_ref, h2a_ref, h2b_ref,
              wr0_ref, wr1_ref, wr2_ref, wout_ref, bout_ref,
              out_ref, racc_ref):
    i = pl.program_id(0)
    di = jnp.minimum(deg_ref[...], _NDEG - 1)
    h2 = _deg_update(p2_ref[...], pa_ref[...], di, h2a_ref, h2b_ref, _OUT1)
    r = (_softmax_colsum(hin_ref[...], wr0_ref)
         + _softmax_colsum(h1_ref[...], wr1_ref)
         + _softmax_colsum(h2, wr2_ref))

    @pl.when(i == 0)
    def _():
        racc_ref[...] = r

    @pl.when(i > 0)
    def _():
        racc_ref[...] = racc_ref[...] + r

    @pl.when(i == pl.num_programs(0) - 1)
    def _():
        out_ref[...] = (jnp.dot(racc_ref[...], wout_ref[...],
                                preferred_element_type=jnp.float32)
                        + bout_ref[...])


def _tc2(agg2, agg_a, deg, h_in, h1, h2a, h2b, Wr0, Wr1, Wr2, Wout, bout2):
    grid = (_N // _BN,)
    return pl.pallas_call(
        _tc2_body,
        grid=grid,
        in_specs=[
            pl.BlockSpec((_BN, _OUT0), lambda i: (i, 0)),
            pl.BlockSpec((_BN, _DE), lambda i: (i, 0)),
            pl.BlockSpec((_BN, 1), lambda i: (i, 0)),
            pl.BlockSpec((_BN, _D), lambda i: (i, 0)),
            pl.BlockSpec((_BN, _OUT0), lambda i: (i, 0)),
            pl.BlockSpec(h2a.shape, lambda i: (0, 0, 0)),
            pl.BlockSpec(h2b.shape, lambda i: (0, 0, 0)),
            pl.BlockSpec(Wr0.shape, lambda i: (0, 0)),
            pl.BlockSpec(Wr1.shape, lambda i: (0, 0)),
            pl.BlockSpec(Wr2.shape, lambda i: (0, 0)),
            pl.BlockSpec(Wout.shape, lambda i: (0, 0)),
            pl.BlockSpec((1, _LT), lambda i: (0, 0)),
        ],
        out_specs=pl.BlockSpec((1, _LT), lambda i: (0, 0)),
        out_shape=jax.ShapeDtypeStruct((1, _LT), jnp.float32),
        scratch_shapes=[pltpu.VMEM((1, _OUT2), jnp.float32)],
    )(agg2, agg_a, deg, h_in, h1, h2a, h2b, Wr0, Wr1, Wr2, Wout, bout2)


def kernel(h_in, edge_index, edge_attr, H1, H2, Wr0, Wr1, Wr2, Wout, bout):
    src = edge_index[0]
    dst = edge_index[1]

    m1 = jnp.concatenate(
        [jnp.take(h_in, src, axis=0), edge_attr,
         jnp.ones((_E, 1), jnp.float32)], axis=1)
    agg1 = jax.ops.segment_sum(m1, dst, num_segments=_N)
    agg_h = agg1[:, :_D]
    agg_a = agg1[:, _D:_D + _DE]
    deg = agg1[:, _D + _DE:].astype(jnp.int32)

    h1a, h1b = H1[:, :_D, :], H1[:, _D:, :]
    h1 = _tc1(agg_h, agg_a, deg, h1a, h1b)

    agg2 = jax.ops.segment_sum(jnp.take(h1, src, axis=0), dst,
                               num_segments=_N)

    h2a, h2b = H2[:, :_OUT0, :], H2[:, _OUT0:, :]
    out = _tc2(agg2, agg_a, deg, h_in, h1, h2a, h2b,
               Wr0, Wr1, Wr2, Wout, bout.reshape(1, _LT))
    return out.reshape(_LT)

# --- scband reference (transcript-rebuilt; emitter-appended) ---
"""Pipeline reference for scband-nmp-27376121544811 (READ-ONLY COPY).

The authoritative reference and input builder live on the scoring server;
editing this copy changes nothing except your own understanding.
"""

import jax, jax.numpy as jnp
import numpy as np

N, E, D, DE = 10000, 320000, 128, 4
OUT0, OUT1, OUT2, L_TARGET, N_DEG = 64, 64, 128, 12, 64

def setup_inputs(seed: int = 0):
    key = jax.random.key(seed)
    ks = jax.random.split(key, 12)
    h_in = jax.random.normal(ks[0], (N, D), dtype=jnp.float32)
    edge_index = jax.random.randint(ks[1], (2, E), 0, N, dtype=jnp.int32)
    edge_attr = jax.random.normal(ks[2], (E, DE), dtype=jnp.float32)
    H1 = jax.random.normal(ks[3], (N_DEG, D + DE, OUT0), dtype=jnp.float32) / np.sqrt(D + DE)
    H2 = jax.random.normal(ks[4], (N_DEG, OUT0 + DE, OUT1), dtype=jnp.float32) / np.sqrt(OUT0 + DE)
    Wr0 = jax.random.normal(ks[5], (D, OUT2), dtype=jnp.float32) / np.sqrt(D)
    Wr1 = jax.random.normal(ks[6], (OUT0, OUT2), dtype=jnp.float32) / np.sqrt(OUT0)
    Wr2 = jax.random.normal(ks[7], (OUT1, OUT2), dtype=jnp.float32) / np.sqrt(OUT1)
    Wout = jax.random.normal(ks[8], (OUT2, L_TARGET), dtype=jnp.float32) / np.sqrt(OUT2)
    bout = jnp.zeros((L_TARGET,), dtype=jnp.float32)
    return {"h_in": h_in, "edge_index": edge_index, "edge_attr": edge_attr, "H1": H1, "H2": H2, "Wr0": Wr0, "Wr1": Wr1, "Wr2": Wr2, "Wout": Wout, "bout": bout}

def reference(h_in, edge_index, edge_attr, H1, H2, Wr0, Wr1, Wr2, Wout, bout):
    # Duvenaud NMP: message m_vw = concat(h_w, e_vw); aggregate by scatter-add over dst;
    # update h_v = sigmoid(agg_v @ H[deg(v)]) with degree-bucketed weights;
    # readout r = sum_layers sum_nodes softmax(h^l @ Wr_l), then linear to target.
    src, dst = edge_index[0], edge_index[1]
    n = h_in.shape[0]
    deg = jnp.zeros((n,), jnp.int32).at[dst].add(1)
    deg_idx = jnp.clip(deg, 0, H1.shape[0] - 1)

    def mp(h, H):
        m = jnp.concatenate([jnp.take(h, src, axis=0), edge_attr], axis=1)  # [E, in+de] gather
        agg = jax.ops.segment_sum(m, dst, num_segments=n)                   # [N, in+de] scatter-add
        Wd = jnp.take(H, deg_idx, axis=0)                                   # [N, in+de, out] gather
        return jax.nn.sigmoid(jnp.einsum('ni,nio->no', agg, Wd))

    h1 = mp(h_in, H1)
    h2 = mp(h1, H2)
    r = (jnp.sum(jax.nn.softmax(h_in @ Wr0, axis=-1), axis=0)
         + jnp.sum(jax.nn.softmax(h1 @ Wr1, axis=-1), axis=0)
         + jnp.sum(jax.nn.softmax(h2 @ Wr2, axis=-1), axis=0))
    return r @ Wout + bout

if __name__ == "__main__":
    import jax
    _d = setup_inputs()
    print(jax.jit(kernel)(*tuple(_d.values())))

</pallas_src>

<mosaic_0001>
module attributes {stable_mosaic.version = 14 : i64} {
  func.func @_tc1_body(%arg0: i32, %arg1: memref<2000x128xf32, #tpu.memory_space<vmem>>, %arg2: memref<2000x4xf32, #tpu.memory_space<vmem>>, %arg3: memref<2000x1xi32, #tpu.memory_space<vmem>>, %arg4: memref<64x128x64xf32, #tpu.memory_space<vmem>>, %arg5: memref<64x4x64xf32, #tpu.memory_space<vmem>>, %arg6: memref<2000x64xf32, #tpu.memory_space<vmem>>) attributes {dimension_semantics = [#tpu.dimension_semantics<arbitrary>], iteration_bounds = array<i64: 5>, scalar_prefetch = 0 : i64, scratch_operands = 0 : i64, tpu.core_type = #tpu.core_type<tc>, window_params = [{transform_indices = @transform_0, window_bounds = array<i64: 2000, 128>}, {transform_indices = @transform_1, window_bounds = array<i64: 2000, 4>}, {transform_indices = @transform_2, window_bounds = array<i64: 2000, 1>}, {pipeline_mode = #tpu.pipeline_mode<synchronous>, transform_indices = @transform_3, window_bounds = array<i64: 64, 128, 64>}, {pipeline_mode = #tpu.pipeline_mode<synchronous>, transform_indices = @transform_4, window_bounds = array<i64: 64, 4, 64>}, {transform_indices = @transform_5, window_bounds = array<i64: 2000, 64>}]} {
    %get3A = arith.constant 0 : index
    %get3A_0 = arith.constant 0 : index
    %get3A_1 = vector.load %arg3[%get3A, %get3A_0] : memref<2000x1xi32, #tpu.memory_space<vmem>>, vector<2000x1xi32>
    %min3A = arith.constant 63 : i32
    %min3A_2 = vector.broadcast %min3A : i32 to vector<2000x1xi32>
    %min3A_3 = arith.minsi %get3A_1, %min3A_2 : vector<2000x1xi32>
    %get3A_4 = arith.constant 0 : index
    %get3A_5 = arith.constant 0 : index
    %get3A_6 = vector.load %arg1[%get3A_4, %get3A_5] : memref<2000x128xf32, #tpu.memory_space<vmem>>, vector<2000x128xf32>
    %get3A_7 = arith.constant 0 : index
    %get3A_8 = arith.constant 0 : index
    %get3A_9 = vector.load %arg2[%get3A_7, %get3A_8] : memref<2000x4xf32, #tpu.memory_space<vmem>>, vector<2000x4xf32>
    %broadcast_in_dim3A = arith.constant 0.000000e+00 : f32
    %broadcast_in_dim3A_10 = vector.broadcast %broadcast_in_dim3A : f32 to vector<2000x64xf32>
    %scan3A = arith.constant 0 : i32
    %scan3A_11 = arith.constant 64 : i32
    %scan3A_12 = arith.addi %scan3A, %scan3A_11 : i32
    %scan3A_13 = arith.constant 1 : i32
    %scan3A_14 = scf.for %scan3A_23 = %scan3A to %scan3A_12 step %scan3A_13 iter_args(%scan3A_24 = %broadcast_in_dim3A_10) -> (vector<2000x64xf32>)  : i32 {
      %eq3A = vector.broadcast %scan3A_23 : i32 to vector<2000x1xi32>
      %eq3A_25 = arith.cmpi eq, %min3A_3, %eq3A : vector<2000x1xi32>
      %jit3A = arith.constant 0.000000e+00 : f32
      %broadcast_in_dim3A_26 = vector.shape_cast %eq3A_25 : vector<2000x1xi1> to vector<2000x1xi1>
      %broadcast_in_dim3A_27 = vector.broadcast %broadcast_in_dim3A_26 : vector<2000x1xi1> to vector<2000x128xi1>
      %broadcast_in_dim3A_28 = vector.broadcast %jit3A : f32 to vector<2000x128xf32>
      %select_n3A = arith.select %broadcast_in_dim3A_27, %get3A_6, %broadcast_in_dim3A_28 : vector<2000x128xi1>, vector<2000x128xf32>
      %jit3A_29 = arith.constant 0.000000e+00 : f32
      %broadcast_in_dim3A_30 = vector.shape_cast %eq3A_25 : vector<2000x1xi1> to vector<2000x1xi1>
      %broadcast_in_dim3A_31 = vector.broadcast %broadcast_in_dim3A_30 : vector<2000x1xi1> to vector<2000x4xi1>
      %broadcast_in_dim3A_32 = vector.broadcast %jit3A_29 : f32 to vector<2000x4xf32>
      %select_n3A_33 = arith.select %broadcast_in_dim3A_31, %get3A_9, %broadcast_in_dim3A_32 : vector<2000x4xi1>, vector<2000x4xf32>
      %get3A_34 = arith.index_cast %scan3A_23 : i32 to index
      %get3A_35 = arith.constant 0 : index
      %get3A_36 = arith.constant 0 : index
      %get3A_37 = vector.load %arg4[%get3A_34, %get3A_35, %get3A_36] : memref<64x128x64xf32, #tpu.memory_space<vmem>>, vector<1x128x64xf32>
      %get3A_38 = vector.shape_cast %get3A_37 : vector<1x128x64xf32> to vector<128x64xf32>
      %dot_general3A = arith.constant dense<0.000000e+00> : vector<2000x64xf32>
      %dot_general3A_39 = tpu.matmul %select_n3A, %get3A_38, %dot_general3A {dimension_numbers = #tpu.dot_dimension_numbers<[1], [0], [0], [1], [0, 0, 1, 1], [], []>, transpose_lhs_hint = false} : vector<2000x128xf32>, vector<128x64xf32>, vector<2000x64xf32> -> vector<2000x64xf32>
      %add3A = arith.addf %scan3A_24, %dot_general3A_39 : vector<2000x64xf32>
      %get3A_40 = arith.index_cast %scan3A_23 : i32 to index
      %get3A_41 = arith.constant 0 : index
      %get3A_42 = arith.constant 0 : index
      %get3A_43 = vector.load %arg5[%get3A_40, %get3A_41, %get3A_42] : memref<64x4x64xf32, #tpu.memory_space<vmem>>, vector<1x4x64xf32>
      %get3A_44 = vector.shape_cast %get3A_43 : vector<1x4x64xf32> to vector<4x64xf32>
      %dot_general3A_45 = arith.constant dense<0.000000e+00> : vector<2000x64xf32>
      %dot_general3A_46 = tpu.matmul %select_n3A_33, %get3A_44, %dot_general3A_45 {dimension_numbers = #tpu.dot_dimension_numbers<[1], [0], [0], [1], [0, 0, 1, 1], [], []>, transpose_lhs_hint = false} : vector<2000x4xf32>, vector<4x64xf32>, vector<2000x64xf32> -> vector<2000x64xf32>
      %add3A_47 = arith.addf %add3A, %dot_general3A_46 : vector<2000x64xf32>
      scf.yield %add3A_47 : vector<2000x64xf32>
    }
    %scan3A_15 = arith.constant 64 : i32
    %logistic3A = arith.negf %scan3A_14 : vector<2000x64xf32>
    %logistic3A_16 = math.exp %logistic3A : vector<2000x64xf32>
    %logistic3A_17 = arith.constant 1.000000e+00 : f32
    %logistic3A_18 = vector.broadcast %logistic3A_17 : f32 to vector<2000x64xf32>
    %logistic3A_19 = arith.addf %logistic3A_18, %logistic3A_16 : vector<2000x64xf32>
    %logistic3A_20 = arith.divf %logistic3A_18, %logistic3A_19 : vector<2000x64xf32>
    %swap3A = arith.constant 0 : index
    %swap3A_21 = arith.constant 0 : index
    %swap3A_22 = vector.load %arg6[%swap3A, %swap3A_21] : memref<2000x64xf32, #tpu.memory_space<vmem>>, vector<2000x64xf32>
    tpu.vector_store %arg6[%swap3A, %swap3A_21], %logistic3A_20 {strides = array<i32>} : memref<2000x64xf32, #tpu.memory_space<vmem>>, vector<2000x64xf32>,
    return
  }
  func.func @transform_0(%arg0: i32) -> (i32, i32) {
    %c0_i32 = arith.constant 0 : i32
    %c0_i32_0 = arith.constant 0 : i32
    return %arg0, %c0_i32 : i32, i32
  }
  func.func @transform_1(%arg0: i32) -> (i32, i32) {
    %c0_i32 = arith.constant 0 : i32
    %c0_i32_0 = arith.constant 0 : i32
    return %arg0, %c0_i32 : i32, i32
  }
  func.func @transform_2(%arg0: i32) -> (i32, i32) {
    %c0_i32 = arith.constant 0 : i32
    %c0_i32_0 = arith.constant 0 : i32
    return %arg0, %c0_i32 : i32, i32
  }
  func.func @transform_3(%arg0: i32) -> (i32, i32, i32) {
    %c0_i32 = arith.constant 0 : i32
    %c0_i32_0 = arith.constant 0 : i32
    %c0_i32_1 = arith.constant 0 : i32
    %c0_i32_2 = arith.constant 0 : i32
    return %c0_i32, %c0_i32_0, %c0_i32_1 : i32, i32, i32
  }
  func.func @transform_4(%arg0: i32) -> (i32, i32, i32) {
    %c0_i32 = arith.constant 0 : i32
    %c0_i32_0 = arith.constant 0 : i32
    %c0_i32_1 = arith.constant 0 : i32
    %c0_i32_2 = arith.constant 0 : i32
    return %c0_i32, %c0_i32_0, %c0_i32_1 : i32, i32, i32
  }
  func.func @transform_5(%arg0: i32) -> (i32, i32) {
    %c0_i32 = arith.constant 0 : i32
    %c0_i32_0 = arith.constant 0 : i32
    return %arg0, %c0_i32 : i32, i32
  }
}

module attributes {stable_mosaic.version = 14 : i64} {
  func.func @_tc2_body(%arg0: i32, %arg1: memref<2000x64xf32, #tpu.memory_space<vmem>>, %arg2: memref<2000x4xf32, #tpu.memory_space<vmem>>, %arg3: memref<2000x1xi32, #tpu.memory_space<vmem>>, %arg4: memref<2000x128xf32, #tpu.memory_space<vmem>>, %arg5: memref<2000x64xf32, #tpu.memory_space<vmem>>, %arg6: memref<64x64x64xf32, #tpu.memory_space<vmem>>, %arg7: memref<64x4x64xf32, #tpu.memory_space<vmem>>, %arg8: memref<128x128xf32, #tpu.memory_space<vmem>>, %arg9: memref<64x128xf32, #tpu.memory_space<vmem>>, %arg10: memref<64x128xf32, #tpu.memory_space<vmem>>, %arg11: memref<128x12xf32, #tpu.memory_space<vmem>>, %arg12: memref<1x12xf32, #tpu.memory_space<vmem>>, %arg13: memref<1x12xf32, #tpu.memory_space<vmem>>, %arg14: memref<1x128xf32, #tpu.memory_space<vmem>>) attributes {dimension_semantics = [#tpu.dimension_semantics<arbitrary>], iteration_bounds = array<i64: 5>, scalar_prefetch = 0 : i64, scratch_operands = 1 : i64, tpu.core_type = #tpu.core_type<tc>, window_params = [{transform_indices = @transform_0, window_bounds = array<i64: 2000, 64>}, {transform_indices = @transform_1, window_bounds = array<i64: 2000, 4>}, {transform_indices = @transform_2, window_bounds = array<i64: 2000, 1>}, {transform_indices = @transform_3, window_bounds = array<i64: 2000, 128>}, {transform_indices = @transform_4, window_bounds = array<i64: 2000, 64>}, {pipeline_mode = #tpu.pipeline_mode<synchronous>, transform_indices = @transform_5, window_bounds = array<i64: 64, 64, 64>}, {pipeline_mode = #tpu.pipeline_mode<synchronous>, transform_indices = @transform_6, window_bounds = array<i64: 64, 4, 64>}, {pipeline_mode = #tpu.pipeline_mode<synchronous>, transform_indices = @transform_7, window_bounds = array<i64: 128, 128>}, {pipeline_mode = #tpu.pipeline_mode<synchronous>, transform_indices = @transform_8, window_bounds = array<i64: 64, 128>}, {pipeline_mode = #tpu.pipeline_mode<synchronous>, transform_indices = @transform_9, window_bounds = array<i64: 64, 128>}, {pipeline_mode = #tpu.pipeline_mode<synchronous>, transform_indices = @transform_10, window_bounds = array<i64: 128, 12>}, {pipeline_mode = #tpu.pipeline_mode<synchronous>, transform_indices = @transform_11, window_bounds = array<i64: 1, 12>}, {pipeline_mode = #tpu.pipeline_mode<synchronous>, transform_indices = @transform_12, window_bounds = array<i64: 1, 12>}]} {
    %get3A = arith.constant 0 : index
    %get3A_0 = arith.constant 0 : index
    %get3A_1 = vector.load %arg3[%get3A, %get3A_0] : memref<2000x1xi32, #tpu.memory_space<vmem>>, vector<2000x1xi32>
    %min3A = arith.constant 63 : i32
    %min3A_2 = vector.broadcast %min3A : i32 to vector<2000x1xi32>
    %min3A_3 = arith.minsi %get3A_1, %min3A_2 : vector<2000x1xi32>
    %get3A_4 = arith.constant 0 : index
    %get3A_5 = arith.constant 0 : index
    %get3A_6 = vector.load %arg1[%get3A_4, %get3A_5] : memref<2000x64xf32, #tpu.memory_space<vmem>>, vector<2000x64xf32>
    %get3A_7 = arith.constant 0 : index
    %get3A_8 = arith.constant 0 : index
    %get3A_9 = vector.load %arg2[%get3A_7, %get3A_8] : memref<2000x4xf32, #tpu.memory_space<vmem>>, vector<2000x4xf32>
    %broadcast_in_dim3A = arith.constant 0.000000e+00 : f32
    %broadcast_in_dim3A_10 = vector.broadcast %broadcast_in_dim3A : f32 to vector<2000x64xf32>
    %scan3A = arith.constant 0 : i32
    %scan3A_11 = arith.constant 64 : i32
    %scan3A_12 = arith.addi %scan3A, %scan3A_11 : i32
    %scan3A_13 = arith.constant 1 : i32
    %scan3A_14 = scf.for %scan3A_90 = %scan3A to %scan3A_12 step %scan3A_13 iter_args(%scan3A_91 = %broadcast_in_dim3A_10) -> (vector<2000x64xf32>)  : i32 {
      %eq3A_92 = vector.broadcast %scan3A_90 : i32 to vector<2000x1xi32>
      %eq3A_93 = arith.cmpi eq, %min3A_3, %eq3A_92 : vector<2000x1xi32>
      %jit3A = arith.constant 0.000000e+00 : f32
      %broadcast_in_dim3A_94 = vector.shape_cast %eq3A_93 : vector<2000x1xi1> to vector<2000x1xi1>
      %broadcast_in_dim3A_95 = vector.broadcast %broadcast_in_dim3A_94 : vector<2000x1xi1> to vector<2000x64xi1>
      %broadcast_in_dim3A_96 = vector.broadcast %jit3A : f32 to vector<2000x64xf32>
      %select_n3A = arith.select %broadcast_in_dim3A_95, %get3A_6, %broadcast_in_dim3A_96 : vector<2000x64xi1>, vector<2000x64xf32>
      %jit3A_97 = arith.constant 0.000000e+00 : f32
      %broadcast_in_dim3A_98 = vector.shape_cast %eq3A_93 : vector<2000x1xi1> to vector<2000x1xi1>
      %broadcast_in_dim3A_99 = vector.broadcast %broadcast_in_dim3A_98 : vector<2000x1xi1> to vector<2000x4xi1>
      %broadcast_in_dim3A_100 = vector.broadcast %jit3A_97 : f32 to vector<2000x4xf32>
      %select_n3A_101 = arith.select %broadcast_in_dim3A_99, %get3A_9, %broadcast_in_dim3A_100 : vector<2000x4xi1>, vector<2000x4xf32>
      %get3A_102 = arith.index_cast %scan3A_90 : i32 to index
      %get3A_103 = arith.constant 0 : index
      %get3A_104 = arith.constant 0 : index
      %get3A_105 = vector.load %arg6[%get3A_102, %get3A_103, %get3A_104] : memref<64x64x64xf32, #tpu.memory_space<vmem>>, vector<1x64x64xf32>
      %get3A_106 = vector.shape_cast %get3A_105 : vector<1x64x64xf32> to vector<64x64xf32>
      %dot_general3A_107 = arith.constant dense<0.000000e+00> : vector<2000x64xf32>
      %dot_general3A_108 = tpu.matmul %select_n3A, %get3A_106, %dot_general3A_107 {dimension_numbers = #tpu.dot_dimension_numbers<[1], [0], [0], [1], [0, 0, 1, 1], [], []>, transpose_lhs_hint = false} : vector<2000x64xf32>, vector<64x64xf32>, vector<2000x64xf32> -> vector<2000x64xf32>
      %add3A_109 = arith.addf %scan3A_91, %dot_general3A_108 : vector<2000x64xf32>
      %get3A_110 = arith.index_cast %scan3A_90 : i32 to index
      %get3A_111 = arith.constant 0 : index
      %get3A_112 = arith.constant 0 : index
      %get3A_113 = vector.load %arg7[%get3A_110, %get3A_111, %get3A_112] : memref<64x4x64xf32, #tpu.memory_space<vmem>>, vector<1x4x64xf32>
      %get3A_114 = vector.shape_cast %get3A_113 : vector<1x4x64xf32> to vector<4x64xf32>
      %dot_general3A_115 = arith.constant dense<0.000000e+00> : vector<2000x64xf32>
      %dot_general3A_116 = tpu.matmul %select_n3A_101, %get3A_114, %dot_general3A_115 {dimension_numbers = #tpu.dot_dimension_numbers<[1], [0], [0], [1], [0, 0, 1, 1], [], []>, transpose_lhs_hint = false} : vector<2000x4xf32>, vector<4x64xf32>, vector<2000x64xf32> -> vector<2000x64xf32>
      %add3A_117 = arith.addf %add3A_109, %dot_general3A_116 : vector<2000x64xf32>
      scf.yield %add3A_117 : vector<2000x64xf32>
    }
    %scan3A_15 = arith.constant 64 : i32
    %logistic3A = arith.negf %scan3A_14 : vector<2000x64xf32>
    %logistic3A_16 = math.exp %logistic3A : vector<2000x64xf32>
    %logistic3A_17 = arith.constant 1.000000e+00 : f32
    %logistic3A_18 = vector.broadcast %logistic3A_17 : f32 to vector<2000x64xf32>
    %logistic3A_19 = arith.addf %logistic3A_18, %logistic3A_16 : vector<2000x64xf32>
    %logistic3A_20 = arith.divf %logistic3A_18, %logistic3A_19 : vector<2000x64xf32>
    %get3A_21 = arith.constant 0 : index
    %get3A_22 = arith.constant 0 : index
    %get3A_23 = vector.load %arg4[%get3A_21, %get3A_22] : memref<2000x128xf32, #tpu.memory_space<vmem>>, vector<2000x128xf32>
    %get3A_24 = arith.constant 0 : index
    %get3A_25 = arith.constant 0 : index
    %get3A_26 = vector.load %arg8[%get3A_24, %get3A_25] : memref<128x128xf32, #tpu.memory_space<vmem>>, vector<128x128xf32>
    %dot_general3A = arith.constant dense<0.000000e+00> : vector<2000x128xf32>
    %dot_general3A_27 = tpu.matmul %get3A_23, %get3A_26, %dot_general3A {dimension_numbers = #tpu.dot_dimension_numbers<[1], [0], [0], [1], [0, 0, 1, 1], [], []>, transpose_lhs_hint = false} : vector<2000x128xf32>, vector<128x128xf32>, vector<2000x128xf32> -> vector<2000x128xf32>
    %reduce_max3A = arith.constant dense<0xFF800000> : vector<2000xf32>
    %reduce_max3A_28 = vector.multi_reduction <maximumf>, %dot_general3A_27, %reduce_max3A [1] : vector<2000x128xf32> to vector<2000xf32>
    %broadcast_in_dim3A_29 = vector.shape_cast %reduce_max3A_28 : vector<2000xf32> to vector<2000x1xf32>
    %sub3A = vector.broadcast %broadcast_in_dim3A_29 : vector<2000x1xf32> to vector<2000x128xf32>
    %sub3A_30 = arith.subf %dot_general3A_27, %sub3A : vector<2000x128xf32>
    %exp3A = math.exp %sub3A_30 : vector<2000x128xf32>
    %reduce_sum3A = arith.constant dense<0.000000e+00> : vector<2000xf32>
    %reduce_sum3A_31 = vector.multi_reduction <add>, %exp3A, %reduce_sum3A [1] : vector<2000x128xf32> to vector<2000xf32>
    %broadcast_in_dim3A_32 = vector.shape_cast %reduce_sum3A_31 : vector<2000xf32> to vector<2000x1xf32>
    %div3A = vector.broadcast %broadcast_in_dim3A_32 : vector<2000x1xf32> to vector<2000x128xf32>
    %div3A_33 = arith.divf %exp3A, %div3A : vector<2000x128xf32>
    %reduce_sum3A_34 = arith.constant dense<0.000000e+00> : vector<128xf32>
    %reduce_sum3A_35 = vector.multi_reduction <add>, %div3A_33, %reduce_sum3A_34 [0] : vector<2000x128xf32> to vector<128xf32>
    %broadcast_in_dim3A_36 = vector.shape_cast %reduce_sum3A_35 : vector<128xf32> to vector<1x128xf32>
    %get3A_37 = arith.constant 0 : index
    %get3A_38 = arith.constant 0 : index
    %get3A_39 = vector.load %arg5[%get3A_37, %get3A_38] : memref<2000x64xf32, #tpu.memory_space<vmem>>, vector<2000x64xf32>
    %get3A_40 = arith.constant 0 : index
    %get3A_41 = arith.constant 0 : index
    %get3A_42 = vector.load %arg9[%get3A_40, %get3A_41] : memref<64x128xf32, #tpu.memory_space<vmem>>, vector<64x128xf32>
    %dot_general3A_43 = arith.constant dense<0.000000e+00> : vector<2000x128xf32>
    %dot_general3A_44 = tpu.matmul %get3A_39, %get3A_42, %dot_general3A_43 {dimension_numbers = #tpu.dot_dimension_numbers<[1], [0], [0], [1], [0, 0, 1, 1], [], []>, transpose_lhs_hint = false} : vector<2000x64xf32>, vector<64x128xf32>, vector<2000x128xf32> -> vector<2000x128xf32>
    %reduce_max3A_45 = arith.constant dense<0xFF800000> : vector<2000xf32>
    %reduce_max3A_46 = vector.multi_reduction <maximumf>, %dot_general3A_44, %reduce_max3A_45 [1] : vector<2000x128xf32> to vector<2000xf32>
    %broadcast_in_dim3A_47 = vector.shape_cast %reduce_max3A_46 : vector<2000xf32> to vector<2000x1xf32>
    %sub3A_48 = vector.broadcast %broadcast_in_dim3A_47 : vector<2000x1xf32> to vector<2000x128xf32>
    %sub3A_49 = arith.subf %dot_general3A_44, %sub3A_48 : vector<2000x128xf32>
    %exp3A_50 = math.exp %sub3A_49 : vector<2000x128xf32>
    %reduce_sum3A_51 = arith.constant dense<0.000000e+00> : vector<2000xf32>
    %reduce_sum3A_52 = vector.multi_reduction <add>, %exp3A_50, %reduce_sum3A_51 [1] : vector<2000x128xf32> to vector<2000xf32>
    %broadcast_in_dim3A_53 = vector.shape_cast %reduce_sum3A_52 : vector<2000xf32> to vector<2000x1xf32>
    %div3A_54 = vector.broadcast %broadcast_in_dim3A_53 : vector<2000x1xf32> to vector<2000x128xf32>
    %div3A_55 = arith.divf %exp3A_50, %div3A_54 : vector<2000x128xf32>
    %reduce_sum3A_56 = arith.constant dense<0.000000e+00> : vector<128xf32>
    %reduce_sum3A_57 = vector.multi_reduction <add>, %div3A_55, %reduce_sum3A_56 [0] : vector<2000x128xf32> to vector<128xf32>
    %broadcast_in_dim3A_58 = vector.shape_cast %reduce_sum3A_57 : vector<128xf32> to vector<1x128xf32>
    %add3A = arith.addf %broadcast_in_dim3A_36, %broadcast_in_dim3A_58 : vector<1x128xf32>
    %get3A_59 = arith.constant 0 : index
    %get3A_60 = arith.constant 0 : index
    %get3A_61 = vector.load %arg10[%get3A_59, %get3A_60] : memref<64x128xf32, #tpu.memory_space<vmem>>, vector<64x128xf32>
    %dot_general3A_62 = arith.constant dense<0.000000e+00> : vector<2000x128xf32>
    %dot_general3A_63 = tpu.matmul %logistic3A_20, %get3A_61, %dot_general3A_62 {dimension_numbers = #tpu.dot_dimension_numbers<[1], [0], [0], [1], [0, 0, 1, 1], [], []>, transpose_lhs_hint = false} : vector<2000x64xf32>, vector<64x128xf32>, vector<2000x128xf32> -> vector<2000x128xf32>
    %reduce_max3A_64 = arith.constant dense<0xFF800000> : vector<2000xf32>
    %reduce_max3A_65 = vector.multi_reduction <maximumf>, %dot_general3A_63, %reduce_max3A_64 [1] : vector<2000x128xf32> to vector<2000xf32>
    %broadcast_in_dim3A_66 = vector.shape_cast %reduce_max3A_65 : vector<2000xf32> to vector<2000x1xf32>
    %sub3A_67 = vector.broadcast %broadcast_in_dim3A_66 : vector<2000x1xf32> to vector<2000x128xf32>
    %sub3A_68 = arith.subf %dot_general3A_63, %sub3A_67 : vector<2000x128xf32>
    %exp3A_69 = math.exp %sub3A_68 : vector<2000x128xf32>
    %reduce_sum3A_70 = arith.constant dense<0.000000e+00> : vector<2000xf32>
    %reduce_sum3A_71 = vector.multi_reduction <add>, %exp3A_69, %reduce_sum3A_70 [1] : vector<2000x128xf32> to vector<2000xf32>
    %broadcast_in_dim3A_72 = vector.shape_cast %reduce_sum3A_71 : vector<2000xf32> to vector<2000x1xf32>
    %div3A_73 = vector.broadcast %broadcast_in_dim3A_72 : vector<2000x1xf32> to vector<2000x128xf32>
    %div3A_74 = arith.divf %exp3A_69, %div3A_73 : vector<2000x128xf32>
    %reduce_sum3A_75 = arith.constant dense<0.000000e+00> : vector<128xf32>
    %reduce_sum3A_76 = vector.multi_reduction <add>, %div3A_74, %reduce_sum3A_75 [0] : vector<2000x128xf32> to vector<128xf32>
    %broadcast_in_dim3A_77 = vector.shape_cast %reduce_sum3A_76 : vector<128xf32> to vector<1x128xf32>
    %add3A_78 = arith.addf %add3A, %broadcast_in_dim3A_77 : vector<1x128xf32>
    %eq3A = arith.constant 0 : i32
    %eq3A_79 = arith.cmpi eq, %arg0, %eq3A : i32
    %convert_element_type3A = arith.extui %eq3A_79 : i1 to i32
    %cond3A = arith.constant 0 : i32
    %cond3A_80 = arith.cmpi ne, %convert_element_type3A, %cond3A : i32
    scf.if %cond3A_80 {
      %swap3A = arith.constant 0 : index
      %swap3A_90 = arith.constant 0 : index
      %swap3A_91 = vector.load %arg14[%swap3A, %swap3A_90] : memref<1x128xf32, #tpu.memory_space<vmem>>, vector<1x128xf32>
      tpu.vector_store %arg14[%swap3A, %swap3A_90], %add3A_78 {strides = array<i32>} : memref<1x128xf32, #tpu.memory_space<vmem>>, vector<1x128xf32>,
    } else {
    }
    %gt3A = arith.constant 0 : i32
    %gt3A_81 = arith.cmpi sgt, %arg0, %gt3A : i32
    %convert_element_type3A_82 = arith.extui %gt3A_81 : i1 to i32
    %cond3A_83 = arith.constant 0 : i32
    %cond3A_84 = arith.cmpi ne, %convert_element_type3A_82, %cond3A_83 : i32
    scf.if %cond3A_84 {
      %get3A_90 = arith.constant 0 : index
      %get3A_91 = arith.constant 0 : index
      %get3A_92 = vector.load %arg14[%get3A_90, %get3A_91] : memref<1x128xf32, #tpu.memory_space<vmem>>, vector<1x128xf32>
      %add3A_93 = arith.addf %get3A_92, %add3A_78 : vector<1x128xf32>
      %swap3A = arith.constant 0 : index
      %swap3A_94 = arith.constant 0 : index
      %swap3A_95 = vector.load %arg14[%swap3A, %swap3A_94] : memref<1x128xf32, #tpu.memory_space<vmem>>, vector<1x128xf32>
      tpu.vector_store %arg14[%swap3A, %swap3A_94], %add3A_93 {strides = array<i32>} : memref<1x128xf32, #tpu.memory_space<vmem>>, vector<1x128xf32>,
    } else {
    }
    %eq3A_85 = arith.constant 4 : i32
    %eq3A_86 = arith.cmpi eq, %arg0, %eq3A_85 : i32
    %convert_element_type3A_87 = arith.extui %eq3A_86 : i1 to i32
    %cond3A_88 = arith.constant 0 : i32
    %cond3A_89 = arith.cmpi ne, %convert_element_type3A_87, %cond3A_88 : i32
    scf.if %cond3A_89 {
      %get3A_90 = arith.constant 0 : index
      %get3A_91 = arith.constant 0 : index
      %get3A_92 = vector.load %arg14[%get3A_90, %get3A_91] : memref<1x128xf32, #tpu.memory_space<vmem>>, vector<1x128xf32>
      %get3A_93 = arith.constant 0 : index
      %get3A_94 = arith.constant 0 : index
      %get3A_95 = vector.load %arg11[%get3A_93, %get3A_94] : memref<128x12xf32, #tpu.memory_space<vmem>>, vector<128x12xf32>
      %dot_general3A_96 = arith.constant dense<0.000000e+00> : vector<1x12xf32>
      %dot_general3A_97 = tpu.matmul %get3A_92, %get3A_95, %dot_general3A_96 {dimension_numbers = #tpu.dot_dimension_numbers<[1], [0], [0], [1], [0, 0, 1, 1], [], []>, transpose_lhs_hint = false} : vector<1x128xf32>, vector<128x12xf32>, vector<1x12xf32> -> vector<1x12xf32>
      %get3A_98 = arith.constant 0 : index
      %get3A_99 = arith.constant 0 : index
      %get3A_100 = vector.load %arg12[%get3A_98, %get3A_99] : memref<1x12xf32, #tpu.memory_space<vmem>>, vector<1x12xf32>
      %add3A_101 = arith.addf %dot_general3A_97, %get3A_100 : vector<1x12xf32>
      %swap3A = arith.constant 0 : index
      %swap3A_102 = arith.constant 0 : index
      %swap3A_103 = vector.load %arg13[%swap3A, %swap3A_102] : memref<1x12xf32, #tpu.memory_space<vmem>>, vector<1x12xf32>
      tpu.vector_store %arg13[%swap3A, %swap3A_102], %add3A_101 {strides = array<i32>} : memref<1x12xf32, #tpu.memory_space<vmem>>, vector<1x12xf32>,
    } else {
    }
    return
  }
  func.func @transform_0(%arg0: i32) -> (i32, i32) {
    %c0_i32 = arith.constant 0 : i32
    %c0_i32_0 = arith.constant 0 : i32
    return %arg0, %c0_i32 : i32, i32
  }
  func.func @transform_1(%arg0: i32) -> (i32, i32) {
    %c0_i32 = arith.constant 0 : i32
    %c0_i32_0 = arith.constant 0 : i32
    return %arg0, %c0_i32 : i32, i32
  }
  func.func @transform_2(%arg0: i32) -> (i32, i32) {
    %c0_i32 = arith.constant 0 : i32
    %c0_i32_0 = arith.constant 0 : i32
    return %arg0, %c0_i32 : i32, i32
  }
  func.func @transform_3(%arg0: i32) -> (i32, i32) {
    %c0_i32 = arith.constant 0 : i32
    %c0_i32_0 = arith.constant 0 : i32
    return %arg0, %c0_i32 : i32, i32
  }
  func.func @transform_4(%arg0: i32) -> (i32, i32) {
    %c0_i32 = arith.constant 0 : i32
    %c0_i32_0 = arith.constant 0 : i32
    return %arg0, %c0_i32 : i32, i32
  }
  func.func @transform_5(%arg0: i32) -> (i32, i32, i32) {
    %c0_i32 = arith.constant 0 : i32
    %c0_i32_0 = arith.constant 0 : i32
    %c0_i32_1 = arith.constant 0 : i32
    %c0_i32_2 = arith.constant 0 : i32
    return %c0_i32, %c0_i32_0, %c0_i32_1 : i32, i32, i32
  }
  func.func @transform_6(%arg0: i32) -> (i32, i32, i32) {
    %c0_i32 = arith.constant 0 : i32
    %c0_i32_0 = arith.constant 0 : i32
    %c0_i32_1 = arith.constant 0 : i32
    %c0_i32_2 = arith.constant 0 : i32
    return %c0_i32, %c0_i32_0, %c0_i32_1 : i32, i32, i32
  }
  func.func @transform_7(%arg0: i32) -> (i32, i32) {
    %c0_i32 = arith.constant 0 : i32
    %c0_i32_0 = arith.constant 0 : i32
    %c0_i32_1 = arith.constant 0 : i32
    return %c0_i32, %c0_i32_0 : i32, i32
  }
  func.func @transform_8(%arg0: i32) -> (i32, i32) {
    %c0_i32 = arith.constant 0 : i32
    %c0_i32_0 = arith.constant 0 : i32
    %c0_i32_1 = arith.constant 0 : i32
    return %c0_i32, %c0_i32_0 : i32, i32
  }
  func.func @transform_9(%arg0: i32) -> (i32, i32) {
    %c0_i32 = arith.constant 0 : i32
    %c0_i32_0 = arith.constant 0 : i32
    %c0_i32_1 = arith.constant 0 : i32
    return %c0_i32, %c0_i32_0 : i32, i32
  }
  func.func @transform_10(%arg0: i32) -> (i32, i32) {
    %c0_i32 = arith.constant 0 : i32
    %c0_i32_0 = arith.constant 0 : i32
    %c0_i32_1 = arith.constant 0 : i32
    return %c0_i32, %c0_i32_0 : i32, i32
  }
  func.func @transform_11(%arg0: i32) -> (i32, i32) {
    %c0_i32 = arith.constant 0 : i32
    %c0_i32_0 = arith.constant 0 : i32
    %c0_i32_1 = arith.constant 0 : i32
    return %c0_i32, %c0_i32_0 : i32, i32
  }
  func.func @transform_12(%arg0: i32) -> (i32, i32) {
    %c0_i32 = arith.constant 0 : i32
    %c0_i32_0 = arith.constant 0 : i32
    %c0_i32_1 = arith.constant 0 : i32
    return %c0_i32, %c0_i32_0 : i32, i32
  }
}

</mosaic_0001>

<sc_bundles>
// kernel: scatter_offload_async_start.1
scs
__scs_entry_jumppad:
0x0: {  	(pc) =	sbr.rel $0x88, $3  }
0x1: {  	(tag) =	ssettag $0x0;
	lr =	simm.s32 $0x1  }
0x2: {  	[smem:$0x3F97] =	sst lr;
	_ =	strace $0xD0000000  }
0x3: {  	_ = 	snop  }
0x4: {  	_ = 	snop  }
0x5: {  	_ = 	snop  }
0x6: {  	_ = 	snop  }
0x7: {  	_ = 	snop  }
__scs_overlays_trampoline_lowered:
0x8: {  	[smem:$0x3FA6] =	sst s0  }
0x9: {  	[smem:$0x3FA7] =	sst s1  }
0xa: {  	[smem:$0x3FA8] =	sst s2  }
0xb: {  	[smem:$0x3FA9] =	sst s3  }
0xc: {  	[smem:$0x3FAA] =	sst s4  }
0xd: {  	[smem:$0x3FAB] =	sst s5  }
0xe: {  	[smem:$0x3FAC] =	sst s6  }
0xf: {  	[smem:$0x3FAD] =	sst s7  }
0x10: {  	[smem:$0x3FAE] =	sst s8  }
0x11: {  	[smem:$0x3FAF] =	sst s9;
	s0 =	simm.s32 @!p0 $0x0  }
0x12: {  	s1 =	sld [smem:$0x3F95];
	s0 =	simm.s32 @p0 $0x1  }
0x13: {  	[smem:$0x3FB0] =	sst s0;
	s0 =	simm.s32 @!p1 $0x0  }
0x14: {  	s2 =	sld [smem:$0x3F94];
	s0 =	simm.s32 @p1 $0x1  }
0x15: {  	[smem:$0x3FB1] =	sst s0;
	s0 =	simm.s32 @!p2 $0x0  }
0x16: {  	s3 =	sld [smem:$0x3FDB];
	s0 =	simm.s32 @p2 $0x1  }
0x17: {  	s4 =	simm.s32 $0x1BF5;
	[smem:$0x3FB3] =	sst s0  }
0x18: {  	s0 =	sld [smem:$0x3F96];
	_ =	swait.ge [sflag:s4], $0x0  }
0x19: {  	s7 =	sld [smem:$0x3F97]  }
0x1a: {  	s8 =	sadd.s32 $0xFFFFE003, lr  }
0x1b: {  	s9 =	sadd.s32 $0xFFFFFEF7, lr;
	s5 =	simm.s32 $0xFFFFFFFF;
	p2 =	slt.u32 s8, $0xFFFFF086  }
0x1c: {  	p1 =	slt.u32 s9, $0xF7A;
	s5 =	simm.s32 @!p2 $0x0  }
0x1d: {  	s5 =	simm.s32 @p1 $0x1;
	p0 =	seq.s32 s7, s2  }
0x1e: {  	s7 =	smul.u32 @!p0 $0xF7A, s2;
	p2 =	seq.s32 @!p0 s5, $0x0  }
0x1f: {  	s9 =	smul.u32 $0xF7A, s1;
	s8 =	simm.s32 @!p0 $0x1BF5;
	p2 =	por !p2, p0  }
0x20: {  	[sflag:s8] =	ssyncset.s32 @!p0 $0xFFFFF086;
	s6 =	sadd.s32 @!p0 s3, s7;
	s7 =	simm.s32 @!p0 $0x108  }
0x21: {  	s3 =	sadd.s32 s3, s9;
	s6 =	sadd.s32 @!p0 $0x88, s6;
	s7 =	simm.s32 @p2 $0x1082  }
0x22: {  	[simem:s7], [sflag:s8] =	dma.local @!p0 [hbm:s6], $0xF7A  }
0x23: {  	s9 =	sor.u32 $0xD0000000, s2;
	s6 =	simm.s32 $0x108;
	_ =	swait.ge @!p0 [sflag:s8], $0x0  }
0x24: {  	s3 =	sadd.s32 $0x88, s3;
	s6 =	simm.s32 @!p1 $0x1082;
	[sflag:s4] =	ssyncset.s32 $0xFFFFF086  }
0x25: {  	[simem:s6], [sflag:s4] =	dma.local [hbm:s3], $0xF7A  }
0x26: {  	[smem:$0x3F97] =	sst s1;
	(tag) =	ssettag s2;
	_ =	strace s9  }
0x27: {  	s1 =	sld [smem:$0x3FA7]  }
0x28: {  	s2 =	sld [smem:$0x3FA8]  }
0x29: {  	s4 =	sld [smem:$0x3FAA]  }
0x2a: {  	p0 =	seq.s32 s5, $0x0;
	s5 =	sld [smem:$0x3FAB]  }
0x2b: {  	s6 =	sld [smem:$0x3FAC]  }
0x2c: {  	s7 =	sld [smem:$0x3FAD]  }
0x2d: {  	s3 =	simm.s32 $0x108;
	s8 =	sld [smem:$0x3FAE]  }
0x2e: {  	s3 =	simm.s32 @!p0 $0x1082;
	s9 =	sld [smem:$0x3FAF]  }
0x2f: {  	lr =	sadd.s32 s0, s3;
	s0 =	sld [smem:$0x3FA6]  }
0x30: {  	s3 =	sld [smem:$0x3FA9]  }
0x31: {  	[smem:$0x3FB2] =	sst s10  }
0x32: {  	s10 =	sld [smem:$0x3FB0];
	_ =	sdelay $0x3  }
0x33: {  	p0 =	seq.s32 s10, $0x1;
	s10 =	sld [smem:$0x3FB2];
	_ =	sdelay $0x3  }
0x34: {  	[smem:$0x3FB2] =	sst s10  }
0x35: {  	s10 =	sld [smem:$0x3FB1];
	_ =	sdelay $0x3  }
0x36: {  	p1 =	seq.s32 s10, $0x1;
	s10 =	sld [smem:$0x3FB2];
	_ =	sdelay $0x3  }
0x37: {  	[smem:$0x3FB2] =	sst s10  }
0x38: {  	s10 =	sld [smem:$0x3FB3]  }
0x39: {  	_ = 	snop;
	(pc) =	sbr.ind lr, $3  }
0x3a: {  	_ = 	snop  }
0x3b: {  	_ = 	snop  }
0x3c: {  	p2 =	seq.s32 s10, $0x1;
	s10 =	sld [smem:$0x3FB2]  }
0x3d: {  	_ =	shalt  }
0x3e: {  	_ =	shalt  }
0x3f: {  	_ =	shalt  }
0x40: {  	_ =	shalt  }
0x41: {  	_ =	shalt  }
0x42: {  	_ =	shalt  }
0x43: {  	_ =	shalt  }
0x44: {  	_ =	shalt  }
0x45: {  	_ =	shalt  }
0x46: {  	_ =	shalt  }
0x47: {  	_ =	shalt  }
0x48: {  	_ =	shalt  }
0x49: {  	_ =	shalt  }
0x4a: {  	_ =	shalt  }
0x4b: {  	_ =	shalt  }
0x4c: {  	_ =	shalt  }
0x4d: {  	_ =	shalt  }
0x4e: {  	_ =	shalt  }
0x4f: {  	_ =	shalt  }
0x50: {  	_ =	shalt  }
0x51: {  	_ =	shalt  }
0x52: {  	_ =	shalt  }
0x53: {  	_ =	shalt  }
0x54: {  	_ =	shalt  }
0x55: {  	_ =	shalt  }
0x56: {  	_ =	shalt  }
0x57: {  	_ =	shalt  }
0x58: {  	_ =	shalt  }
0x59: {  	_ =	shalt  }
0x5a: {  	_ =	shalt  }
0x5b: {  	_ =	shalt  }
0x5c: {  	_ =	shalt  }
0x5d: {  	_ =	shalt  }
0x5e: {  	_ =	shalt  }
0x5f: {  	_ =	shalt  }
0x60: {  	_ =	shalt  }
0x61: {  	_ =	shalt  }
0x62: {  	_ =	shalt  }
0x63: {  	_ =	shalt  }
0x64: {  	_ =	shalt  }
0x65: {  	_ =	shalt  }
0x66: {  	_ =	shalt  }
0x67: {  	_ =	shalt  }
0x68: {  	_ =	shalt  }
0x69: {  	_ =	shalt  }
0x6a: {  	_ =	shalt  }
0x6b: {  	_ =	shalt  }
0x6c: {  	_ =	shalt  }
0x6d: {  	_ =	shalt  }
0x6e: {  	_ =	shalt  }
0x6f: {  	_ =	shalt  }
0x70: {  	_ =	shalt  }
0x71: {  	_ =	shalt  }
0x72: {  	_ =	shalt  }
0x73: {  	_ =	shalt  }
0x74: {  	_ =	shalt  }
0x75: {  	_ =	shalt  }
0x76: {  	_ =	shalt  }
0x77: {  	_ =	shalt  }
0x78: {  	_ =	shalt  }
0x79: {  	_ =	shalt  }
0x7a: {  	_ =	shalt  }
0x7b: {  	_ =	shalt  }
0x7c: {  	_ =	shalt  }
0x7d: {  	_ =	shalt  }
0x7e: {  	_ =	shalt  }
0x7f: {  	_ =	shalt  }
0x80: {  	_ =	shalt  }
0x81: {  	_ =	shalt  }
0x82: {  	_ =	shalt  }
0x83: {  	_ =	shalt  }
0x84: {  	_ =	shalt  }
0x85: {  	_ =	shalt  }
0x86: {  	_ =	shalt  }
0x87: {  	_ =	shalt  }
.Lfunc_end0:
.L_simem_size_0:
called_computation.1_lowered:
.L_overlay_start_0:
0x88: {  	s2 =	sld [smem:$0x3FD9]  }
0x89: {  	s3 =	sld [smem:$0x3FFE];
	_ =	sdelay $0x1  }
0x8a: {  	s1 =	srdreg.scid  }
0x8b: {  	s0 =	sand.u32 $0x1, s1  }
0x8c: {  	s15 =	sshll.u32 s0, $0xA;
	s2 =	sadd.s32 s3, s2  }
0x8d: {  	s2 =	sadd.s32 s2, s15  }
0x8e: {  	[smem:$0x3FBE] =	sst s2  }
0x8f: {  	_ = 	snop  }
0x90: {  	(tm) =	ssettm $0x1  }
0x91: {  	s16 =	sld [smem:$0x3FFB];
	_ =	sdelay $0x3  }
0x92: {  	_ =	strace s16  }
0x93: {  	s2 =	sld [smem:$0x3FFC];
	_ =	sdelay $0x3  }
0x94: {  	_ =	strace s2  }
0x95: {  	s2 =	sld [smem:$0x3FFD];
	_ =	sdelay $0x3  }
0x96: {  	_ =	strace s2  }
0x97: {  	_ =	strace $0x8FFFFFFF  }
0x98: {  	s17 =	sld [smem:$0x3FDB];
	_ =	sdelay $0x1  }
0x99: {  	s18 =	simm.s32 $_scs_section_size  }
0x9a: {  	s4 =	simm.s32 $_size__tile_overlayer_lowered;
	s5 =	simm.s32 $_tile_overlayer_lowered  }
0x9b: {  	s21 =	simm.s32 $0x1BFF;
	s20 =	sshll.u32 s5, $0x1;
	s2 =	sadd.s32 s18, s17  }
0x9c: {  	s6 =	simm.s32 $0x0;
	s19 =	sshll.u32 s4, $0x1;
	s4 =	sadd.s32 s20, s2  }
0x9d: {  	[timem:s6], [sflag:s21] =	dma.local [hbm:s4], s19  }
0x9e: {  	_ =	swait.ge [sflag:s21], s19  }
0x9f: {  	s3 =	ssub.s32 $0x0, s19;
	[sflag:s21] =	ssyncset.done $0x0  }
0xa0: {  	[sflag:s21] =	ssyncadd.s32 s3;
	_ =	sdelay $0x1  }
0xa1: {  	s22 =	simm.s32 $0x1B8B  }
0xa2: {  	_ =	swait.ge [sflag:s22], $0x1  }
0xa3: {  	[sflag:s22] =	ssyncset.done $0x0  }
0xa4: {  	s23 =	sld [smem:$0x3FFE];
	[sflag:s22] =	ssyncadd.s32 $0xFFFFFFFF  }
0xa5: {  	s25 =	simm.s32 $0x1B8E;
	s24 =	sld [smem:$0x0]  }
0xa6: {  	s26 =	simm.s32 $execute0_lowered;
	[smem:$0x3FD2] =	sst s25  }
0xa7: {  	s5 =	sshll.u32 s26, $0x1;
	_ =	strace $0x80000049;
	[dreg:$0x1] =	wrdreg $0xFFFFFFFF  }
0xa8: {  	s28 =	simm.s32 $_size_execute0_lowered;
	s2 =	sadd.s32 s2, s5;
	[dreg:$0x0] =	wrdreg $0x0  }
0xa9: {  	s5 =	sshll.u32 s28, $0x1;
	[dreg:$0x2] =	wrdreg s2  }
0xaa: {  	[dreg:$0x3] =	wrdreg s5  }
0xab: {  	[dreg:$0x4] =	wrdreg $0xC0  }
0xac: {  	_ =	task [dreg:s6], $0x5FFFF  }
0xad: {  	[dreg:$0x1] =	wrdreg $0xFFFFFFFF  }
0xae: {  	[dreg:$0x0] =	wrdreg $0x60  }
0xaf: {  	[dreg:$0x2] =	wrdreg s23  }
0xb0: {  	[dreg:$0x3] =	wrdreg s1  }
0xb1: {  	[dreg:$0x4] =	wrdreg s24  }
0xb2: {  	[dreg:$0x5] =	wrdreg $0x9  }
0xb3: {  	_ =	task.clear_ibuf [dreg:s6], $0x6FFFF;
	_ =	strace $0x90000049  }
0xb4: {  	s29 =	simm.s32 $0x9;
	_ =	strace $0x8000004B  }
0xb5: {  	_ =	swait.ge [sflag:s29], $0x1  }
0xb6: {  	[sflag:s29] =	ssyncadd.s32 $0xFFFFFFFF  }
0xb7: {  	_ =	strace $0x9000004B  }
0xb8: {  	_ =	sfence  }
0xb9: {  	s30 =	sld [smem:$0x0];
	_ =	sdelay $0x2  }
0xba: {  	s31 =	sshll.u32 s1, $0xD;
	s1 =	sshrl.u32 s1, $0x2  }
0xbb: {  	s3 =	sand.u32 $0x4000, s31;
	s1 =	sadd.s32 s1, s30  }
0xbc: {  	s0 =	sor.u32 s3, s0;
	s1 =	sshll.u32 s1, $0x11  }
0xbd: {  	s0 =	sor.u32 s1, s0  }
0xbe: {  	s0 =	sadd.s32 $0x8F2B, s0  }
0xbf: {  	[sflag:s0] =	ssyncadd.remote.s32 $0x1  }
0xc0: {  	_ =	sfence.sel $0xFFFF  }
0xc1: {  	[dreg:$0x0] =	wrdreg $0xFFFFFFFF;
	(pc) =	sbr.abs _section_cstart, $3  }
0xc2: {  	[dreg:$0x1] =	wrdreg $0xFFFFFFFF  }
0xc3: {  	_ =	task.clear_ibuf [dreg:s6], $0x2FFFF;
	_ =	strace $0x9FFFFFFF  }
0xc4: {  	(tm) =	ssettm $0x7FFFFFFF  }
0xc5: {  	_ =	shalt  }
tec
execute0_lowered:
.L_overlay_start_1:
0x0: {  	(tag) =	ssettag $0x1  }
0x1: {  	s2 =	rddreg [dreg:$0x0]  }
0x2: {  	s4 =	rddreg [dreg:$0x1];
	_ =	strace $0x8000004A;
	s0 =	simm.s32 $0x1  }
0x3: {  	s3 =	simm.s32 $0x88;
	v0 =	vimm.s32 $0x0;
	[sflag:s0] =	ssyncpa.u1 $0x0  }
0x4: {  	[tilespmem:s3+$0x30] =	vst v0  }
0x5: {  	s1 =	sadd.s32 $0x56F200, s2;
	s0 =	sadd.s32 $0x1800, s2;
	s6 =	sadd.s32 $0x8D200, s2;
	[tilespmem:s3+$0x20] =	vst v0  }
0x6: {  	s2 =	sadd.s32 $0x9DBC00, s2;
	s7 =	sand.u32 $0x1, s4;
	s4 =	simm.s32 $0x40;
	[tilespmem:s3+$0x10] =	vst v0  }
.LBB2_1:
0x7: {  	s4 =	sadd.s32 $0x40, s4  }
0x8: {  	[tilespmem:s3+$0x0] =	vst v0;
	s3 =	sadd.s32 $0x40, s3;
	p0 =	slt.u32 s4, $0x5040  }
.Ltmp0:
0x9: {  	(pc) =	sbr.rel @p0 .LBB2_1-.Ltmp0, $4  }
0xa: {  	_ = 	snop  }
0xb: {  	[tilespmem:s3+$0x30] =	vst v0  }
0xc: {  	[tilespmem:s3+$0x20] =	vst v0  }
0xd: {  	[tilespmem:s3+$0x10] =	vst v0  }
0xe: {  	s8 =	stileid.u32  }
0xf: {  	s4 =	smul.u32 $0x1F, s8  }
0x10: {  	s5 =	smin.u32 s8, $0x4  }
0x11: {  	s4 =	sadd.s32 s5, s4  }
0x12: {  	p0 =	slt.u32 s8, $0x4;
	s12 =	smul.u32 $0x140, s4;
	s4 =	simm.s32 $0x2800  }
0x13: {  	s4 =	simm.s32 @!p0 $0x26C0  }
0x14: {  	s25 =	simm.s32 $0x2;
	s4 =	sadd.s32 s4, s12  }
0x15: {  	s28 =	simm.s32 $0x9;
	s9 =	simm.s32 $0xA;
	s14 =	smin.u32 s4, $0x27100  }
0x16: {  	s30 =	simm.s32 $0xB;
	[dreg:$0x4] =	wrdreg s7;
	s4 =	ssub.s32 s14, s12  }
0x17: {  	s31 =	smul.u32 $0x4E20, s7;
	s13 =	simm.s32 $0x1;
	p0 =	sgt.s32 s4, $0x0  }
0x18: {  	s19 =	simm.s32 $0x0;
	s20 =	simm.s32 $0xA808;
	s4 =	simm.s32 @!p0 $0x0  }
0x19: {  	s21 =	simm.s32 $0xFFFFFFFF;
	p1 =	por $0x0, $0x0;
	s26 =	smulhi.u32 $0x66666667, s4  }
0x1a: {  	[tilespmem:s3+$0x0] =	vst v0;
	s23 =	simm.s32 $0x0;
	[sflag:s25] =	ssyncpa.u1 $0x0;
	s18 =	sshll.u32 s8, $0x7  }
0x1b: {  	s0 =	sadd.s32 s31, s0;
	[dreg:$0xa] =	wrdreg s18;
	s3 =	sshrl.u32 s26, $0x7  }
0x1c: {  	v0 =	vimm.s32 $0xFFFFFFFF;
	s17 =	sadd.s32 s31, s2;
	[dreg:$0x9] =	wrdreg s0;
	s29 =	smul.u32 $0x140, s3  }
0x1d: {  	s25 =	simm.s32 $0x0;
	[tilespmem:$0xA108] =	vst v0;
	[sflag:s28] =	ssyncpa.u1 $0x0;
	[dreg:$0x8] =	wrdreg s17  }
.Ltmp1:
0x1e: {  	p0 =	sne.s32 s4, s29;
	s4 =	simm.s32 $0x1;
	(pc) =	sbr.rel .LBB2_3-.Ltmp1, $4  }
0x1f: {  	[sflag:s9] =	ssyncpa.u1 $0x0;
	[dreg:$0x5] =	wrdreg s12;
	s4 =	simm.s32 @!p0 $0x0  }
0x20: {  	[sflag:s30] =	ssyncpa.u1 $0x0;
	[dreg:$0x6] =	wrdreg s14;
	s15 =	sadd.s32 s4, s3  }
0x21: {  	s24 =	smov.u32 s12;
	s22 =	sadd.s32 $0x1, s15;
	[dreg:$0x7] =	wrdreg s15  }
0x22: {  	v0 =	vlaneseq.u32;
	s26 =	simm.s32 $0x0;
	p0 =	por $0x1, $0x1;
	[dreg:$0xb] =	wrdreg s22  }
.LBB2_22:
0x23: {  	s0 =	sshrl.u32 s3, $0x2  }
.LBB2_24:
0x24: {  	s3 =	simm.s32 $0xC  }
0x25: {  	_ =	swait.ge [sflag:s3], s0  }
0x26: {  	s31 =	ssub.s32 $0x0, s0;
	v1 =	vmov s4;
	vm0 =	veq.s32 v0, $0x0;
	[sflag:s3] =	ssyncset.done $0x0  }
0x27: {  	vm15 =	veq.s32 v0, $0x2;
	v1 =	vsel vm0, s2, v1;
	[sflag:s3] =	ssyncadd.s32 s31  }
0x28: {  	v1 =	vsel vm15, s26, v1;
	[sflag:s3] =	ssyncpa.u1 $0x1  }
0x29: {  	[tilespmem:$0xA108] =	vst v1  }
.LBB2_25:
0x2a: {  	s0 =	sadd.s32 $0x140, s24  }
0x2b: {  	s2 =	smov.u32 s12;
	p2 =	slt.s32 s0, s14  }
0x2c: {  	s2 =	smov.u32 @p2 s0;
	p2 =	sne.s32 s25, s22  }
.Ltmp2:
0x2d: {  	_ = 	snop;
	(pc) =	sbr.rel @!p2 .LBB2_26-.Ltmp2, $4  }
0x2e: {  	_ = 	snop  }
0x2f: {  	s26 =	smov.u32 s23;
	s31 =	sadd.s32 $0x1, s25;
	p0 =	por !p0, !p0  }
0x30: {  	s23 =	smov.u32 s24;
	s20 =	sadd.s32 $0x140, s20;
	s21 =	sadd.s32 $0x1, s21  }
0x31: {  	p1 =	por !p1, !p1;
	s25 =	smov.u32 s31;
	s24 =	smov.u32 s2  }
.LBB2_3:
0x32: {  	p2 =	sge.u32 s25, s15  }
0x33: {  	s0 =	smulhi.u32 @!p2 $0xAAAAAAAB, s25  }
0x34: {  	s2 =	smov.u32 s24;
	p3 =	sgt.s32 @!p2 s24, $0x26FC0  }
0x35: {  	s3 =	sshra.s32 @!p2 s24, $0x1F;
	p3 =	por !p3, p2;
	s0 =	sshrl.u32 @!p2 s0, $0x1  }
0x36: {  	s3 =	sand.u32 @!p2 s3, s24;
	s2 =	simm.s32 @p3 $0x26FC0;
	s0 =	smul.u32 @!p2 $0x3, s0  }
0x37: {  	s2 =	ssub.s32 @!p2 s2, s3  }
0x38: {  	s2 =	sadd.s32 @!p2 $0xFFFD9040, s2;
	s0 =	ssub.s32 @!p2 s25, s0  }
0x39: {  	s3 =	sshll.u32 @!p2 s2, $0x2;
	p3 =	sgt.s32 @!p2 s2, $0x13F;
	s0 =	smul.u32 @!p2 $0x500, s0  }
0x3a: {  	s4 =	sand.u32 @!p2 $0x7, s24;
	s2 =	ssub.s32 @!p2 $0x500, s3;
	p3 =	por !p3, p2  }
0x3b: {  	s3 =	sshrl.u32 @!p2 s24, $0x3;
	s2 =	sshrl.u32 @!p2 s2, $0x2;
	s0 =	sshrl.u32 @!p2 s0, $0x2  }
0x3c: {  	s3 =	sadd.s32 @!p2 s3, s17;
	s2 =	simm.s32 @!p3 $0x0;
	s0 =	sadd.s32 @!p2 $0xA948, s0  }
0x3d: {  	[tilespmem:s0], [sflag:$0xA] =	stream.linear.gather @!p2 [hbm4b:s3+s4], s2, $0x38;
	[tilespmem:$0x1EF88] =	vst v63  }
0x3e: {  	s0 =	sadd.s32 $0xFFFFFFFF, s25  }
0x3f: {  	p2 =	sge.u32 s0, s15  }
.Ltmp3:
0x40: {  	_ = 	snop;
	(pc) =	sbr.rel @p2 .LBB2_7-.Ltmp3, $1  }
0x41: {  	_ =	sdelay $0x3  }
0x42: {  	p2 =	sgt.s32 s23, $0x26FC0;
	s2 =	smov.u32 s23;
	s3 =	sshra.s32 s23, $0x1F  }
0x43: {  	s2 =	simm.s32 @!p2 $0x26FC0;
	s3 =	sand.u32 s3, s23  }
0x44: {  	s17 =	smulhi.u32 $0xAAAAAAAB, s21;
	s2 =	ssub.s32 s2, s3  }
0x45: {  	s0 =	sand.u32 $0x1, s0;
	s2 =	sadd.s32 $0xFFFD9040, s2  }
0x46: {  	s5 =	simm.s32 $0xA;
	s3 =	sshrl.u32 s17, $0x1;
	s4 =	sshll.u32 s2, $0x2  }
0x47: {  	s7 =	sshrl.u32 s23, $0x3;
	s3 =	smul.u32 $0xFFFFF100, s3;
	s4 =	ssub.s32 $0x500, s4  }
0x48: {  	s18 =	smul.u32 $0x500, s0;
	p2 =	sgt.s32 s2, $0x13F;
	s2 =	sshrl.u32 s4, $0x2  }
0x49: {  	s9 =	sand.u32 $0x7, s23;
	s3 =	sshra.s32 s3, $0x2;
	s2 =	simm.s32 @p2 $0x0  }
0x4a: {  	s0 =	sadd.s32 s3, s20;
	s4 =	sshrl.u32 s18, $0x2;
	_ =	swait.ge [sflag:s5], s2  }
0x4b: {  	s22 =	ssub.s32 $0x0, s2;
	[sflag:s5] =	ssyncset.done $0x0;
	s8 =	rddreg [dreg:$0x9]  }
0x4c: {  	s4 =	sadd.s32 $0xAD08, s4;
	[sflag:s5] =	ssyncadd.s32 s22;
	s3 =	sadd.s32 s7, s8  }
0x4d: {  	[tilespmem:s4], [sflag:$0xB] =	stream.linear.gather [hbm4b:s3+s9], s2, $0x38;
	[tilespmem:$0x1EF88] =	vst v63  }
0x4e: {  	v1 =	vld.msk [tilespmem:s0+$0x0], $0xffff;
	_ =	sdelay $0x4  }
0x4f: {  	v1 =	vshll.u32 v1, $0x4  }
0x50: {  	(v2sf) =	vpush v1, $0x0  }
0x51: {  	(v2sf) =	vpush v1, $0x1  }
0x52: {  	(v2sf) =	vpush v1, $0x2;
	_ =	sdelay $0x3  }
0x53: {  	(v2sf) =	vpush v1, $0x3;
	_ =	sdelay $0x1  }
0x54: {  	(v2sf) =	vpush v1, $0x4  }
0x55: {  	s2 =	simm.s32 $0x1;
	(v2sf) =	vpush v1, $0x5  }
0x56: {  	s2 =	simm.s32 @!p0 $0x0  }
0x57: {  	s2 =	smul.u32 $0x28000, s2;
	(v2sf) =	vpush v1, $0x6;
	_ =	sdelay $0x1  }
0x58: {  	s2 =	sshrl.u32 s2, $0x2  }
0x59: {  	s28 =	sadd.s32 $0xB708, s2  }
0x5a: {  	s12 =	sadd.s32 $0xFFFFF880, s28;
	s17 =	sadd.s32 $0xFFFFF900, s28;
	s10 =	spop (v2sf);
	(v2sf) =	vpush v1, $0x7  }
0x5b: {  	s18 =	sadd.s32 $0xFFFFF980, s28;
	s11 =	sand.u32 $0x1FFFFFF0, s10;
	s14 =	spop (v2sf)  }
0x5c: {  	(v2sf) =	vpush v1, $0x8;
	s2 =	sadd.s32 s6, s11;
	s15 =	sand.u32 $0x1FFFFFF0, s14;
	s16 =	spop (v2sf)  }
0x5d: {  	[tilespmem:s12], [sflag:$0x9] =	stream.linear.gather [hbm4b:s2+s19], $0x40, $0x38;
	[tilespmem:$0x1EF88] =	vst v63  }
0x5e: {  	s5 =	sadd.s32 $0xFFFFFA00, s28;
	s2 =	sadd.s32 s6, s15;
	s3 =	sand.u32 $0x1FFFFFF0, s16  }
0x5f: {  	(v2sf) =	vpush v1, $0x9;
	[tilespmem:s17], [sflag:$0x9] =	stream.linear.gather [hbm4b:s2+s19], $0x40, $0x38;
	[tilespmem:$0x1EF88] =	vst v63  }
0x60: {  	s7 =	sadd.s32 $0xFFFFFA80, s28;
	s22 =	spop (v2sf);
	s3 =	sadd.s32 s6, s3  }
0x61: {  	(v2sf) =	vpush v1, $0xA;
	[tilespmem:s18], [sflag:$0x9] =	stream.linear.gather [hbm4b:s3+s19], $0x40, $0x38;
	[tilespmem:$0x1EF88] =	vst v63  }
0x62: {  	s11 =	sadd.s32 $0xFFFFFB00, s28;
	s4 =	spop (v2sf);
	(v2sf) =	vpush v1, $0xB;
	s3 =	sand.u32 $0x1FFFFFF0, s22  }
0x63: {  	s8 =	spop (v2sf);
	s2 =	sadd.s32 s6, s3;
	s3 =	sand.u32 $0x1FFFFFF0, s4  }
0x64: {  	(v2sf) =	vpush v1, $0xC;
	[tilespmem:s5], [sflag:$0x9] =	stream.linear.gather [hbm4b:s2+s19], $0x40, $0x38;
	[tilespmem:$0x1EF88] =	vst v63  }
0x65: {  	s9 =	sand.u32 $0x1FFFFFF0, s8;
	s10 =	spop (v2sf);
	s3 =	sadd.s32 s6, s3  }
0x66: {  	(v2sf) =	vpush v1, $0xD;
	[tilespmem:s7], [sflag:$0x9] =	stream.linear.gather [hbm4b:s3+s19], $0x40, $0x38;
	[tilespmem:$0x1EF88] =	vst v63  }
0x67: {  	s12 =	sadd.s32 $0xFFFFFB80, s28;
	s2 =	sadd.s32 s6, s9;
	s3 =	sand.u32 $0x1FFFFFF0, s10  }
0x68: {  	[tilespmem:s11], [sflag:$0x9] =	stream.linear.gather [hbm4b:s2+s19], $0x40, $0x38;
	[tilespmem:$0x1EF88] =	vst v63  }
0x69: {  	s17 =	sadd.s32 $0xFFFFFC00, s28;
	s3 =	sadd.s32 s6, s3;
	s14 =	spop (v2sf)  }
0x6a: {  	[tilespmem:s12], [sflag:$0x9] =	stream.linear.gather [hbm4b:s3+s19], $0x40, $0x38;
	(v2sf) =	vpush v1, $0xE;
	[tilespmem:$0x1EF88] =	vst v63  }
0x6b: {  	s18 =	sadd.s32 $0xFFFFFC80, s28;
	s15 =	sand.u32 $0x1FFFFFF0, s14;
	s16 =	spop (v2sf)  }
0x6c: {  	s5 =	sadd.s32 $0xFFFFFD00, s28;
	(v2sf) =	vpush v1, $0xF;
	s2 =	sadd.s32 s6, s15;
	s3 =	sand.u32 $0x1FFFFFF0, s16  }
0x6d: {  	[tilespmem:s17], [sflag:$0x9] =	stream.linear.gather [hbm4b:s2+s19], $0x40, $0x38;
	[tilespmem:$0x1EF88] =	vst v63  }
0x6e: {  	s7 =	sadd.s32 $0xFFFFFD80, s28;
	s22 =	spop (v2sf);
	s3 =	sadd.s32 s6, s3  }
0x6f: {  	[tilespmem:s18], [sflag:$0x9] =	stream.linear.gather [hbm4b:s3+s19], $0x40, $0x38;
	[tilespmem:$0x1EF88] =	vst v63  }
0x70: {  	s11 =	sadd.s32 $0xFFFFFE00, s28;
	s4 =	spop (v2sf);
	s3 =	sand.u32 $0x1FFFFFF0, s22  }
0x71: {  	s8 =	spop (v2sf);
	s2 =	sadd.s32 s6, s3;
	s3 =	sand.u32 $0x1FFFFFF0, s4  }
0x72: {  	[tilespmem:s5], [sflag:$0x9] =	stream.linear.gather [hbm4b:s2+s19], $0x40, $0x38;
	[tilespmem:$0x1EF88] =	vst v63  }
0x73: {  	s9 =	sand.u32 $0x1FFFFFF0, s8;
	s10 =	spop (v2sf);
	s3 =	sadd.s32 s6, s3  }
0x74: {  	[tilespmem:s7], [sflag:$0x9] =	stream.linear.gather [hbm4b:s3+s19], $0x40, $0x38;
	[tilespmem:$0x1EF88] =	vst v63  }
0x75: {  	s14 =	spop (v2sf);
	s2 =	sadd.s32 s6, s9;
	s3 =	sand.u32 $0x1FFFFFF0, s10  }
0x76: {  	[tilespmem:s11], [sflag:$0x9] =	stream.linear.gather [hbm4b:s2+s19], $0x40, $0x38;
	[tilespmem:$0x1EF88] =	vst v63  }
0x77: {  	s12 =	sadd.s32 $0xFFFFFE80, s28;
	s15 =	sand.u32 $0x1FFFFFF0, s14;
	s3 =	sadd.s32 s6, s3  }
0x78: {  	[tilespmem:s12], [sflag:$0x9] =	stream.linear.gather [hbm4b:s3+s19], $0x40, $0x38;
	[tilespmem:$0x1EF88] =	vst v63  }
0x79: {  	s17 =	sadd.s32 $0xFFFFFF00, s28;
	s2 =	sadd.s32 s6, s15;
	s16 =	spop (v2sf)  }
0x7a: {  	[tilespmem:s17], [sflag:$0x9] =	stream.linear.gather [hbm4b:s2+s19], $0x40, $0x38;
	[tilespmem:$0x1EF88] =	vst v63  }
0x7b: {  	s29 =	simm.s32 $0x0;
	s3 =	sand.u32 $0x1FFFFFF0, s16;
	s18 =	spop (v2sf)  }
0x7c: {  	s22 =	sadd.s32 $0xFFFFFF80, s28;
	s3 =	sadd.s32 s6, s3;
	s2 =	sand.u32 $0x1FFFFFF0, s18  }
0x7d: {  	[tilespmem:s22], [sflag:$0x9] =	stream.linear.gather [hbm4b:s3+s19], $0x40, $0x38;
	[tilespmem:$0x1EF88] =	vst v63  }
0x7e: {  	s31 =	sadd.s32 $0x10, s0;
	s30 =	sadd.s32 $0x800, s28;
	s2 =	sadd.s32 s6, s2  }
.LBB2_5:
0x7f: {  	[tilespmem:s28], [sflag:$0x9] =	stream.linear.gather [hbm4b:s2+s19], $0x40, $0x38;
	[tilespmem:$0x1EF88] =	vst v63  }
0x80: {  	s29 =	sadd.s32 $0x10, s29;
	s28 =	smov.u32 s30  }
0x81: {  	p2 =	slt.u32 s29, $0x130;
	v1 =	vld.msk [tilespmem:s31+$0x0], $0xffff;
	_ =	sdelay $0x4  }
0x82: {  	v1 =	vshll.u32 v1, $0x4  }
0x83: {  	(v2sf) =	vpush v1, $0x0  }
0x84: {  	(v2sf) =	vpush v1, $0x1  }
0x85: {  	(v2sf) =	vpush v1, $0x2;
	_ =	sdelay $0x1  }
0x86: {  	(v2sf) =	vpush v1, $0x3;
	_ =	sdelay $0x1  }
0x87: {  	(v2sf) =	vpush v1, $0x4;
	_ =	sdelay $0x1  }
0x88: {  	(v2sf) =	vpush v1, $0x5;
	_ =	sdelay $0x1  }
0x89: {  	(v2sf) =	vpush v1, $0x6  }
0x8a: {  	s4 =	sadd.s32 $0xFFFFFE80, s30;
	s0 =	sadd.s32 $0xFFFFFF00, s30  }
0x8b: {  	s3 =	sadd.s32 $0xFFFFFD00, s30;
	s2 =	sadd.s32 $0xFFFFFD80, s30;
	s5 =	sadd.s32 $0xFFFFFE00, s30;
	(v2sf) =	vpush v1, $0x7  }
0x8c: {  	s10 =	sadd.s32 $0xFFFFFB80, s30;
	s9 =	sadd.s32 $0xFFFFFC00, s30;
	s16 =	sadd.s32 $0xFFFFFC80, s30  }
0x8d: {  	s11 =	sadd.s32 $0xFFFFFA00, s30;
	s12 =	sadd.s32 $0xFFFFFA80, s30;
	s15 =	sadd.s32 $0xFFFFFB00, s30;
	(v2sf) =	vpush v1, $0x8  }
0x8e: {  	s18 =	sadd.s32 $0xFFFFF900, s30;
	s7 =	sadd.s32 $0xFFFFF980, s30;
	s22 =	spop (v2sf)  }
0x8f: {  	s8 =	sadd.s32 $0xFFFFF880, s30;
	s22 =	sand.u32 $0x1FFFFFF0, s22;
	s14 =	spop (v2sf);
	(v2sf) =	vpush v1, $0x9  }
0x90: {  	s22 =	sadd.s32 s6, s22;
	s14 =	sand.u32 $0x1FFFFFF0, s14;
	s17 =	spop (v2sf)  }
0x91: {  	[tilespmem:s8], [sflag:$0x9] =	stream.linear.gather [hbm4b:s22+s19], $0x40, $0x38;
	(v2sf) =	vpush v1, $0xA;
	[tilespmem:$0x1EF88] =	vst v63  }
0x92: {  	s8 =	sadd.s32 s6, s14;
	s14 =	sand.u32 $0x1FFFFFF0, s17;
	s17 =	spop (v2sf)  }
0x93: {  	[tilespmem:s18], [sflag:$0x9] =	stream.linear.gather [hbm4b:s8+s19], $0x40, $0x38;
	(v2sf) =	vpush v1, $0xB;
	[tilespmem:$0x1EF88] =	vst v63  }
0x94: {  	s8 =	sadd.s32 s6, s14;
	s14 =	sand.u32 $0x1FFFFFF0, s17;
	s17 =	spop (v2sf)  }
0x95: {  	[tilespmem:s7], [sflag:$0x9] =	stream.linear.gather [hbm4b:s8+s19], $0x40, $0x38;
	(v2sf) =	vpush v1, $0xC;
	[tilespmem:$0x1EF88] =	vst v63  }
0x96: {  	s7 =	sadd.s32 s6, s14;
	s8 =	sand.u32 $0x1FFFFFF0, s17;
	s14 =	spop (v2sf)  }
0x97: {  	[tilespmem:s11], [sflag:$0x9] =	stream.linear.gather [hbm4b:s7+s19], $0x40, $0x38;
	(v2sf) =	vpush v1, $0xD;
	[tilespmem:$0x1EF88] =	vst v63  }
0x98: {  	s7 =	sadd.s32 s6, s8;
	s8 =	sand.u32 $0x1FFFFFF0, s14;
	s11 =	spop (v2sf)  }
0x99: {  	[tilespmem:s12], [sflag:$0x9] =	stream.linear.gather [hbm4b:s7+s19], $0x40, $0x38;
	(v2sf) =	vpush v1, $0xE;
	[tilespmem:$0x1EF88] =	vst v63  }
0x9a: {  	s7 =	sadd.s32 s6, s8;
	s8 =	sand.u32 $0x1FFFFFF0, s11;
	s11 =	spop (v2sf)  }
0x9b: {  	[tilespmem:s15], [sflag:$0x9] =	stream.linear.gather [hbm4b:s7+s19], $0x40, $0x38;
	(v2sf) =	vpush v1, $0xF;
	[tilespmem:$0x1EF88] =	vst v63  }
0x9c: {  	s7 =	sadd.s32 s6, s8;
	s8 =	sand.u32 $0x1FFFFFF0, s11;
	s11 =	spop (v2sf)  }
0x9d: {  	[tilespmem:s10], [sflag:$0x9] =	stream.linear.gather [hbm4b:s7+s19], $0x40, $0x38;
	[tilespmem:$0x1EF88] =	vst v63  }
0x9e: {  	s7 =	sadd.s32 s6, s8;
	s8 =	sand.u32 $0x1FFFFFF0, s11;
	s10 =	spop (v2sf)  }
0x9f: {  	[tilespmem:s9], [sflag:$0x9] =	stream.linear.gather [hbm4b:s7+s19], $0x40, $0x38;
	[tilespmem:$0x1EF88] =	vst v63  }
0xa0: {  	s7 =	sadd.s32 s6, s8;
	s8 =	sand.u32 $0x1FFFFFF0, s10;
	s9 =	spop (v2sf)  }
0xa1: {  	[tilespmem:s16], [sflag:$0x9] =	stream.linear.gather [hbm4b:s7+s19], $0x40, $0x38;
	[tilespmem:$0x1EF88] =	vst v63  }
0xa2: {  	s7 =	sadd.s32 s6, s8;
	s8 =	sand.u32 $0x1FFFFFF0, s9;
	s9 =	spop (v2sf)  }
0xa3: {  	[tilespmem:s3], [sflag:$0x9] =	stream.linear.gather [hbm4b:s7+s19], $0x40, $0x38;
	[tilespmem:$0x1EF88] =	vst v63  }
0xa4: {  	s3 =	sadd.s32 s6, s8;
	s7 =	sand.u32 $0x1FFFFFF0, s9;
	s8 =	spop (v2sf)  }
0xa5: {  	[tilespmem:s2], [sflag:$0x9] =	stream.linear.gather [hbm4b:s3+s19], $0x40, $0x38;
	[tilespmem:$0x1EF88] =	vst v63  }
0xa6: {  	s2 =	sadd.s32 s6, s7;
	s3 =	sand.u32 $0x1FFFFFF0, s8;
	s7 =	spop (v2sf)  }
0xa7: {  	[tilespmem:s5], [sflag:$0x9] =	stream.linear.gather [hbm4b:s2+s19], $0x40, $0x38;
	[tilespmem:$0x1EF88] =	vst v63  }
0xa8: {  	s2 =	sadd.s32 s6, s3;
	s3 =	sand.u32 $0x1FFFFFF0, s7;
	s5 =	spop (v2sf)  }
0xa9: {  	[tilespmem:s4], [sflag:$0x9] =	stream.linear.gather [hbm4b:s2+s19], $0x40, $0x38;
	[tilespmem:$0x1EF88] =	vst v63  }
0xaa: {  	s2 =	sadd.s32 s6, s3  }
.Ltmp4:
0xab: {  	s3 =	sand.u32 $0x1FFFFFF0, s5;
	s4 =	spop (v2sf);
	(pc) =	sbr.rel @p2 .LBB2_5-.Ltmp4, $4  }
0xac: {  	[tilespmem:s0], [sflag:$0x9] =	stream.linear.gather [hbm4b:s2+s19], $0x40, $0x38;
	[tilespmem:$0x1EF88] =	vst v63  }
0xad: {  	s0 =	sadd.s32 s6, s3;
	s2 =	sadd.s32 $0xFFFFFF80, s30;
	s3 =	sand.u32 $0x1FFFFFF0, s4  }
0xae: {  	[tilespmem:s2], [sflag:$0x9] =	stream.linear.gather [hbm4b:s0+s19], $0x40, $0x38;
	[tilespmem:$0x1EF88] =	vst v63  }
0xaf: {  	s31 =	sadd.s32 $0x10, s31;
	s30 =	sadd.s32 $0x800, s30;
	s2 =	sadd.s32 s6, s3  }
0xb0: {  	[tilespmem:s28], [sflag:$0x9] =	stream.linear.gather [hbm4b:s2+s19], $0x40, $0x38;
	[tilespmem:$0x1EF88] =	vst v63  }
0xb1: {  	s12 =	rddreg [dreg:$0x5]  }
0xb2: {  	s14 =	rddreg [dreg:$0x6]  }
0xb3: {  	s15 =	rddreg [dreg:$0x7]  }
0xb4: {  	s17 =	rddreg [dreg:$0x8]  }
0xb5: {  	s18 =	rddreg [dreg:$0xa]  }
0xb6: {  	s22 =	rddreg [dreg:$0xb]  }
.LBB2_7:
0xb7: {  	p2 =	slt.u32 s25, $0x2  }
.Ltmp5:
0xb8: {  	_ = 	snop;
	(pc) =	sbr.rel @p2 .LBB2_25-.Ltmp5, $1  }
0xb9: {  	_ =	sdelay $0x3  }
0xba: {  	p2 =	sgt.s32 s26, $0x26FC0;
	s0 =	smov.u32 s26;
	s2 =	sshra.s32 s26, $0x1F  }
0xbb: {  	s0 =	simm.s32 @!p2 $0x26FC0;
	s2 =	sand.u32 s2, s26  }
0xbc: {  	s0 =	ssub.s32 s0, s2  }
0xbd: {  	s0 =	sadd.s32 $0xFFFD9040, s0  }
0xbe: {  	s3 =	simm.s32 $0x9;
	s29 =	sshll.u32 s0, $0x2  }
0xbf: {  	_ =	swait.ge [sflag:s3], $0x5000;
	s2 =	ssub.s32 $0x500, s29  }
0xc0: {  	[sflag:s3] =	ssyncset.done $0x0;
	p2 =	sgt.s32 s0, $0x13F;
	s0 =	sshrl.u32 s2, $0x2  }
0xc1: {  	s30 =	simm.s32 $0xB;
	[sflag:s3] =	ssyncadd.s32 $0xFFFFB000;
	s0 =	simm.s32 @p2 $0x0  }
0xc2: {  	_ =	swait.ge [sflag:s30], s0  }
0xc3: {  	s0 =	ssub.s32 $0x0, s0;
	[sflag:s30] =	ssyncset.done $0x0  }
0xc4: {  	[sflag:s30] =	ssyncadd.s32 s0  }
0xc5: {  	v1 =	vld [tilespmem:$0xA108];
	_ =	sdelay $0x4  }
0xc6: {  	(v2sf) =	vpush v1, $0x0  }
0xc7: {  	(v2sf) =	vpush v1, $0x1  }
0xc8: {  	(v2sf) =	vpush v1, $0x2;
	_ =	sdelay $0x3  }
0xc9: {  	s0 =	sadd.s32 $0x140, s26  }
0xca: {  	s4 =	ssub.s32 $0x4E200, s26;
	p2 =	slt.s32 s14, s0  }
0xcb: {  	s0 =	smov.u32 @p2 s14;
	p2 =	sgt.s32 s4, $0x0  }
0xcc: {  	s0 =	ssub.s32 s0, s26;
	s4 =	simm.s32 @!p2 $0x0  }
0xcd: {  	p2 =	slt.s32 s4, s0  }
0xce: {  	s0 =	smov.u32 @p2 s4  }
0xcf: {  	s2 =	simm.s32 $0x1;
	p2 =	slt.s32 s0, $0x1  }
.Ltmp6:
0xd0: {  	s2 =	simm.s32 @!p1 $0x0;
	(pc) =	sbr.rel @p2 .LBB2_12-.Ltmp6, $4  }
0xd1: {  	s7 =	smul.u32 $0x500, s2  }
0xd2: {  	s3 =	spop (v2sf)  }
0xd3: {  	s31 =	sshrl.u32 s7, $0x2;
	s5 =	spop (v2sf)  }
0xd4: {  	s28 =	sadd.s32 $0xAD08, s31;
	s26 =	spop (v2sf)  }
0xd5: {  	s4 =	smin.u32 s0, $0x10  }
0xd6: {  	v1 =	vmov s4  }
0xd7: {  	p3 =	sgt.s32 s0, $0x10;
	vm1 =	vgt.u32 v1, v0  }
.Ltmp7:
0xd8: {  	_ = 	snop;
	(pc) =	sbr.rel @!p3 .LBB2_11-.Ltmp7, $2  }
0xd9: {  	_ =	sdelay $0x2  }
0xda: {  	s9 =	simm.s32 $0x10;
	s10 =	sadd.s32 $0xFFFFFFF0, s0;
	s4 =	smov.u32 s28;
	vm0 =	vmmov vm1  }
.LBB2_10:
0xdb: {  	s7 =	smin.u32 s10, $0x10;
	s9 =	sadd.s32 $0x10, s9;
	v1 =	vld.msk [tilespmem:s4+$0x0 ss:$0x1], vm1  }
0xdc: {  	v2 =	vmov s7;
	p3 =	slt.s32 s9, s0  }
0xdd: {  	vm1 =	vgt.u32 v2, v0  }
.Ltmp8:
0xde: {  	(pc) =	sbr.rel @p3 .LBB2_10-.Ltmp8, $3  }
0xdf: {  	_ =	sdelay $0x1  }
0xe0: {  	v1 =	vshll.u32 v1, $0x4  }
0xe1: {  	s10 =	sadd.s32 $0xFFFFFFF0, s10;
	[tilespmem:s4+$0x0] =	vst.msk vm0, v1;
	s4 =	sadd.s32 $0x10, s4;
	vm0 =	vmmov vm1  }
.LBB2_11:
0xe2: {  	_ =	sdelay $0x4  }
0xe3: {  	v1 =	vld.msk [tilespmem:s4+$0x0 ss:$0x1], vm1;
	_ =	sdelay $0x4  }
0xe4: {  	v1 =	vshll.u32 v1, $0x4  }
0xe5: {  	[tilespmem:s4+$0x0] =	vst.msk vm0, v1  }
.LBB2_12:
0xe6: {  	s4 =	sand.u32 $0x1, s25  }
0xe7: {  	s4 =	smul.u32 $0x140, s4  }
0xe8: {  	p3 =	sne.s32 s5, $0xFFFFFFFF  }
0xe9: {  	v1 =	vld.msk @!p3 [tilespmem:s4+$0xAD08], $0x1;
	_ =	sdelay $0x4  }
0xea: {  	(v2sf) =	vpush @!p3 v1, $0x0;
	_ =	sdelay $0xc  }
.Ltmp9:
0xeb: {  	_ = 	snop;
	(pc) =	sbr.rel @p2 .LBB2_23-.Ltmp9, $4  }
0xec: {  	_ = 	snop  }
0xed: {  	s29 =	spop @!p3 (v2sf)  }
0xee: {  	s31 =	simm.s32 $0xC;
	s26 =	simm.s32 @!p3 $0x0;
	s4 =	smov.u32 s29  }
0xef: {  	[sflag:s31] =	ssyncpa.u1 $0x0;
	s29 =	smov.u32 @p3 s3;
	s4 =	smov.u32 @p3 s5  }
0xf0: {  	v1 =	vld.msk [tilespmem:s28+$0x0], $0x1;
	_ =	sdelay $0x4  }
0xf1: {  	(v2sf) =	vpush v1, $0x0;
	_ =	sdelay $0xe  }
0xf2: {  	s2 =	smul.u32 $0x28000, s2;
	s5 =	spop (v2sf)  }
0xf3: {  	s31 =	ssub.s32 $0x0, s0;
	p2 =	seq.s32 s29, s5  }
0xf4: {  	s3 =	smov.u32 s29;
	s2 =	sshrl.u32 s2, $0x2;
	p3 =	sgt.s32 @!p2 s29, $0x0  }
0xf5: {  	s30 =	sadd.s32 $0xAFA8, s2;
	s2 =	sadd.s32 $0x1, s31;
	p3 =	por !p3, p2  }
0xf6: {  	s3 =	simm.s32 @p3 $0x0;
	p3 =	seq.s32 s2, $0x0  }
.Ltmp10:
0xf7: {  	_ = 	snop;
	(pc) =	sbr.rel @p3 .LBB2_15-.Ltmp10, $4  }
0xf8: {  	_ = 	snop  }
0xf9: {  	s0 =	simm.s32 $0x0;
	s9 =	simm.s32 @!p2 $0x1;
	s3 =	smin.u32 @!p2 s3, $0x270F8  }
0xfa: {  	s10 =	simm.s32 @!p2 $0x50C8;
	s9 =	smov.u32 @p2 s0;
	s7 =	sand.u32 @!p2 $0x3FFF8, s3  }
0xfb: {  	s16 =	sand.u32 @!p2 $0x7, s3;
	s3 =	sadd.s32 $0x1, s28;
	s11 =	sadd.s32 @!p2 s1, s7  }
.LBB2_14:
0xfc: {  	s7 =	smov.u32 s9  }
0xfd: {  	[tilespmem:s10], [sflag:$0x2] =	stream.linear.gather @!p2 [hbm4b:s11+s16], $0x40, $0x38;
	[tilespmem:$0x1EF88] =	vst v63  }
0xfe: {  	s2 =	sadd.s32 $0x1, s2;
	s8 =	smov.u32 s5;
	v1 =	vld.msk [tilespmem:s3+$0x0], $0x1  }
0xff: {  	p3 =	seq.s32 s2, $0x0;
	_ =	sdelay $0x3  }
0x100: {  	(v2sf) =	vpush v1, $0x0;
	_ =	sdelay $0xe  }
0x101: {  	s5 =	spop (v2sf)  }
0x102: {  	p2 =	seq.s32 s8, s5  }
0x103: {  	p4 =	sgt.s32 @!p2 s8, $0x0;
	s10 =	sshll.u32 @!p2 s9, $0x8;
	s9 =	sadd.s32 @!p2 $0x1, s9  }
.Ltmp11:
0x104: {  	p4 =	por !p4, p2;
	s10 =	sshra.s32 @!p2 s10, $0x2;
	(pc) =	sbr.rel @!p3 .LBB2_14-.Ltmp11, $4  }
0x105: {  	s9 =	smov.u32 @p2 s7;
	s8 =	simm.s32 @p4 $0x0;
	s10 =	sadd.s32 @!p2 $0x50C8, s10  }
0x106: {  	s7 =	smin.u32 @!p2 s8, $0x270F8  }
0x107: {  	s8 =	sand.u32 @!p2 $0x3FFF8, s7;
	s16 =	sand.u32 @!p2 $0x7, s7  }
0x108: {  	s3 =	sadd.s32 $0x1, s3;
	s11 =	sadd.s32 @!p2 s1, s8  }
.LBB2_15:
0x109: {  	[tilespmem:s10], [sflag:$0x2] =	stream.linear.gather @!p2 [hbm4b:s11+s16], $0x40, $0x38;
	[tilespmem:$0x1EF88] =	vst v63  }
.Ltmp12:
0x10a: {  	s2 =	sshll.u32 s9, $0x6;
	(pc) =	sbr.rel .LBB2_16-.Ltmp12, $4  }
0x10b: {  	s3 =	simm.s32 $0x2;
	s2 =	sand.u32 $0x3FFFFFC0, s2  }
0x10c: {  	_ =	swait.ge [sflag:s3], s2  }
0x10d: {  	s2 =	ssub.s32 $0x0, s2;
	[sflag:s3] =	ssyncset.done $0x0  }
0x10e: {  	[sflag:s3] =	ssyncadd.s32 s2;
	s3 =	simm.s32 $0x0  }
.LBB2_17:
0x10f: {  	v1 =	vld [tilespmem:s30+$0xFFFFFFE0];
	_ =	sdelay $0x4  }
0x110: {  	[tilespmem:s5+$0x88] =	vst.add.f32.msk $0xffff, v1  }
0x111: {  	v1 =	vld [tilespmem:s30+$0xFFFFFFF0];
	_ =	sdelay $0x4  }
0x112: {  	[tilespmem:s5+$0x98] =	vst.add.f32.msk $0xffff, v1  }
0x113: {  	v1 =	vld [tilespmem:s30+$0x0];
	_ =	sdelay $0x4  }
0x114: {  	[tilespmem:s5+$0xA8] =	vst.add.f32.msk $0xffff, v1  }
0x115: {  	v1 =	vld [tilespmem:s30+$0x10];
	_ =	sdelay $0x4  }
0x116: {  	[tilespmem:s5+$0xB8] =	vst.add.f32.msk $0xffff, v1  }
.LBB2_21:
0x117: {  	s31 =	sadd.s32 $0x1, s31  }
0x118: {  	p2 =	seq.s32 s31, $0x0  }
.Ltmp13:
0x119: {  	_ = 	snop;
	(pc) =	sbr.rel @p2 .LBB2_22-.Ltmp13, $2  }
0x11a: {  	_ =	sdelay $0x2  }
0x11b: {  	s30 =	sadd.s32 $0x80, s30;
	s28 =	sadd.s32 $0x1, s28;
	s29 =	smov.u32 s2  }
.LBB2_16:
0x11c: {  	v1 =	vld.msk [tilespmem:s28+$0x0], $0x1;
	_ =	sdelay $0x4  }
0x11d: {  	(v2sf) =	vpush v1, $0x0;
	_ =	sdelay $0xe  }
0x11e: {  	s2 =	spop (v2sf)  }
0x11f: {  	p2 =	sne.s32 s29, s2  }
.Ltmp14:
0x120: {  	_ = 	snop;
	(pc) =	sbr.rel @!p2 .LBB2_17-.Ltmp14, $3  }
0x121: {  	_ =	sdelay $0x1  }
0x122: {  	s5 =	sshll.u32 s26, $0x8  }
0x123: {  	s5 =	sshra.s32 s5, $0x2  }
0x124: {  	p2 =	seq.s32 s29, s4  }
.Ltmp15:
0x125: {  	_ = 	snop;
	(pc) =	sbr.rel @!p2 .LBB2_19-.Ltmp15, $1  }
0x126: {  	_ =	sdelay $0x3  }
.Ltmp16:
0x127: {  	s5 =	sadd.s32 $0x88, s5;
	(pc) =	sbr.rel .LBB2_20-.Ltmp16, $4  }
0x128: {  	[spmem:s18] =	stream.linear.scatter [tilespmem:s5], [sflag:$0x1], $0x40, $0x38;
	[tilespmem:$0x1EF88] =	vst v63  }
0x129: {  	_ =	swait.ge [sflag:s13], $0x40  }
0x12a: {  	[sflag:s13] =	ssyncset.done $0x0  }
0x12b: {  	[sflag:s13] =	ssyncadd.s32 $0xFFFFFFC0  }
.LBB2_19:
0x12c: {  	s7 =	sshll.u32 s0, $0x8  }
0x12d: {  	s7 =	sshra.s32 s7, $0x2  }
0x12e: {  	v1 =	vld [tilespmem:s7+$0x50C8];
	_ =	sdelay $0x4  }
0x12f: {  	[tilespmem:s5+$0x88] =	vst.add.f32.msk $0xffff, v1  }
0x130: {  	v1 =	vld [tilespmem:s7+$0x50D8];
	_ =	sdelay $0x4  }
0x131: {  	[tilespmem:s5+$0x98] =	vst.add.f32.msk $0xffff, v1  }
0x132: {  	v1 =	vld [tilespmem:s7+$0x50E8];
	_ =	sdelay $0x4  }
0x133: {  	[tilespmem:s5+$0xA8] =	vst.add.f32.msk $0xffff, v1  }
0x134: {  	v1 =	vld [tilespmem:s7+$0x50F8];
	_ =	sdelay $0x2  }
0x135: {  	p2 =	sgt.u32 s29, $0x270F8  }
0x136: {  	s7 =	sand.u32 @!p2 $0x3FFF8, s29  }
0x137: {  	s8 =	sadd.s32 $0x88, s5;
	[tilespmem:s5+$0xB8] =	vst.add.f32.msk $0xffff, v1;
	s5 =	sadd.s32 @!p2 s1, s7;
	s7 =	sand.u32 @!p2 $0x7, s29  }
0x138: {  	[hbm4b:s5+s7] =	stream.linear.scatter @!p2 [tilespmem:s8], [sflag:$0xC], $0x40, $0x38;
	[tilespmem:$0x1EF88] =	vst v63  }
0x139: {  	s5 =	simm.s32 $0x0  }
0x13a: {  	s5 =	simm.s32 @!p2 $0x100  }
0x13b: {  	s3 =	sadd.s32 s5, s3  }
.LBB2_20:
0x13c: {  	s5 =	sadd.s32 $0x1, s26  }
0x13d: {  	s7 =	smulhi.u32 $0xCCCCCCCD, s5;
	_ =	sdelay $0x1  }
0x13e: {  	v1 =	vld [tilespmem:s30+$0xFFFFFFE0];
	s7 =	sshrl.u32 s7, $0x8  }
0x13f: {  	s7 =	smul.u32 $0x140, s7;
	_ =	sdelay $0x1  }
0x140: {  	s26 =	ssub.s32 s5, s7  }
0x141: {  	s5 =	sshll.u32 s26, $0x6  }
0x142: {  	[tilespmem:s5+$0x88] =	vst v1  }
0x143: {  	v1 =	vld [tilespmem:s30+$0xFFFFFFF0];
	_ =	sdelay $0x4  }
0x144: {  	[tilespmem:s5+$0x98] =	vst v1  }
0x145: {  	v1 =	vld [tilespmem:s30+$0x0];
	_ =	sdelay $0x4  }
0x146: {  	[tilespmem:s5+$0xA8] =	vst v1  }
0x147: {  	v1 =	vld [tilespmem:s30+$0x10]  }
.Ltmp17:
0x148: {  	_ = 	snop;
	(pc) =	sbr.rel .LBB2_21-.Ltmp17, $2  }
0x149: {  	_ =	sdelay $0x2  }
0x14a: {  	s0 =	sadd.s32 $0x1, s0;
	[tilespmem:s5+$0xB8] =	vst v1  }
.LBB2_23:
.Ltmp18:
0x14b: {  	(pc) =	sbr.rel .LBB2_24-.Ltmp18, $4  }
0x14c: {  	_ = 	snop  }
0x14d: {  	s0 =	simm.s32 $0x2  }
0x14e: {  	_ =	swait.ge [sflag:s0], $0x0  }
0x14f: {  	s2 =	smov.u32 s29;
	[sflag:s0] =	ssyncset.done $0x0;
	s0 =	simm.s32 $0x0  }
.LBB2_26:
0x150: {  	_ =	sfence.sel $0x180000  }
0x151: {  	s0 =	simm.s32 $0x9;
	[bflag:$0x0] =	sbarrier.arrive $0xFFFF  }
0x152: {  	s24 =	simm.s32 $0xA;
	[sflag:s0] =	ssyncpa.u1 $0x1  }
0x153: {  	s25 =	simm.s32 $0xB;
	[sflag:s24] =	ssyncpa.u1 $0x1  }
0x154: {  	s26 =	simm.s32 $0x2;
	[sflag:s25] =	ssyncpa.u1 $0x1  }
0x155: {  	[sflag:s26] =	ssyncpa.u1 $0x1  }
0x156: {  	v0 =	vld [tilespmem:$0xA108];
	_ =	sdelay $0x4  }
0x157: {  	(v2sf) =	vpush v0, $0x0  }
0x158: {  	(v2sf) =	vpush v0, $0x1;
	_ =	sdelay $0x1  }
0x159: {  	(v2sf) =	vpush v0, $0x2;
	_ =	sdelay $0xb  }
0x15a: {  	s0 =	spop (v2sf)  }
0x15b: {  	s2 =	spop (v2sf)  }
0x15c: {  	s3 =	smov.u32 s0;
	p0 =	sne.s32 s0, s2  }
0x15d: {  	s4 =	spop (v2sf);
	s3 =	simm.s32 @!p0 $0xFFFFFFFF  }
0x15e: {  	v2 =	vimm.s32 $0x1;
	v3 =	vlaneseq.u32;
	p0 =	seq.s32 s4, $0xFFFFFFFF;
	v1 =	vmov s3  }
0x15f: {  	s14 =	stileid.u32;
	v0 =	vperm.xlane v0, v2;
	p1 =	sne.s32 @!p0 s0, s2;
	v1 =	vperm.xlane v1, v3  }
0x160: {  	vm0 =	vcmask $0x3F04;
	s6 =	simm.s32 $0xA108;
	s0 =	simm.s32 @!p0 $0x1;
	p1 =	por !p1, p0  }
0x161: {  	s3 =	sshll.u32 s14, $0x1;
	s2 =	sshll.u32 @!p0 s4, $0x8;
	s0 =	simm.s32 @p1 $0x0;
	v0 =	vsel vm0, v1, v0  }
0x162: {  	s5 =	sor.u32 $0x800, s3;
	s2 =	sshra.s32 @!p0 s2, $0x2;
	s0 =	sor.u32 @!p0 s0, s3;
	[tilespmem:$0xA108] =	vst v0  }
0x163: {  	[spmem:s5] =	stream.linear.scatter [tilespmem:s6], [sflag:$0x1], $0x2, $0x38;
	[tilespmem:$0x1EF88] =	vst v63  }
0x164: {  	s2 =	sadd.s32 @!p0 $0x88, s2;
	s0 =	sshll.u32 @!p0 s0, $0x6  }
0x165: {  	[spmem:s0] =	stream.linear.scatter @!p0 [tilespmem:s2], [sflag:$0x1], $0x40, $0x38;
	[tilespmem:$0x1EF88] =	vst v63  }
0x166: {  	s0 =	simm.s32 @!p0 $0x42  }
0x167: {  	s28 =	simm.s32 $0x1;
	s0 =	simm.s32 @p0 $0x2  }
0x168: {  	_ =	swait.ge [sflag:s28], s0  }
0x169: {  	s0 =	ssub.s32 $0x0, s0;
	[sflag:s28] =	ssyncset.done $0x0  }
0x16a: {  	p0 =	sne.s32 s14, $0x0;
	[sflag:s28] =	ssyncadd.s32 s0  }
.Ltmp19:
0x16b: {  	_ =	sfence.stream.spmem;
	(pc) =	sbr.rel @p0 .LBB2_43-.Ltmp19, $4  }
0x16c: {  	s29 =	simm.s32 $0x3;
	[bflag:$0x0] =	sbarrier.arrive $0xFFFF  }
0x16d: {  	s30 =	simm.s32 $0x4;
	[sflag:s29] =	ssyncpa.u1 $0x1  }
0x16e: {  	s31 =	simm.s32 $0x3C;
	[sflag:s30] =	ssyncpa.u1 $0x1  }
0x16f: {  	s13 =	rddreg [dreg:$0x4];
	[sflag:s31] =	ssyncpa.u1 $0x1  }
0x170: {  	_ =	sfence.stream.spmem;
	s0 =	simm.s32 $0x5  }
0x171: {  	s2 =	simm.s32 $0x800;
	s3 =	simm.s32 $0xA118;
	[sflag:s0] =	ssyncpa.u1 $0x0  }
0x172: {  	[tilespmem:s3], [sflag:$0x5] =	stream.linear.gather [spmem:s2], $0x20, $0x38;
	[tilespmem:$0x1EF88] =	vst v63  }
0x173: {  	s26 =	simm.s32 $0x0;
	s28 =	simm.s32 $0xA138  }
0x174: {  	[tilespmem:s28], [sflag:$0x5] =	stream.linear.gather [spmem:s26], $0x800, $0x38;
	[tilespmem:$0x1EF88] =	vst v63  }
0x175: {  	_ =	swait.ge [sflag:s0], $0x820  }
0x176: {  	[sflag:s0] =	ssyncset.done $0x0  }
0x177: {  	s29 =	simm.s32 $0x0;
	[sflag:s0] =	ssyncadd.s32 $0xFFFFF7E0  }
0x178: {  	v0 =	vld.msk [tilespmem:s29+$0xA118], $0x1;
	_ =	sdelay $0x1  }
0x179: {  	s30 =	simm.s32 $0x1  }
0x17a: {  	v1 =	vld.msk [tilespmem:s30+$0xA118], $0x1;
	_ =	sdelay $0x1  }
0x17b: {  	(v2sf) =	vpush v0, $0x0;
	_ =	sdelay $0x2  }
0x17c: {  	(v2sf) =	vpush v1, $0x0;
	_ =	sdelay $0x2  }
0x17d: {  	s31 =	simm.s32 $0x2  }
0x17e: {  	v0 =	vld.msk [tilespmem:s31+$0xA118], $0x1;
	_ =	sdelay $0x2  }
0x17f: {  	s2 =	simm.s32 $0xFFFFFFFF;
	s3 =	simm.s32 $0xFFFFFFFF;
	s0 =	simm.s32 $0xC  }
.LBB2_28:
0x180: {  	s4 =	smov.u32 s3;
	s5 =	smov.u32 s2  }
0x181: {  	s2 =	sshra.s32 s0, $0x2;
	p1 =	sne.s32 s0, $0x7C;
	s0 =	sadd.s32 $0x4, s0;
	(v2sf) =	vpush v0, $0x0  }
0x182: {  	v0 =	vld.msk [tilespmem:s2+$0xA118], $0x1  }
.Ltmp20:
0x183: {  	(pc) =	sbr.rel @p1 .LBB2_28-.Ltmp20, $4  }
0x184: {  	s3 =	spop (v2sf)  }
0x185: {  	p2 =	sne.s32 s5, $0xFFFFFFFF;
	s2 =	smov.u32 s3  }
0x186: {  	p3 =	seq.s32 s3, $0xFFFFFFFF;
	s2 =	smov.u32 @p2 s5  }
0x187: {  	s3 =	smov.u32 @p3 s4;
	s2 =	smov.u32 @p3 s5  }
0x188: {  	(v2sf) =	vpush v0, $0x0;
	_ =	sdelay $0x8  }
0x189: {  	s0 =	spop (v2sf)  }
0x18a: {  	p1 =	sne.s32 s2, $0xFFFFFFFF;
	s4 =	smov.u32 s0  }
0x18b: {  	s6 =	simm.s32 $0x0;
	p2 =	seq.s32 s0, $0xFFFFFFFF;
	s4 =	smov.u32 @p1 s2  }
0x18c: {  	s9 =	simm.s32 $0xA0C8;
	s4 =	smov.u32 @p2 s2;
	s2 =	spop (v2sf)  }
0x18d: {  	s0 =	smov.u32 @p2 s3;
	p1 =	sne.s32 s4, $0xFFFFFFFF;
	s5 =	smov.u32 s2  }
.Ltmp21:
0x18e: {  	p2 =	seq.s32 s2, $0xFFFFFFFF;
	s5 =	smov.u32 @p1 s4;
	(pc) =	sbr.rel .LBB2_30-.Ltmp21, $4  }
0x18f: {  	s10 =	simm.s32 $0x0;
	s5 =	smov.u32 @p2 s4;
	s7 =	spop (v2sf)  }
0x190: {  	s2 =	smov.u32 @p2 s0;
	p1 =	sne.s32 s5, $0xFFFFFFFF;
	s8 =	smov.u32 s7  }
0x191: {  	s0 =	simm.s32 $0x6;
	p2 =	seq.s32 s7, $0xFFFFFFFF;
	s8 =	smov.u32 @p1 s5  }
0x192: {  	[sflag:s0] =	ssyncpa.u1 $0x0;
	s7 =	smov.u32 @p2 s2;
	s8 =	smov.u32 @p2 s5  }
.LBB2_36:
0x193: {  	p1 =	sgt.u32 s2, $0x270F8  }
0x194: {  	p2 =	seq.s32 @!p1 s2, s8  }
0x195: {  	p1 =	por p1, p2  }
0x196: {  	p2 =	sne.s32 @!p1 s2, s7  }
0x197: {  	p1 =	por p1, !p2  }
0x198: {  	s2 =	sshll.u32 @p1 s10, $0x8  }
0x199: {  	s3 =	sand.u32 @!p1 $0x3FFF8, s2  }
0x19a: {  	s2 =	sand.u32 @!p1 $0x7, s2;
	s3 =	sadd.s32 @!p1 s1, s3  }
0x19b: {  	[tilespmem:s9], [sflag:$0x6] =	stream.linear.gather @!p1 [hbm4b:s3+s2], $0x40, $0x38;
	[tilespmem:$0x1EF88] =	vst v63  }
0x19c: {  	_ =	swait.ge @!p1 [sflag:s0], $0x40  }
0x19d: {  	[sflag:s0] =	ssyncset.done @!p1 $0x0  }
0x19e: {  	[sflag:s0] =	ssyncadd.s32 @!p1 $0xFFFFFFC0  }
0x19f: {  	v1 =	vld @!p1 [tilespmem:$0xA0C8];
	_ =	sdelay $0x2  }
0x1a0: {  	s2 =	sshll.u32 @!p1 s10, $0x8  }
0x1a1: {  	s3 =	sshrl.u32 @!p1 s2, $0x2  }
0x1a2: {  	[tilespmem:s3+$0xA138] =	vst.add.f32.msk @!p1 $0xffff, v1  }
0x1a3: {  	v1 =	vld @!p1 [tilespmem:$0xA0D8];
	_ =	sdelay $0x4  }
0x1a4: {  	[tilespmem:s3+$0xA148] =	vst.add.f32.msk @!p1 $0xffff, v1  }
0x1a5: {  	v1 =	vld @!p1 [tilespmem:$0xA0E8];
	_ =	sdelay $0x4  }
0x1a6: {  	[tilespmem:s3+$0xA158] =	vst.add.f32.msk @!p1 $0xffff, v1  }
0x1a7: {  	v1 =	vld @!p1 [tilespmem:$0xA0F8];
	_ =	sdelay $0x4  }
0x1a8: {  	[tilespmem:s3+$0xA168] =	vst.add.f32.msk @!p1 $0xffff, v1  }
0x1a9: {  	s2 =	sshrl.u32 s2, $0x2;
	[tilespmem:s6+$0xA118] =	vst.msk $0x1, v0  }
0x1aa: {  	v0 =	vld [tilespmem:s2+$0xA138];
	_ =	sdelay $0x2  }
0x1ab: {  	s31 =	sshll.u32 s6, $0x8  }
0x1ac: {  	s3 =	sshra.s32 s31, $0x2  }
0x1ad: {  	[tilespmem:s3+$0xA138] =	vst v0  }
0x1ae: {  	v0 =	vld [tilespmem:s2+$0xA148];
	_ =	sdelay $0x4  }
0x1af: {  	[tilespmem:s3+$0xA148] =	vst v0  }
0x1b0: {  	v0 =	vld [tilespmem:s2+$0xA158];
	_ =	sdelay $0x4  }
0x1b1: {  	[tilespmem:s3+$0xA158] =	vst v0  }
0x1b2: {  	v0 =	vld [tilespmem:s2+$0xA168];
	_ =	sdelay $0x4  }
0x1b3: {  	s6 =	sadd.s32 $0x1, s6;
	[tilespmem:s3+$0xA168] =	vst v0  }
.LBB2_37:
0x1b4: {  	s10 =	sadd.s32 $0x1, s10  }
0x1b5: {  	p1 =	sne.s32 s10, $0x20  }
.Ltmp22:
0x1b6: {  	_ = 	snop;
	(pc) =	sbr.rel @!p1 .LBB2_38-.Ltmp22, $1  }
0x1b7: {  	_ =	sdelay $0x3  }
.LBB2_30:
0x1b8: {  	v0 =	vld.msk [tilespmem:s10+$0xA118], $0x1;
	_ =	sdelay $0x4  }
0x1b9: {  	(v2sf) =	vpush v0, $0x0;
	_ =	sdelay $0xe  }
0x1ba: {  	s2 =	spop (v2sf)  }
0x1bb: {  	p1 =	seq.s32 s2, $0xFFFFFFFF  }
.Ltmp23:
0x1bc: {  	_ = 	snop;
	(pc) =	sbr.rel @p1 .LBB2_37-.Ltmp23, $1  }
0x1bd: {  	_ =	sdelay $0x3  }
0x1be: {  	p1 =	slt.s32 s6, $0x1  }
.Ltmp24:
0x1bf: {  	_ = 	snop;
	(pc) =	sbr.rel @p1 .LBB2_36-.Ltmp24, $1  }
0x1c0: {  	_ =	sdelay $0x3  }
0x1c1: {  	s3 =	simm.s32 $0xA118;
	p1 =	por $0x0, $0x0  }
0x1c2: {  	v1 =	vld.msk @!p1 [tilespmem:s3+$0x0], $0x1;
	_ =	sdelay $0x4  }
0x1c3: {  	(v2sf) =	vpush @!p1 v1, $0x0;
	_ =	sdelay $0xd  }
0x1c4: {  	p3 =	sne.s32 s6, $0x1  }
.Ltmp25:
0x1c5: {  	s4 =	spop @!p1 (v2sf);
	(pc) =	sbr.rel @!p3 .LBB2_34-.Ltmp25, $4  }
0x1c6: {  	p2 =	seq.s32 @!p1 s2, s4  }
0x1c7: {  	s4 =	simm.s32 $0x0;
	p2 =	por !p2, p1  }
0x1c8: {  	s11 =	simm.s32 $0xFFFFFFFF;
	s4 =	simm.s32 @p2 $0xFFFFFFFF  }
0x1c9: {  	s5 =	simm.s32 $0x1;
	s4 =	smov.u32 @p1 s11  }
.LBB2_33:
0x1ca: {  	s11 =	smov.u32 s4;
	p1 =	sne.s32 s4, $0xFFFFFFFF  }
0x1cb: {  	s3 =	sadd.s32 $0x1, s3;
	s4 =	smov.u32 s5;
	s5 =	sadd.s32 $0x1, s5  }
0x1cc: {  	p2 =	sne.s32 s6, s5;
	v1 =	vld.msk @!p1 [tilespmem:s3+$0x0], $0x1;
	_ =	sdelay $0x4  }
0x1cd: {  	(v2sf) =	vpush @!p1 v1, $0x0;
	_ =	sdelay $0xe  }
.Ltmp26:
0x1ce: {  	s12 =	spop @!p1 (v2sf);
	(pc) =	sbr.rel @p2 .LBB2_33-.Ltmp26, $4  }
0x1cf: {  	p3 =	seq.s32 @!p1 s2, s12  }
0x1d0: {  	p3 =	por !p3, p1  }
0x1d1: {  	s4 =	simm.s32 @p3 $0xFFFFFFFF  }
0x1d2: {  	s4 =	smov.u32 @p1 s11  }
.LBB2_34:
0x1d3: {  	p1 =	seq.s32 s4, $0xFFFFFFFF  }
.Ltmp27:
0x1d4: {  	_ = 	snop;
	(pc) =	sbr.rel @p1 .LBB2_36-.Ltmp27, $1  }
0x1d5: {  	_ =	sdelay $0x3  }
0x1d6: {  	s2 =	sshll.u32 s10, $0x6  }
0x1d7: {  	s2 =	sand.u32 $0x3FFFFFC0, s2  }
0x1d8: {  	v0 =	vld [tilespmem:s2+$0xA138];
	_ =	sdelay $0x2  }
0x1d9: {  	s3 =	sshll.u32 s4, $0x8  }
0x1da: {  	s3 =	sshra.s32 s3, $0x2  }
0x1db: {  	[tilespmem:s3+$0xA138] =	vst.add.f32.msk $0xffff, v0  }
0x1dc: {  	v0 =	vld [tilespmem:s2+$0xA148];
	_ =	sdelay $0x4  }
0x1dd: {  	[tilespmem:s3+$0xA148] =	vst.add.f32.msk $0xffff, v0  }
0x1de: {  	v0 =	vld [tilespmem:s2+$0xA158];
	_ =	sdelay $0x4  }
0x1df: {  	[tilespmem:s3+$0xA158] =	vst.add.f32.msk $0xffff, v0  }
0x1e0: {  	v0 =	vld [tilespmem:s2+$0xA168]  }
.Ltmp28:
0x1e1: {  	_ = 	snop;
	(pc) =	sbr.rel .LBB2_37-.Ltmp28, $2  }
0x1e2: {  	_ =	sdelay $0x2  }
0x1e3: {  	[tilespmem:s3+$0xA168] =	vst.add.f32.msk $0xffff, v0  }
.LBB2_38:
0x1e4: {  	s0 =	simm.s32 $0x6;
	p1 =	seq.s32 s6, $0x0  }
0x1e5: {  	[sflag:s0] =	ssyncpa.u1 $0x1;
	v0 =	vimm.s32 @p1 $0xFFFFFFFF  }
0x1e6: {  	s0 =	sadd.s32 $0xFFFFFFFF, s6;
	[tilespmem:$0xA938] =	vst @p1 v0  }
0x1e7: {  	v0 =	vld.msk @!p1 [tilespmem:s0+$0xA118], $0x1;
	_ =	sdelay $0x1  }
0x1e8: {  	v1 =	vld.msk @!p1 [tilespmem:$0xA118], $0x1;
	_ =	sdelay $0x2  }
0x1e9: {  	p2 =	seq.s32 @!p1 s0, $0x0;
	v0 =	vbroadcast @!p1 v0, $0x0  }
0x1ea: {  	vm0 =	vmmov @!p1 $0x1;
	p2 =	por !p2, p1  }
0x1eb: {  	v1 =	vnsel @!p1 vm0, $0xFFFFFFFF, v1;
	vm0 =	vcmask @!p1 $0x308;
	v0 =	vpsel !p2, $0xFFFFFFFF, v0  }
0x1ec: {  	p2 =	sne.s32 @!p1 s8, s7;
	v0 =	vsel @!p1 vm0, v1, v0  }
0x1ed: {  	s2 =	simm.s32 @!p1 $0xA138;
	s3 =	simm.s32 @!p1 $0x0;
	p3 =	por !p2, p1;
	[tilespmem:$0xA938] =	vst @!p1 v0  }
0x1ee: {  	[spmem:s3] =	stream.linear.scatter @!p1 [tilespmem:s2], [sflag:$0x1], $0x40, $0x38;
	[tilespmem:$0x1EF88] =	vst v63  }
0x1ef: {  	s2 =	sshll.u32 @!p3 s0, $0x8  }
0x1f0: {  	s2 =	sshra.s32 @!p3 s2, $0x2  }
0x1f1: {  	s3 =	simm.s32 @!p3 $0x40;
	s2 =	sadd.s32 @!p3 $0xA138, s2  }
0x1f2: {  	[spmem:s3] =	stream.linear.scatter @!p3 [tilespmem:s2], [sflag:$0x1], $0x40, $0x38;
	[tilespmem:$0x1EF88] =	vst v63  }
0x1f3: {  	s2 =	simm.s32 @!p3 $0x1  }
0x1f4: {  	_ =	swait.ge @!p3 [sflag:s2], $0x80  }
0x1f5: {  	p1 =	por p2, p1;
	[sflag:s2] =	ssyncset.done @!p3 $0x0  }
0x1f6: {  	[sflag:s2] =	ssyncadd.s32 @!p3 $0xFFFFFF80;
	s2 =	simm.s32 @!p1 $0x1  }
0x1f7: {  	_ =	swait.ge @!p1 [sflag:s2], $0x40  }
0x1f8: {  	s29 =	simm.s32 $0xA938;
	[sflag:s2] =	ssyncset.done @!p1 $0x0  }
0x1f9: {  	s30 =	simm.s32 $0x800;
	s31 =	simm.s32 $0x1;
	[sflag:s2] =	ssyncadd.s32 @!p1 $0xFFFFFFC0  }
0x1fa: {  	[spmem:s30] =	stream.linear.scatter [tilespmem:s29], [sflag:$0x1], $0x10, $0x38;
	[tilespmem:$0x1EF88] =	vst v63  }
0x1fb: {  	_ =	swait.ge [sflag:s31], $0x10  }
0x1fc: {  	[sflag:s31] =	ssyncset.done $0x0  }
0x1fd: {  	p1 =	seq.s32 s13, $0x0;
	s9 =	rddreg [dreg:$0x1];
	[sflag:s31] =	ssyncadd.s32 $0xFFFFFFF0  }
0x1fe: {  	s3 =	sshll.u32 @p1 s9, $0xE;
	s8 =	rddreg [dreg:$0x2]  }
0x1ff: {  	s2 =	sadd.s32 @p1 $0x15C3C, s3;
	s3 =	sshll.u32 @p1 s8, $0x11  }
0x200: {  	_ =	sfence.stream.spmem;
	s2 =	sor.u32 @p1 s3, s2  }
0x201: {  	[sflag:s2] =	ssyncadd.remote.s32 @p1 $0x1;
	s2 =	simm.s32 @p1 $0x4  }
0x202: {  	s4 =	simm.s32 @!p1 $0x3C;
	s3 =	sand.u32 $0xFFFFFFFE, s9;
	_ =	swait.ge @p1 [sflag:s2], $0x12  }
0x203: {  	s5 =	simm.s32 @!p1 $0x0;
	s3 =	sadd.s32 @!p1 $0x4, s3;
	[sflag:s2] =	ssyncset.done @p1 $0x0  }
0x204: {  	s7 =	simm.s32 @!p1 $0x80;
	[sflag:s2] =	ssyncadd.s32 @p1 $0xFFFFFFEE;
	s2 =	sshll.u32 @!p1 s3, $0x1A  }
0x205: {  	s3 =	sshll.u32 @!p1 s3, $0xD;
	s2 =	sor.u32 @!p1 s2, s8;
	_ =	swait.eq @!p1 [sflag:s4], $0x1  }
0x206: {  	s3 =	sor.u32 @!p1 $0x1C04, s3;
	s4 =	simm.s32 @!p1 $0x1C03;
	s2 =	sor.u32 @!p1 $0x80004000, s2  }
0x207: {  	[spmem:s7], [sflag:s3] =	dma.general @!p1 [spmem:s5], [sflag:s4], length:$0x10, [dreg:$0x0], stride_count:$0x0, ici_dest:s2, dma_misc:DstOpCode:WRITE  }
0x208: {  	p2 =	slt.s32 s0, $0x2;
	s5 =	simm.s32 @!p1 $0x100;
	s7 =	simm.s32 @!p1 $0x102  }
0x209: {  	[spmem:s7], [sflag:s3] =	dma.general @!p1 [spmem:s5], [sflag:s4], length:$0x2, [dreg:$0x0], stride_count:$0x0, ici_dest:s2, dma_misc:DstOpCode:WRITE  }
.Ltmp29:
0x20a: {  	s2 =	simm.s32 @!p1 $0x3;
	(pc) =	sbr.rel @p2 .LBB2_42-.Ltmp29, $4  }
0x20b: {  	s3 =	sshll.u32 @!p1 s9, $0xE;
	_ =	swait.ge @!p1 [sflag:s2], $0x12  }
0x20c: {  	s4 =	sshll.u32 @!p1 s8, $0x11;
	s3 =	sadd.s32 @!p1 $0x11C3C, s3;
	[sflag:s2] =	ssyncset.done @!p1 $0x0  }
0x20d: {  	[sflag:s2] =	ssyncadd.s32 @!p1 $0xFFFFFFEE;
	s2 =	sor.u32 @!p1 s4, s3  }
0x20e: {  	s0 =	simm.s32 $0x0;
	[sflag:s2] =	ssyncadd.remote.s32 @!p1 $0xFFFFFFFF  }
0x20f: {  	s0 =	simm.s32 $0xA119  }
0x210: {  	v0 =	vld.msk [tilespmem:s0+$0x0], $0x1;
	_ =	sdelay $0x4  }
0x211: {  	(v2sf) =	vpush v0, $0x0;
	_ =	sdelay $0xc  }
0x212: {  	s2 =	sadd.s32 $0xFFFFFFFE, s6  }
0x213: {  	s2 =	sadd.s32 $0xFFFFFFFF, s2  }
0x214: {  	p2 =	sne.s32 s2, $0x0;
	s3 =	spop (v2sf)  }
.Ltmp30:
0x215: {  	p1 =	sgt.u32 s3, $0x270F8;
	(pc) =	sbr.rel @!p2 .LBB2_41-.Ltmp30, $4  }
0x216: {  	s5 =	simm.s32 $0x0;
	s4 =	sand.u32 @!p1 $0x3FFF8, s3  }
0x217: {  	s0 =	simm.s32 $0xA178;
	s3 =	sand.u32 @!p1 $0x7, s3;
	s4 =	sadd.s32 @!p1 s1, s4  }
0x218: {  	[hbm4b:s4+s3] =	stream.linear.scatter @!p1 [tilespmem:s0], [sflag:$0x5], $0x40, $0x38;
	[tilespmem:$0x1EF88] =	vst v63  }
0x219: {  	s5 =	simm.s32 @!p1 $0x100;
	s3 =	simm.s32 $0x0;
	s4 =	simm.s32 $0xA11A  }
.LBB2_40:
0x21a: {  	v0 =	vld.msk [tilespmem:s4+$0x0], $0x1;
	s2 =	sadd.s32 $0xFFFFFFFF, s2;
	s3 =	sadd.s32 s3, s5  }
0x21b: {  	p1 =	sne.s32 s2, $0x0;
	_ =	sdelay $0x3  }
0x21c: {  	(v2sf) =	vpush v0, $0x0;
	_ =	sdelay $0xe  }
.Ltmp31:
0x21d: {  	s6 =	spop (v2sf);
	(pc) =	sbr.rel @p1 .LBB2_40-.Ltmp31, $4  }
0x21e: {  	s5 =	simm.s32 $0x0;
	p2 =	sgt.u32 s6, $0x270F8  }
0x21f: {  	s0 =	sadd.s32 $0x40, s0;
	s5 =	simm.s32 @!p2 $0x100;
	s7 =	sand.u32 @!p2 $0x3FFF8, s6  }
0x220: {  	s4 =	sadd.s32 $0x1, s4;
	s6 =	sand.u32 @!p2 $0x7, s6;
	s7 =	sadd.s32 @!p2 s1, s7  }
0x221: {  	[hbm4b:s7+s6] =	stream.linear.scatter @!p2 [tilespmem:s0], [sflag:$0x5], $0x40, $0x38;
	[tilespmem:$0x1EF88] =	vst v63  }
.LBB2_41:
0x222: {  	s0 =	sadd.s32 s3, s5  }
0x223: {  	s0 =	sshrl.u32 s0, $0x2  }
.LBB2_42:
0x224: {  	s2 =	simm.s32 $0x5  }
0x225: {  	_ =	swait.ge [sflag:s2], s0  }
0x226: {  	s31 =	ssub.s32 $0x0, s0;
	[sflag:s2] =	ssyncset.done $0x0  }
0x227: {  	[sflag:s2] =	ssyncadd.s32 s31  }
0x228: {  	[sflag:s2] =	ssyncpa.u1 $0x1  }
.LBB2_43:
0x229: {  	s0 =	sor.u32 s13, s14  }
0x22a: {  	p1 =	sne.s32 s0, $0x0  }
.Ltmp32:
0x22b: {  	_ = 	snop;
	(pc) =	sbr.rel @p1 .LBB2_58-.Ltmp32, $3  }
0x22c: {  	_ =	sdelay $0x1  }
0x22d: {  	[bflag:$0x0] =	sbarrier.arrive $0xFFFF  }
0x22e: {  	_ =	sfence  }
0x22f: {  	s2 =	simm.s32 $0x7  }
0x230: {  	s0 =	simm.s32 $0x800;
	s3 =	simm.s32 $0xA118;
	[sflag:s2] =	ssyncpa.u1 $0x0  }
0x231: {  	[tilespmem:s3], [sflag:$0x7] =	stream.linear.gather [spmem:s0], $0x20, $0x38;
	[tilespmem:$0x1EF88] =	vst v63  }
0x232: {  	s30 =	simm.s32 $0xA138;
	s0 =	simm.s32 $0x0  }
0x233: {  	[tilespmem:s30], [sflag:$0x7] =	stream.linear.gather [spmem:s0], $0x800, $0x38;
	[tilespmem:$0x1EF88] =	vst v63  }
.Ltmp33:
0x234: {  	_ = 	snop;
	(pc) =	sbr.rel .LBB2_45-.Ltmp33, $4  }
0x235: {  	_ =	swait.ge [sflag:s2], $0x820  }
0x236: {  	[sflag:s2] =	ssyncset.done $0x0  }
0x237: {  	s31 =	simm.s32 $0x8;
	[sflag:s2] =	ssyncadd.s32 $0xFFFFF7E0  }
0x238: {  	s2 =	simm.s32 $0x0;
	[sflag:s31] =	ssyncpa.u1 $0x0  }
.LBB2_51:
0x239: {  	p1 =	slt.u32 s3, $0x270F9  }
0x23a: {  	s4 =	sand.u32 @p1 $0x3FFF8, s3  }
0x23b: {  	s3 =	sand.u32 @p1 $0x7, s3;
	s5 =	simm.s32 @p1 $0xA0C8;
	s4 =	sadd.s32 @p1 s1, s4  }
0x23c: {  	[tilespmem:s5], [sflag:$0x8] =	stream.linear.gather @p1 [hbm4b:s4+s3], $0x40, $0x38;
	[tilespmem:$0x1EF88] =	vst v63  }
0x23d: {  	s3 =	simm.s32 @p1 $0x8  }
0x23e: {  	_ =	swait.ge @p1 [sflag:s3], $0x40  }
0x23f: {  	[sflag:s3] =	ssyncset.done @p1 $0x0  }
0x240: {  	[sflag:s3] =	ssyncadd.s32 @p1 $0xFFFFFFC0  }
0x241: {  	v1 =	vld @p1 [tilespmem:$0xA0C8];
	_ =	sdelay $0x2  }
0x242: {  	s3 =	sshll.u32 @p1 s2, $0x8  }
0x243: {  	s4 =	sshrl.u32 @p1 s3, $0x2  }
0x244: {  	[tilespmem:s4+$0xA138] =	vst.add.f32.msk @p1 $0xffff, v1  }
0x245: {  	v1 =	vld @p1 [tilespmem:$0xA0D8];
	_ =	sdelay $0x4  }
0x246: {  	[tilespmem:s4+$0xA148] =	vst.add.f32.msk @p1 $0xffff, v1  }
0x247: {  	v1 =	vld @p1 [tilespmem:$0xA0E8];
	_ =	sdelay $0x4  }
0x248: {  	[tilespmem:s4+$0xA158] =	vst.add.f32.msk @p1 $0xffff, v1  }
0x249: {  	v1 =	vld @p1 [tilespmem:$0xA0F8];
	_ =	sdelay $0x3  }
0x24a: {  	s5 =	sshll.u32 @!p1 s2, $0x8  }
0x24b: {  	s5 =	smov.u32 @p1 s3;
	[tilespmem:s4+$0xA168] =	vst.add.f32.msk @p1 $0xffff, v1  }
0x24c: {  	s3 =	sshrl.u32 s5, $0x2;
	[tilespmem:s0+$0xA118] =	vst.msk $0x1, v0  }
0x24d: {  	v0 =	vld [tilespmem:s3+$0xA138];
	_ =	sdelay $0x2  }
0x24e: {  	s31 =	sshll.u32 s0, $0x8  }
0x24f: {  	s4 =	sshra.s32 s31, $0x2  }
0x250: {  	[tilespmem:s4+$0xA138] =	vst v0  }
0x251: {  	v0 =	vld [tilespmem:s3+$0xA148];
	_ =	sdelay $0x4  }
0x252: {  	[tilespmem:s4+$0xA148] =	vst v0  }
0x253: {  	v0 =	vld [tilespmem:s3+$0xA158];
	_ =	sdelay $0x4  }
0x254: {  	[tilespmem:s4+$0xA158] =	vst v0  }
0x255: {  	v0 =	vld [tilespmem:s3+$0xA168];
	_ =	sdelay $0x4  }
0x256: {  	s0 =	sadd.s32 $0x1, s0;
	[tilespmem:s4+$0xA168] =	vst v0  }
.LBB2_52:
0x257: {  	s2 =	sadd.s32 $0x1, s2  }
0x258: {  	p1 =	sne.s32 s2, $0x20  }
.Ltmp34:
0x259: {  	_ = 	snop;
	(pc) =	sbr.rel @!p1 .LBB2_53-.Ltmp34, $1  }
0x25a: {  	_ =	sdelay $0x3  }
.LBB2_45:
0x25b: {  	v0 =	vld.msk [tilespmem:s2+$0xA118], $0x1;
	_ =	sdelay $0x4  }
0x25c: {  	(v2sf) =	vpush v0, $0x0;
	_ =	sdelay $0xe  }
0x25d: {  	s3 =	spop (v2sf)  }
0x25e: {  	p1 =	seq.s32 s3, $0xFFFFFFFF  }
.Ltmp35:
0x25f: {  	_ = 	snop;
	(pc) =	sbr.rel @p1 .LBB2_52-.Ltmp35, $1  }
0x260: {  	_ =	sdelay $0x3  }
0x261: {  	p1 =	slt.s32 s0, $0x1  }
.Ltmp36:
0x262: {  	_ = 	snop;
	(pc) =	sbr.rel @p1 .LBB2_51-.Ltmp36, $1  }
0x263: {  	_ =	sdelay $0x3  }
0x264: {  	s4 =	simm.s32 $0xA118;
	p1 =	por $0x0, $0x0  }
0x265: {  	v1 =	vld.msk @!p1 [tilespmem:s4+$0x0], $0x1;
	_ =	sdelay $0x4  }
0x266: {  	(v2sf) =	vpush @!p1 v1, $0x0;
	_ =	sdelay $0xd  }
0x267: {  	p3 =	sne.s32 s0, $0x1  }
.Ltmp37:
0x268: {  	s5 =	spop @!p1 (v2sf);
	(pc) =	sbr.rel @!p3 .LBB2_49-.Ltmp37, $4  }
0x269: {  	p2 =	seq.s32 @!p1 s3, s5  }
0x26a: {  	s5 =	simm.s32 $0x0;
	p2 =	por !p2, p1  }
0x26b: {  	s7 =	simm.s32 $0xFFFFFFFF;
	s5 =	simm.s32 @p2 $0xFFFFFFFF  }
0x26c: {  	s6 =	simm.s32 $0x1;
	s5 =	smov.u32 @p1 s7  }
.LBB2_48:
0x26d: {  	s7 =	smov.u32 s5;
	p1 =	sne.s32 s5, $0xFFFFFFFF  }
0x26e: {  	s4 =	sadd.s32 $0x1, s4;
	s5 =	smov.u32 s6;
	s6 =	sadd.s32 $0x1, s6  }
0x26f: {  	p2 =	sne.s32 s0, s6;
	v1 =	vld.msk @!p1 [tilespmem:s4+$0x0], $0x1;
	_ =	sdelay $0x4  }
0x270: {  	(v2sf) =	vpush @!p1 v1, $0x0;
	_ =	sdelay $0xe  }
.Ltmp38:
0x271: {  	s8 =	spop @!p1 (v2sf);
	(pc) =	sbr.rel @p2 .LBB2_48-.Ltmp38, $4  }
0x272: {  	p3 =	seq.s32 @!p1 s3, s8  }
0x273: {  	p3 =	por !p3, p1  }
0x274: {  	s5 =	simm.s32 @p3 $0xFFFFFFFF  }
0x275: {  	s5 =	smov.u32 @p1 s7  }
.LBB2_49:
0x276: {  	p1 =	seq.s32 s5, $0xFFFFFFFF  }
.Ltmp39:
0x277: {  	_ = 	snop;
	(pc) =	sbr.rel @p1 .LBB2_51-.Ltmp39, $1  }
0x278: {  	_ =	sdelay $0x3  }
0x279: {  	s3 =	sshll.u32 s2, $0x6  }
0x27a: {  	s3 =	sand.u32 $0x3FFFFFC0, s3  }
0x27b: {  	v0 =	vld [tilespmem:s3+$0xA138];
	_ =	sdelay $0x2  }
0x27c: {  	s4 =	sshll.u32 s5, $0x8  }
0x27d: {  	s4 =	sshra.s32 s4, $0x2  }
0x27e: {  	[tilespmem:s4+$0xA138] =	vst.add.f32.msk $0xffff, v0  }
0x27f: {  	v0 =	vld [tilespmem:s3+$0xA148];
	_ =	sdelay $0x4  }
0x280: {  	[tilespmem:s4+$0xA148] =	vst.add.f32.msk $0xffff, v0  }
0x281: {  	v0 =	vld [tilespmem:s3+$0xA158];
	_ =	sdelay $0x4  }
0x282: {  	[tilespmem:s4+$0xA158] =	vst.add.f32.msk $0xffff, v0  }
0x283: {  	v0 =	vld [tilespmem:s3+$0xA168]  }
.Ltmp40:
0x284: {  	_ = 	snop;
	(pc) =	sbr.rel .LBB2_52-.Ltmp40, $2  }
0x285: {  	_ =	sdelay $0x2  }
0x286: {  	[tilespmem:s4+$0xA168] =	vst.add.f32.msk $0xffff, v0  }
.LBB2_53:
0x287: {  	p1 =	slt.s32 s0, $0x1  }
.Ltmp41:
0x288: {  	_ = 	snop;
	(pc) =	sbr.rel @p1 .LBB2_57-.Ltmp41, $3  }
0x289: {  	_ =	sdelay $0x1  }
0x28a: {  	s2 =	simm.s32 $0x8  }
0x28b: {  	[sflag:s2] =	ssyncpa.u1 $0x1;
	s2 =	simm.s32 $0x0  }
0x28c: {  	s3 =	simm.s32 $0xA118  }
0x28d: {  	v0 =	vld.msk [tilespmem:s3+$0x0], $0x1;
	_ =	sdelay $0x4  }
0x28e: {  	(v2sf) =	vpush v0, $0x0;
	_ =	sdelay $0xe  }
0x28f: {  	s0 =	sadd.s32 $0xFFFFFFFF, s0;
	s4 =	spop (v2sf)  }
0x290: {  	p2 =	sne.s32 s0, $0x0;
	p1 =	sgt.u32 s4, $0x270F8  }
.Ltmp42:
0x291: {  	s5 =	sand.u32 @!p1 $0x3FFF8, s4;
	(pc) =	sbr.rel @!p2 .LBB2_56-.Ltmp42, $4  }
0x292: {  	s3 =	simm.s32 $0xA138;
	s4 =	sand.u32 @!p1 $0x7, s4;
	s5 =	sadd.s32 @!p1 s1, s5  }
0x293: {  	[hbm4b:s5+s4] =	stream.linear.scatter @!p1 [tilespmem:s3], [sflag:$0x7], $0x40, $0x38;
	[tilespmem:$0x1EF88] =	vst v63  }
0x294: {  	s5 =	simm.s32 $0x0  }
0x295: {  	s4 =	simm.s32 $0xA119;
	s5 =	simm.s32 @!p1 $0x100  }
.LBB2_55:
0x296: {  	v0 =	vld.msk [tilespmem:s4+$0x0], $0x1;
	s0 =	sadd.s32 $0xFFFFFFFF, s0;
	s2 =	sadd.s32 s2, s5  }
0x297: {  	p1 =	sne.s32 s0, $0x0;
	_ =	sdelay $0x3  }
0x298: {  	(v2sf) =	vpush v0, $0x0;
	_ =	sdelay $0xe  }
.Ltmp43:
0x299: {  	s6 =	spop (v2sf);
	(pc) =	sbr.rel @p1 .LBB2_55-.Ltmp43, $4  }
0x29a: {  	s5 =	simm.s32 $0x0;
	p2 =	sgt.u32 s6, $0x270F8  }
0x29b: {  	s3 =	sadd.s32 $0x40, s3;
	s5 =	simm.s32 @!p2 $0x100;
	s7 =	sand.u32 @!p2 $0x3FFF8, s6  }
0x29c: {  	s4 =	sadd.s32 $0x1, s4;
	s6 =	sand.u32 @!p2 $0x7, s6;
	s7 =	sadd.s32 @!p2 s1, s7  }
0x29d: {  	[hbm4b:s7+s6] =	stream.linear.scatter @!p2 [tilespmem:s3], [sflag:$0x7], $0x40, $0x38;
	[tilespmem:$0x1EF88] =	vst v63  }
.LBB2_56:
0x29e: {  	s0 =	sadd.s32 s2, s5  }
0x29f: {  	s2 =	sshrl.u32 s0, $0x2  }
.LBB2_57:
0x2a0: {  	s0 =	simm.s32 $0x7  }
0x2a1: {  	_ =	swait.ge [sflag:s0], s2  }
0x2a2: {  	s1 =	ssub.s32 $0x0, s2;
	[sflag:s0] =	ssyncset.done $0x0  }
0x2a3: {  	[sflag:s0] =	ssyncadd.s32 s1  }
0x2a4: {  	[sflag:s0] =	ssyncpa.u1 $0x1  }
.LBB2_58:
0x2a5: {  	_ =	sfence;
	s0 =	simm.s32 $0x1  }
0x2a6: {  	[sflag:s0] =	ssyncpa.u1 $0x1  }
0x2a7: {  	_ =	strace $0x9000004A  }
0x2a8: {  	[bflag:$0x2] =	sbarrier.arrive $0xFFFF  }
0x2a9: {  	s0 =	rddreg [dreg:$0x3]  }
0x2aa: {  	s0 =	sadd.s32 @!p0 $0x100000, s0  }
0x2ab: {  	[sflag:s0] =	ssyncadd.tile.s32 @!p0 $0x1;
	_ =	shalt  }
.Lfunc_end2:
_tile_overlayer_lowered:
.L_overlay_start_2:
0x2ac: {  	(tag) =	ssettag $0x2  }
0x2ad: {  	s0 =	rddreg [dreg:$0x0];
	s2 =	stileid.u32  }
0x2ae: {  	s1 =	rddreg [dreg:$0x1];
	p0 =	sne.s32 s2, $0x0  }
0x2af: {  	s3 =	rddreg [dreg:$0x2];
	[bflag:$0x3] =	sbarrier.arrive $0xFFFF;
	s2 =	simm.s32 @!p0 $0x1C01  }
0x2b0: {  	[timem:s3], [sflag:s2] =	dma.local @!p0 [hbm:s0], s1  }
0x2b1: {  	s0 =	simm.s32 @!p0 $0x1  }
0x2b2: {  	_ =	swait.ge @!p0 [sflag:s0], s1  }
0x2b3: {  	s1 =	ssub.s32 @!p0 $0x0, s1;
	[sflag:s0] =	ssyncset.done @!p0 $0x0  }
0x2b4: {  	[sflag:s0] =	ssyncadd.s32 @!p0 s1  }
0x2b5: {  	[bflag:$0x3] =	sbarrier.arrive $0xFFFF  }
0x2b6: {  	_ =	shalt  }

// kernel: scatter_offload_async_start
scs
__scs_entry_jumppad:
0x0: {  	(pc) =	sbr.rel $0x88, $3  }
0x1: {  	(tag) =	ssettag $0x0;
	lr =	simm.s32 $0x1  }
0x2: {  	[smem:$0x3F97] =	sst lr;
	_ =	strace $0xD0000000  }
0x3: {  	_ = 	snop  }
0x4: {  	_ = 	snop  }
0x5: {  	_ = 	snop  }
0x6: {  	_ = 	snop  }
0x7: {  	_ = 	snop  }
__scs_overlays_trampoline_lowered:
0x8: {  	[smem:$0x3FA6] =	sst s0  }
0x9: {  	[smem:$0x3FA7] =	sst s1  }
0xa: {  	[smem:$0x3FA8] =	sst s2  }
0xb: {  	[smem:$0x3FA9] =	sst s3  }
0xc: {  	[smem:$0x3FAA] =	sst s4  }
0xd: {  	[smem:$0x3FAB] =	sst s5  }
0xe: {  	[smem:$0x3FAC] =	sst s6  }
0xf: {  	[smem:$0x3FAD] =	sst s7  }
0x10: {  	[smem:$0x3FAE] =	sst s8  }
0x11: {  	[smem:$0x3FAF] =	sst s9;
	s0 =	simm.s32 @!p0 $0x0  }
0x12: {  	s1 =	sld [smem:$0x3F95];
	s0 =	simm.s32 @p0 $0x1  }
0x13: {  	[smem:$0x3FB0] =	sst s0;
	s0 =	simm.s32 @!p1 $0x0  }
0x14: {  	s2 =	sld [smem:$0x3F94];
	s0 =	simm.s32 @p1 $0x1  }
0x15: {  	[smem:$0x3FB1] =	sst s0;
	s0 =	simm.s32 @!p2 $0x0  }
0x16: {  	s3 =	sld [smem:$0x3FDB];
	s0 =	simm.s32 @p2 $0x1  }
0x17: {  	s4 =	simm.s32 $0x1BF5;
	[smem:$0x3FB3] =	sst s0  }
0x18: {  	s0 =	sld [smem:$0x3F96];
	_ =	swait.ge [sflag:s4], $0x0  }
0x19: {  	s7 =	sld [smem:$0x3F97]  }
0x1a: {  	s8 =	sadd.s32 $0xFFFFE003, lr  }
0x1b: {  	s9 =	sadd.s32 $0xFFFFFEF7, lr;
	s5 =	simm.s32 $0xFFFFFFFF;
	p2 =	slt.u32 s8, $0xFFFFF086  }
0x1c: {  	p1 =	slt.u32 s9, $0xF7A;
	s5 =	simm.s32 @!p2 $0x0  }
0x1d: {  	s5 =	simm.s32 @p1 $0x1;
	p0 =	seq.s32 s7, s2  }
0x1e: {  	s7 =	smul.u32 @!p0 $0xF7A, s2;
	p2 =	seq.s32 @!p0 s5, $0x0  }
0x1f: {  	s9 =	smul.u32 $0xF7A, s1;
	s8 =	simm.s32 @!p0 $0x1BF5;
	p2 =	por !p2, p0  }
0x20: {  	[sflag:s8] =	ssyncset.s32 @!p0 $0xFFFFF086;
	s6 =	sadd.s32 @!p0 s3, s7;
	s7 =	simm.s32 @!p0 $0x108  }
0x21: {  	s3 =	sadd.s32 s3, s9;
	s6 =	sadd.s32 @!p0 $0x88, s6;
	s7 =	simm.s32 @p2 $0x1082  }
0x22: {  	[simem:s7], [sflag:s8] =	dma.local @!p0 [hbm:s6], $0xF7A  }
0x23: {  	s9 =	sor.u32 $0xD0000000, s2;
	s6 =	simm.s32 $0x108;
	_ =	swait.ge @!p0 [sflag:s8], $0x0  }
0x24: {  	s3 =	sadd.s32 $0x88, s3;
	s6 =	simm.s32 @!p1 $0x1082;
	[sflag:s4] =	ssyncset.s32 $0xFFFFF086  }
0x25: {  	[simem:s6], [sflag:s4] =	dma.local [hbm:s3], $0xF7A  }
0x26: {  	[smem:$0x3F97] =	sst s1;
	(tag) =	ssettag s2;
	_ =	strace s9  }
0x27: {  	s1 =	sld [smem:$0x3FA7]  }
0x28: {  	s2 =	sld [smem:$0x3FA8]  }
0x29: {  	s4 =	sld [smem:$0x3FAA]  }
0x2a: {  	p0 =	seq.s32 s5, $0x0;
	s5 =	sld [smem:$0x3FAB]  }
0x2b: {  	s6 =	sld [smem:$0x3FAC]  }
0x2c: {  	s7 =	sld [smem:$0x3FAD]  }
0x2d: {  	s3 =	simm.s32 $0x108;
	s8 =	sld [smem:$0x3FAE]  }
0x2e: {  	s3 =	simm.s32 @!p0 $0x1082;
	s9 =	sld [smem:$0x3FAF]  }
0x2f: {  	lr =	sadd.s32 s0, s3;
	s0 =	sld [smem:$0x3FA6]  }
0x30: {  	s3 =	sld [smem:$0x3FA9]  }
0x31: {  	[smem:$0x3FB2] =	sst s10  }
0x32: {  	s10 =	sld [smem:$0x3FB0];
	_ =	sdelay $0x3  }
0x33: {  	p0 =	seq.s32 s10, $0x1;
	s10 =	sld [smem:$0x3FB2];
	_ =	sdelay $0x3  }
0x34: {  	[smem:$0x3FB2] =	sst s10  }
0x35: {  	s10 =	sld [smem:$0x3FB1];
	_ =	sdelay $0x3  }
0x36: {  	p1 =	seq.s32 s10, $0x1;
	s10 =	sld [smem:$0x3FB2];
	_ =	sdelay $0x3  }
0x37: {  	[smem:$0x3FB2] =	sst s10  }
0x38: {  	s10 =	sld [smem:$0x3FB3]  }
0x39: {  	_ = 	snop;
	(pc) =	sbr.ind lr, $3  }
0x3a: {  	_ = 	snop  }
0x3b: {  	_ = 	snop  }
0x3c: {  	p2 =	seq.s32 s10, $0x1;
	s10 =	sld [smem:$0x3FB2]  }
0x3d: {  	_ =	shalt  }
0x3e: {  	_ =	shalt  }
0x3f: {  	_ =	shalt  }
0x40: {  	_ =	shalt  }
0x41: {  	_ =	shalt  }
0x42: {  	_ =	shalt  }
0x43: {  	_ =	shalt  }
0x44: {  	_ =	shalt  }
0x45: {  	_ =	shalt  }
0x46: {  	_ =	shalt  }
0x47: {  	_ =	shalt  }
0x48: {  	_ =	shalt  }
0x49: {  	_ =	shalt  }
0x4a: {  	_ =	shalt  }
0x4b: {  	_ =	shalt  }
0x4c: {  	_ =	shalt  }
0x4d: {  	_ =	shalt  }
0x4e: {  	_ =	shalt  }
0x4f: {  	_ =	shalt  }
0x50: {  	_ =	shalt  }
0x51: {  	_ =	shalt  }
0x52: {  	_ =	shalt  }
0x53: {  	_ =	shalt  }
0x54: {  	_ =	shalt  }
0x55: {  	_ =	shalt  }
0x56: {  	_ =	shalt  }
0x57: {  	_ =	shalt  }
0x58: {  	_ =	shalt  }
0x59: {  	_ =	shalt  }
0x5a: {  	_ =	shalt  }
0x5b: {  	_ =	shalt  }
0x5c: {  	_ =	shalt  }
0x5d: {  	_ =	shalt  }
0x5e: {  	_ =	shalt  }
0x5f: {  	_ =	shalt  }
0x60: {  	_ =	shalt  }
0x61: {  	_ =	shalt  }
0x62: {  	_ =	shalt  }
0x63: {  	_ =	shalt  }
0x64: {  	_ =	shalt  }
0x65: {  	_ =	shalt  }
0x66: {  	_ =	shalt  }
0x67: {  	_ =	shalt  }
0x68: {  	_ =	shalt  }
0x69: {  	_ =	shalt  }
0x6a: {  	_ =	shalt  }
0x6b: {  	_ =	shalt  }
0x6c: {  	_ =	shalt  }
0x6d: {  	_ =	shalt  }
0x6e: {  	_ =	shalt  }
0x6f: {  	_ =	shalt  }
0x70: {  	_ =	shalt  }
0x71: {  	_ =	shalt  }
0x72: {  	_ =	shalt  }
0x73: {  	_ =	shalt  }
0x74: {  	_ =	shalt  }
0x75: {  	_ =	shalt  }
0x76: {  	_ =	shalt  }
0x77: {  	_ =	shalt  }
0x78: {  	_ =	shalt  }
0x79: {  	_ =	shalt  }
0x7a: {  	_ =	shalt  }
0x7b: {  	_ =	shalt  }
0x7c: {  	_ =	shalt  }
0x7d: {  	_ =	shalt  }
0x7e: {  	_ =	shalt  }
0x7f: {  	_ =	shalt  }
0x80: {  	_ =	shalt  }
0x81: {  	_ =	shalt  }
0x82: {  	_ =	shalt  }
0x83: {  	_ =	shalt  }
0x84: {  	_ =	shalt  }
0x85: {  	_ =	shalt  }
0x86: {  	_ =	shalt  }
0x87: {  	_ =	shalt  }
.Lfunc_end0:
.L_simem_size_0:
called_computation_lowered:
.L_overlay_start_0:
0x88: {  	s2 =	sld [smem:$0x3FD9]  }
0x89: {  	s3 =	sld [smem:$0x3FFE];
	_ =	sdelay $0x1  }
0x8a: {  	s1 =	srdreg.scid  }
0x8b: {  	s0 =	sand.u32 $0x1, s1  }
0x8c: {  	s15 =	sshll.u32 s0, $0xA;
	s2 =	sadd.s32 s3, s2  }
0x8d: {  	s2 =	sadd.s32 s2, s15  }
0x8e: {  	[smem:$0x3FBE] =	sst s2  }
0x8f: {  	_ = 	snop  }
0x90: {  	(tm) =	ssettm $0x1  }
0x91: {  	s16 =	sld [smem:$0x3FFB];
	_ =	sdelay $0x3  }
0x92: {  	_ =	strace s16  }
0x93: {  	s2 =	sld [smem:$0x3FFC];
	_ =	sdelay $0x3  }
0x94: {  	_ =	strace s2  }
0x95: {  	s2 =	sld [smem:$0x3FFD];
	_ =	sdelay $0x3  }
0x96: {  	_ =	strace s2  }
0x97: {  	_ =	strace $0x8FFFFFFF  }
0x98: {  	s17 =	sld [smem:$0x3FDB];
	_ =	sdelay $0x1  }
0x99: {  	s18 =	simm.s32 $_scs_section_size  }
0x9a: {  	s4 =	simm.s32 $_size__tile_overlayer_lowered;
	s5 =	simm.s32 $_tile_overlayer_lowered  }
0x9b: {  	s21 =	simm.s32 $0x1BFF;
	s20 =	sshll.u32 s5, $0x1;
	s2 =	sadd.s32 s18, s17  }
0x9c: {  	s6 =	simm.s32 $0x0;
	s19 =	sshll.u32 s4, $0x1;
	s4 =	sadd.s32 s20, s2  }
0x9d: {  	[timem:s6], [sflag:s21] =	dma.local [hbm:s4], s19  }
0x9e: {  	_ =	swait.ge [sflag:s21], s19  }
0x9f: {  	s3 =	ssub.s32 $0x0, s19;
	[sflag:s21] =	ssyncset.done $0x0  }
0xa0: {  	[sflag:s21] =	ssyncadd.s32 s3;
	_ =	sdelay $0x1  }
0xa1: {  	s22 =	simm.s32 $0x1B8B  }
0xa2: {  	_ =	swait.ge [sflag:s22], $0x1  }
0xa3: {  	[sflag:s22] =	ssyncset.done $0x0  }
0xa4: {  	s23 =	sld [smem:$0x3FFE];
	[sflag:s22] =	ssyncadd.s32 $0xFFFFFFFF  }
0xa5: {  	s25 =	simm.s32 $0x1B8E;
	s24 =	sld [smem:$0x0]  }
0xa6: {  	s26 =	simm.s32 $execute0_lowered;
	[smem:$0x3FD2] =	sst s25  }
0xa7: {  	s5 =	sshll.u32 s26, $0x1;
	_ =	strace $0x80000046;
	[dreg:$0x1] =	wrdreg $0xFFFFFFFF  }
0xa8: {  	s28 =	simm.s32 $_size_execute0_lowered;
	s2 =	sadd.s32 s2, s5;
	[dreg:$0x0] =	wrdreg $0x0  }
0xa9: {  	s5 =	sshll.u32 s28, $0x1;
	[dreg:$0x2] =	wrdreg s2  }
0xaa: {  	[dreg:$0x3] =	wrdreg s5  }
0xab: {  	[dreg:$0x4] =	wrdreg $0xC0  }
0xac: {  	_ =	task [dreg:s6], $0x5FFFF  }
0xad: {  	[dreg:$0x1] =	wrdreg $0xFFFFFFFF  }
0xae: {  	[dreg:$0x0] =	wrdreg $0x60  }
0xaf: {  	[dreg:$0x2] =	wrdreg s23  }
0xb0: {  	[dreg:$0x3] =	wrdreg s1  }
0xb1: {  	[dreg:$0x4] =	wrdreg s24  }
0xb2: {  	[dreg:$0x5] =	wrdreg $0x9  }
0xb3: {  	_ =	task.clear_ibuf [dreg:s6], $0x6FFFF;
	_ =	strace $0x90000046  }
0xb4: {  	s29 =	simm.s32 $0x9;
	_ =	strace $0x80000048  }
0xb5: {  	_ =	swait.ge [sflag:s29], $0x1  }
0xb6: {  	[sflag:s29] =	ssyncadd.s32 $0xFFFFFFFF  }
0xb7: {  	_ =	strace $0x90000048  }
0xb8: {  	_ =	sfence  }
0xb9: {  	s30 =	sld [smem:$0x0];
	_ =	sdelay $0x2  }
0xba: {  	s31 =	sshll.u32 s1, $0xD;
	s1 =	sshrl.u32 s1, $0x2  }
0xbb: {  	s3 =	sand.u32 $0x4000, s31;
	s1 =	sadd.s32 s1, s30  }
0xbc: {  	s0 =	sor.u32 s3, s0;
	s1 =	sshll.u32 s1, $0x11  }
0xbd: {  	s0 =	sor.u32 s1, s0  }
0xbe: {  	s0 =	sadd.s32 $0x8F2B, s0  }
0xbf: {  	[sflag:s0] =	ssyncadd.remote.s32 $0x1  }
0xc0: {  	_ =	sfence.sel $0xFFFF  }
0xc1: {  	[dreg:$0x0] =	wrdreg $0xFFFFFFFF;
	(pc) =	sbr.abs _section_cstart, $3  }
0xc2: {  	[dreg:$0x1] =	wrdreg $0xFFFFFFFF  }
0xc3: {  	_ =	task.clear_ibuf [dreg:s6], $0x2FFFF;
	_ =	strace $0x9FFFFFFF  }
0xc4: {  	(tm) =	ssettm $0x7FFFFFFF  }
0xc5: {  	_ =	shalt  }
tec
execute0_lowered:
.L_overlay_start_1:
0x0: {  	(tag) =	ssettag $0x1  }
0x1: {  	s4 =	rddreg [dreg:$0x0]  }
0x2: {  	s2 =	rddreg [dreg:$0x1];
	_ =	strace $0x80000047;
	s0 =	simm.s32 $0x1  }
0x3: {  	v0 =	vimm.s32 $0x0;
	[sflag:s0] =	ssyncpa.u1 $0x0  }
0x4: {  	[tilespmem:$0x128] =	vst v0  }
0x5: {  	[tilespmem:$0x138] =	vst v0  }
0x6: {  	[tilespmem:$0x148] =	vst v0  }
0x7: {  	[tilespmem:$0x158] =	vst v0  }
0x8: {  	[tilespmem:$0x168] =	vst v0  }
0x9: {  	[tilespmem:$0x178] =	vst v0  }
0xa: {  	[tilespmem:$0x188] =	vst v0  }
0xb: {  	[tilespmem:$0x198] =	vst v0  }
0xc: {  	[tilespmem:$0x1A8] =	vst v0  }
0xd: {  	[tilespmem:$0x1B8] =	vst v0  }
0xe: {  	[tilespmem:$0x1C8] =	vst v0  }
0xf: {  	[tilespmem:$0x1D8] =	vst v0  }
0x10: {  	[tilespmem:$0x1E8] =	vst v0  }
0x11: {  	[tilespmem:$0x1F8] =	vst v0  }
0x12: {  	[tilespmem:$0x208] =	vst v0  }
0x13: {  	[tilespmem:$0x218] =	vst v0  }
0x14: {  	[tilespmem:$0x228] =	vst v0  }
0x15: {  	[tilespmem:$0x238] =	vst v0  }
0x16: {  	[tilespmem:$0x248] =	vst v0  }
0x17: {  	[tilespmem:$0x258] =	vst v0  }
0x18: {  	[tilespmem:$0x268] =	vst v0  }
0x19: {  	[tilespmem:$0x278] =	vst v0  }
0x1a: {  	[tilespmem:$0x288] =	vst v0  }
0x1b: {  	[tilespmem:$0x298] =	vst v0  }
0x1c: {  	[tilespmem:$0x2A8] =	vst v0  }
0x1d: {  	[tilespmem:$0x2B8] =	vst v0  }
0x1e: {  	[tilespmem:$0x2C8] =	vst v0  }
0x1f: {  	[tilespmem:$0x2D8] =	vst v0  }
0x20: {  	[tilespmem:$0x2E8] =	vst v0  }
0x21: {  	[tilespmem:$0x2F8] =	vst v0  }
0x22: {  	[tilespmem:$0x308] =	vst v0  }
0x23: {  	[tilespmem:$0x318] =	vst v0  }
0x24: {  	[tilespmem:$0x328] =	vst v0  }
0x25: {  	[tilespmem:$0x338] =	vst v0  }
0x26: {  	[tilespmem:$0x348] =	vst v0  }
0x27: {  	[tilespmem:$0x358] =	vst v0  }
0x28: {  	[tilespmem:$0x368] =	vst v0  }
0x29: {  	[tilespmem:$0x378] =	vst v0  }
0x2a: {  	[tilespmem:$0x388] =	vst v0  }
0x2b: {  	[tilespmem:$0x398] =	vst v0  }
0x2c: {  	[tilespmem:$0x3A8] =	vst v0  }
0x2d: {  	[tilespmem:$0x3B8] =	vst v0  }
0x2e: {  	[tilespmem:$0x3C8] =	vst v0  }
0x2f: {  	[tilespmem:$0x3D8] =	vst v0  }
0x30: {  	[tilespmem:$0x3E8] =	vst v0  }
0x31: {  	[tilespmem:$0x3F8] =	vst v0  }
0x32: {  	[tilespmem:$0x408] =	vst v0  }
0x33: {  	[tilespmem:$0x418] =	vst v0  }
0x34: {  	[tilespmem:$0x428] =	vst v0  }
0x35: {  	[tilespmem:$0x438] =	vst v0  }
0x36: {  	[tilespmem:$0x448] =	vst v0  }
0x37: {  	[tilespmem:$0x458] =	vst v0  }
0x38: {  	[tilespmem:$0x468] =	vst v0  }
0x39: {  	[tilespmem:$0x478] =	vst v0  }
0x3a: {  	[tilespmem:$0x488] =	vst v0  }
0x3b: {  	[tilespmem:$0x498] =	vst v0  }
0x3c: {  	[tilespmem:$0x4A8] =	vst v0  }
0x3d: {  	[tilespmem:$0x4B8] =	vst v0  }
0x3e: {  	[tilespmem:$0x4C8] =	vst v0  }
0x3f: {  	[tilespmem:$0x4D8] =	vst v0  }
0x40: {  	[tilespmem:$0x4E8] =	vst v0  }
0x41: {  	[tilespmem:$0x4F8] =	vst v0  }
0x42: {  	[tilespmem:$0x508] =	vst v0  }
0x43: {  	[tilespmem:$0x518] =	vst v0  }
0x44: {  	[tilespmem:$0x528] =	vst v0  }
0x45: {  	[tilespmem:$0x538] =	vst v0  }
0x46: {  	[tilespmem:$0x548] =	vst v0  }
0x47: {  	[tilespmem:$0x558] =	vst v0  }
0x48: {  	[tilespmem:$0x568] =	vst v0  }
0x49: {  	[tilespmem:$0x578] =	vst v0  }
0x4a: {  	[tilespmem:$0x588] =	vst v0  }
0x4b: {  	[tilespmem:$0x598] =	vst v0  }
0x4c: {  	[tilespmem:$0x5A8] =	vst v0  }
0x4d: {  	[tilespmem:$0x5B8] =	vst v0  }
0x4e: {  	[tilespmem:$0x5C8] =	vst v0  }
0x4f: {  	[tilespmem:$0x5D8] =	vst v0  }
0x50: {  	[tilespmem:$0x5E8] =	vst v0  }
0x51: {  	[tilespmem:$0x5F8] =	vst v0  }
0x52: {  	[tilespmem:$0x608] =	vst v0  }
0x53: {  	[tilespmem:$0x618] =	vst v0  }
0x54: {  	[tilespmem:$0x628] =	vst v0  }
0x55: {  	[tilespmem:$0x638] =	vst v0  }
0x56: {  	[tilespmem:$0x648] =	vst v0  }
0x57: {  	[tilespmem:$0x658] =	vst v0  }
0x58: {  	[tilespmem:$0x668] =	vst v0  }
0x59: {  	[tilespmem:$0x678] =	vst v0  }
0x5a: {  	[tilespmem:$0x688] =	vst v0  }
0x5b: {  	[tilespmem:$0x698] =	vst v0  }
0x5c: {  	[tilespmem:$0x6A8] =	vst v0  }
0x5d: {  	[tilespmem:$0x6B8] =	vst v0  }
0x5e: {  	[tilespmem:$0x6C8] =	vst v0  }
0x5f: {  	[tilespmem:$0x6D8] =	vst v0  }
0x60: {  	[tilespmem:$0x6E8] =	vst v0  }
0x61: {  	[tilespmem:$0x6F8] =	vst v0  }
0x62: {  	[tilespmem:$0x708] =	vst v0  }
0x63: {  	[tilespmem:$0x718] =	vst v0  }
0x64: {  	[tilespmem:$0x728] =	vst v0  }
0x65: {  	[tilespmem:$0x738] =	vst v0  }
0x66: {  	[tilespmem:$0x748] =	vst v0  }
0x67: {  	[tilespmem:$0x758] =	vst v0  }
0x68: {  	[tilespmem:$0x768] =	vst v0  }
0x69: {  	[tilespmem:$0x778] =	vst v0  }
0x6a: {  	[tilespmem:$0x788] =	vst v0  }
0x6b: {  	[tilespmem:$0x798] =	vst v0  }
0x6c: {  	[tilespmem:$0x7A8] =	vst v0  }
0x6d: {  	[tilespmem:$0x7B8] =	vst v0  }
0x6e: {  	[tilespmem:$0x7C8] =	vst v0  }
0x6f: {  	[tilespmem:$0x7D8] =	vst v0  }
0x70: {  	[tilespmem:$0x7E8] =	vst v0  }
0x71: {  	[tilespmem:$0x7F8] =	vst v0  }
0x72: {  	[tilespmem:$0x808] =	vst v0  }
0x73: {  	[tilespmem:$0x818] =	vst v0  }
0x74: {  	[tilespmem:$0x828] =	vst v0  }
0x75: {  	[tilespmem:$0x838] =	vst v0  }
0x76: {  	[tilespmem:$0x848] =	vst v0  }
0x77: {  	[tilespmem:$0x858] =	vst v0  }
0x78: {  	[tilespmem:$0x868] =	vst v0  }
0x79: {  	[tilespmem:$0x878] =	vst v0  }
0x7a: {  	[tilespmem:$0x888] =	vst v0  }
0x7b: {  	[tilespmem:$0x898] =	vst v0  }
0x7c: {  	[tilespmem:$0x8A8] =	vst v0  }
0x7d: {  	[tilespmem:$0x8B8] =	vst v0  }
0x7e: {  	[tilespmem:$0x8C8] =	vst v0  }
0x7f: {  	[tilespmem:$0x8D8] =	vst v0  }
0x80: {  	[tilespmem:$0x8E8] =	vst v0  }
0x81: {  	[tilespmem:$0x8F8] =	vst v0  }
0x82: {  	[tilespmem:$0x908] =	vst v0  }
0x83: {  	[tilespmem:$0x918] =	vst v0  }
0x84: {  	[tilespmem:$0x928] =	vst v0  }
0x85: {  	[tilespmem:$0x938] =	vst v0  }
0x86: {  	[tilespmem:$0x948] =	vst v0  }
0x87: {  	[tilespmem:$0x958] =	vst v0  }
0x88: {  	[tilespmem:$0x968] =	vst v0  }
0x89: {  	[tilespmem:$0x978] =	vst v0  }
0x8a: {  	[tilespmem:$0x988] =	vst v0  }
0x8b: {  	[tilespmem:$0x998] =	vst v0  }
0x8c: {  	[tilespmem:$0x9A8] =	vst v0  }
0x8d: {  	[tilespmem:$0x9B8] =	vst v0  }
0x8e: {  	[tilespmem:$0x9C8] =	vst v0  }
0x8f: {  	[tilespmem:$0x9D8] =	vst v0  }
0x90: {  	[tilespmem:$0x9E8] =	vst v0  }
0x91: {  	[tilespmem:$0x9F8] =	vst v0  }
0x92: {  	[tilespmem:$0xA08] =	vst v0  }
0x93: {  	[tilespmem:$0xA18] =	vst v0  }
0x94: {  	[tilespmem:$0xA28] =	vst v0  }
0x95: {  	[tilespmem:$0xA38] =	vst v0  }
0x96: {  	[tilespmem:$0xA48] =	vst v0  }
0x97: {  	[tilespmem:$0xA58] =	vst v0  }
0x98: {  	[tilespmem:$0xA68] =	vst v0  }
0x99: {  	[tilespmem:$0xA78] =	vst v0  }
0x9a: {  	[tilespmem:$0xA88] =	vst v0  }
0x9b: {  	[tilespmem:$0xA98] =	vst v0  }
0x9c: {  	[tilespmem:$0xAA8] =	vst v0  }
0x9d: {  	[tilespmem:$0xAB8] =	vst v0  }
0x9e: {  	[tilespmem:$0xAC8] =	vst v0  }
0x9f: {  	[tilespmem:$0xAD8] =	vst v0  }
0xa0: {  	[tilespmem:$0xAE8] =	vst v0  }
0xa1: {  	[tilespmem:$0xAF8] =	vst v0  }
0xa2: {  	[tilespmem:$0xB08] =	vst v0  }
0xa3: {  	[tilespmem:$0xB18] =	vst v0  }
0xa4: {  	[tilespmem:$0xB28] =	vst v0  }
0xa5: {  	[tilespmem:$0xB38] =	vst v0  }
0xa6: {  	[tilespmem:$0xB48] =	vst v0  }
0xa7: {  	[tilespmem:$0xB58] =	vst v0  }
0xa8: {  	[tilespmem:$0xB68] =	vst v0  }
0xa9: {  	[tilespmem:$0xB78] =	vst v0  }
0xaa: {  	[tilespmem:$0xB88] =	vst v0  }
0xab: {  	[tilespmem:$0xB98] =	vst v0  }
0xac: {  	[tilespmem:$0xBA8] =	vst v0  }
0xad: {  	[tilespmem:$0xBB8] =	vst v0  }
0xae: {  	[tilespmem:$0xBC8] =	vst v0  }
0xaf: {  	[tilespmem:$0xBD8] =	vst v0  }
0xb0: {  	[tilespmem:$0xBE8] =	vst v0  }
0xb1: {  	[tilespmem:$0xBF8] =	vst v0  }
0xb2: {  	[tilespmem:$0xC08] =	vst v0  }
0xb3: {  	[tilespmem:$0xC18] =	vst v0  }
0xb4: {  	[tilespmem:$0xC28] =	vst v0  }
0xb5: {  	[tilespmem:$0xC38] =	vst v0  }
0xb6: {  	[tilespmem:$0xC48] =	vst v0  }
0xb7: {  	[tilespmem:$0xC58] =	vst v0  }
0xb8: {  	[tilespmem:$0xC68] =	vst v0  }
0xb9: {  	[tilespmem:$0xC78] =	vst v0  }
0xba: {  	[tilespmem:$0xC88] =	vst v0  }
0xbb: {  	[tilespmem:$0xC98] =	vst v0  }
0xbc: {  	[tilespmem:$0xCA8] =	vst v0  }
0xbd: {  	[tilespmem:$0xCB8] =	vst v0  }
0xbe: {  	[tilespmem:$0xCC8] =	vst v0  }
0xbf: {  	[tilespmem:$0xCD8] =	vst v0  }
0xc0: {  	[tilespmem:$0xCE8] =	vst v0  }
0xc1: {  	[tilespmem:$0xCF8] =	vst v0  }
0xc2: {  	[tilespmem:$0xD08] =	vst v0  }
0xc3: {  	[tilespmem:$0xD18] =	vst v0  }
0xc4: {  	[tilespmem:$0xD28] =	vst v0  }
0xc5: {  	[tilespmem:$0xD38] =	vst v0  }
0xc6: {  	[tilespmem:$0xD48] =	vst v0  }
0xc7: {  	[tilespmem:$0xD58] =	vst v0  }
0xc8: {  	[tilespmem:$0xD68] =	vst v0  }
0xc9: {  	[tilespmem:$0xD78] =	vst v0  }
0xca: {  	[tilespmem:$0xD88] =	vst v0  }
0xcb: {  	[tilespmem:$0xD98] =	vst v0  }
0xcc: {  	[tilespmem:$0xDA8] =	vst v0  }
0xcd: {  	[tilespmem:$0xDB8] =	vst v0  }
0xce: {  	[tilespmem:$0xDC8] =	vst v0  }
0xcf: {  	[tilespmem:$0xDD8] =	vst v0  }
0xd0: {  	[tilespmem:$0xDE8] =	vst v0  }
0xd1: {  	[tilespmem:$0xDF8] =	vst v0  }
0xd2: {  	[tilespmem:$0xE08] =	vst v0  }
0xd3: {  	[tilespmem:$0xE18] =	vst v0  }
0xd4: {  	[tilespmem:$0xE28] =	vst v0  }
0xd5: {  	[tilespmem:$0xE38] =	vst v0  }
0xd6: {  	[tilespmem:$0xE48] =	vst v0  }
0xd7: {  	[tilespmem:$0xE58] =	vst v0  }
0xd8: {  	[tilespmem:$0xE68] =	vst v0  }
0xd9: {  	[tilespmem:$0xE78] =	vst v0  }
0xda: {  	[tilespmem:$0xE88] =	vst v0  }
0xdb: {  	[tilespmem:$0xE98] =	vst v0  }
0xdc: {  	[tilespmem:$0xEA8] =	vst v0  }
0xdd: {  	[tilespmem:$0xEB8] =	vst v0  }
0xde: {  	[tilespmem:$0xEC8] =	vst v0  }
0xdf: {  	[tilespmem:$0xED8] =	vst v0  }
0xe0: {  	[tilespmem:$0xEE8] =	vst v0  }
0xe1: {  	[tilespmem:$0xEF8] =	vst v0  }
0xe2: {  	[tilespmem:$0xF08] =	vst v0  }
0xe3: {  	[tilespmem:$0xF18] =	vst v0  }
0xe4: {  	[tilespmem:$0xF28] =	vst v0  }
0xe5: {  	[tilespmem:$0xF38] =	vst v0  }
0xe6: {  	[tilespmem:$0xF48] =	vst v0  }
0xe7: {  	[tilespmem:$0xF58] =	vst v0  }
0xe8: {  	[tilespmem:$0xF68] =	vst v0  }
0xe9: {  	[tilespmem:$0xF78] =	vst v0  }
0xea: {  	[tilespmem:$0xF88] =	vst v0  }
0xeb: {  	[tilespmem:$0xF98] =	vst v0  }
0xec: {  	[tilespmem:$0xFA8] =	vst v0  }
0xed: {  	[tilespmem:$0xFB8] =	vst v0  }
0xee: {  	[tilespmem:$0xFC8] =	vst v0  }
0xef: {  	[tilespmem:$0xFD8] =	vst v0  }
0xf0: {  	[tilespmem:$0xFE8] =	vst v0  }
0xf1: {  	[tilespmem:$0xFF8] =	vst v0  }
0xf2: {  	[tilespmem:$0x1008] =	vst v0  }
0xf3: {  	[tilespmem:$0x1018] =	vst v0  }
0xf4: {  	[tilespmem:$0x1028] =	vst v0  }
0xf5: {  	[tilespmem:$0x1038] =	vst v0  }
0xf6: {  	[tilespmem:$0x1048] =	vst v0  }
0xf7: {  	[tilespmem:$0x1058] =	vst v0  }
0xf8: {  	[tilespmem:$0x1068] =	vst v0  }
0xf9: {  	[tilespmem:$0x1078] =	vst v0  }
0xfa: {  	[tilespmem:$0x1088] =	vst v0  }
0xfb: {  	[tilespmem:$0x1098] =	vst v0  }
0xfc: {  	[tilespmem:$0x10A8] =	vst v0  }
0xfd: {  	[tilespmem:$0x10B8] =	vst v0  }
0xfe: {  	[tilespmem:$0x10C8] =	vst v0  }
0xff: {  	[tilespmem:$0x10D8] =	vst v0  }
0x100: {  	[tilespmem:$0x10E8] =	vst v0  }
0x101: {  	[tilespmem:$0x10F8] =	vst v0  }
0x102: {  	[tilespmem:$0x1108] =	vst v0  }
0x103: {  	[tilespmem:$0x1478] =	vst v0  }
0x104: {  	[tilespmem:$0x1118] =	vst v0  }
0x105: {  	[tilespmem:$0x1128] =	vst v0  }
0x106: {  	[tilespmem:$0x1138] =	vst v0  }
0x107: {  	[tilespmem:$0x1148] =	vst v0  }
0x108: {  	[tilespmem:$0x1158] =	vst v0  }
0x109: {  	[tilespmem:$0x1168] =	vst v0  }
0x10a: {  	[tilespmem:$0x1178] =	vst v0  }
0x10b: {  	[tilespmem:$0x1188] =	vst v0  }
0x10c: {  	[tilespmem:$0x1198] =	vst v0  }
0x10d: {  	[tilespmem:$0x11A8] =	vst v0  }
0x10e: {  	[tilespmem:$0x11B8] =	vst v0  }
0x10f: {  	[tilespmem:$0x11C8] =	vst v0  }
0x110: {  	[tilespmem:$0x11D8] =	vst v0  }
0x111: {  	[tilespmem:$0x11E8] =	vst v0  }
0x112: {  	[tilespmem:$0x11F8] =	vst v0  }
0x113: {  	[tilespmem:$0x1208] =	vst v0  }
0x114: {  	[tilespmem:$0x1218] =	vst v0  }
0x115: {  	[tilespmem:$0x1228] =	vst v0  }
0x116: {  	[tilespmem:$0x1238] =	vst v0  }
0x117: {  	[tilespmem:$0x1248] =	vst v0  }
0x118: {  	[tilespmem:$0x1258] =	vst v0  }
0x119: {  	[tilespmem:$0x1268] =	vst v0  }
0x11a: {  	[tilespmem:$0x1278] =	vst v0  }
0x11b: {  	[tilespmem:$0x1288] =	vst v0  }
0x11c: {  	[tilespmem:$0x1298] =	vst v0  }
0x11d: {  	[tilespmem:$0x12A8] =	vst v0  }
0x11e: {  	[tilespmem:$0x12B8] =	vst v0  }
0x11f: {  	[tilespmem:$0x12C8] =	vst v0  }
0x120: {  	[tilespmem:$0x12D8] =	vst v0  }
0x121: {  	[tilespmem:$0x12E8] =	vst v0  }
0x122: {  	[tilespmem:$0x12F8] =	vst v0  }
0x123: {  	[tilespmem:$0x1308] =	vst v0  }
0x124: {  	[tilespmem:$0x1318] =	vst v0  }
0x125: {  	[tilespmem:$0x1328] =	vst v0  }
0x126: {  	[tilespmem:$0x1338] =	vst v0  }
0x127: {  	[tilespmem:$0x1348] =	vst v0  }
0x128: {  	[tilespmem:$0x1358] =	vst v0  }
0x129: {  	[tilespmem:$0x1368] =	vst v0  }
0x12a: {  	[tilespmem:$0x1378] =	vst v0  }
0x12b: {  	[tilespmem:$0x1388] =	vst v0  }
0x12c: {  	[tilespmem:$0x1398] =	vst v0  }
0x12d: {  	[tilespmem:$0x13A8] =	vst v0  }
0x12e: {  	[tilespmem:$0x13B8] =	vst v0  }
0x12f: {  	[tilespmem:$0x13C8] =	vst v0  }
0x130: {  	[tilespmem:$0x13D8] =	vst v0  }
0x131: {  	[tilespmem:$0x13E8] =	vst v0  }
0x132: {  	[tilespmem:$0x13F8] =	vst v0  }
0x133: {  	[tilespmem:$0x1408] =	vst v0  }
0x134: {  	[tilespmem:$0x1418] =	vst v0  }
0x135: {  	[tilespmem:$0x1428] =	vst v0  }
0x136: {  	[tilespmem:$0x1438] =	vst v0  }
0x137: {  	[tilespmem:$0x1448] =	vst v0  }
0x138: {  	[tilespmem:$0x1458] =	vst v0  }
0x139: {  	[tilespmem:$0x1468] =	vst v0  }
0x13a: {  	[tilespmem:$0x1488] =	vst v0  }
0x13b: {  	[tilespmem:$0x1498] =	vst v0  }
0x13c: {  	[tilespmem:$0x14A8] =	vst v0  }
0x13d: {  	[tilespmem:$0x14B8] =	vst v0  }
0x13e: {  	[tilespmem:$0x14C8] =	vst v0  }
0x13f: {  	[tilespmem:$0x14D8] =	vst v0  }
0x140: {  	[tilespmem:$0x14E8] =	vst v0  }
0x141: {  	[tilespmem:$0x14F8] =	vst v0  }
0x142: {  	[tilespmem:$0x1508] =	vst v0  }
0x143: {  	[tilespmem:$0x1518] =	vst v0  }
0x144: {  	[tilespmem:$0x1528] =	vst v0  }
0x145: {  	[tilespmem:$0x1538] =	vst v0  }
0x146: {  	[tilespmem:$0x1548] =	vst v0  }
0x147: {  	[tilespmem:$0x1558] =	vst v0  }
0x148: {  	[tilespmem:$0x1568] =	vst v0  }
0x149: {  	[tilespmem:$0x1578] =	vst v0  }
0x14a: {  	[tilespmem:$0x1588] =	vst v0  }
0x14b: {  	[tilespmem:$0x1598] =	vst v0  }
0x14c: {  	[tilespmem:$0x15A8] =	vst v0  }
0x14d: {  	[tilespmem:$0x15B8] =	vst v0  }
0x14e: {  	[tilespmem:$0x15C8] =	vst v0  }
0x14f: {  	[tilespmem:$0x15D8] =	vst v0  }
0x150: {  	[tilespmem:$0x15E8] =	vst v0  }
0x151: {  	[tilespmem:$0x15F8] =	vst v0  }
0x152: {  	[tilespmem:$0x1608] =	vst v0  }
0x153: {  	[tilespmem:$0x1618] =	vst v0  }
0x154: {  	[tilespmem:$0x1628] =	vst v0  }
0x155: {  	[tilespmem:$0x1638] =	vst v0  }
0x156: {  	[tilespmem:$0x1648] =	vst v0  }
0x157: {  	[tilespmem:$0x1658] =	vst v0  }
0x158: {  	[tilespmem:$0x1668] =	vst v0  }
0x159: {  	[tilespmem:$0x1678] =	vst v0  }
0x15a: {  	[tilespmem:$0x1688] =	vst v0  }
0x15b: {  	[tilespmem:$0x1698] =	vst v0  }
0x15c: {  	[tilespmem:$0x16A8] =	vst v0  }
0x15d: {  	[tilespmem:$0x16B8] =	vst v0  }
0x15e: {  	[tilespmem:$0x16C8] =	vst v0  }
0x15f: {  	[tilespmem:$0x16D8] =	vst v0  }
0x160: {  	[tilespmem:$0x16E8] =	vst v0  }
0x161: {  	[tilespmem:$0x16F8] =	vst v0  }
0x162: {  	[tilespmem:$0x1708] =	vst v0  }
0x163: {  	[tilespmem:$0x1718] =	vst v0  }
0x164: {  	[tilespmem:$0x1728] =	vst v0  }
0x165: {  	[tilespmem:$0x1738] =	vst v0  }
0x166: {  	[tilespmem:$0x1748] =	vst v0  }
0x167: {  	[tilespmem:$0x1758] =	vst v0  }
0x168: {  	[tilespmem:$0x1768] =	vst v0  }
0x169: {  	[tilespmem:$0x1778] =	vst v0  }
0x16a: {  	[tilespmem:$0x1788] =	vst v0  }
0x16b: {  	[tilespmem:$0x1798] =	vst v0  }
0x16c: {  	[tilespmem:$0x17A8] =	vst v0  }
0x16d: {  	[tilespmem:$0x17B8] =	vst v0  }
0x16e: {  	[tilespmem:$0x17C8] =	vst v0  }
0x16f: {  	[tilespmem:$0x17D8] =	vst v0  }
0x170: {  	[tilespmem:$0x17E8] =	vst v0  }
0x171: {  	[tilespmem:$0x17F8] =	vst v0  }
0x172: {  	[tilespmem:$0x1808] =	vst v0  }
0x173: {  	[tilespmem:$0x1818] =	vst v0  }
0x174: {  	[tilespmem:$0x1828] =	vst v0  }
0x175: {  	[tilespmem:$0x1838] =	vst v0  }
0x176: {  	[tilespmem:$0x1848] =	vst v0  }
0x177: {  	[tilespmem:$0x1858] =	vst v0  }
0x178: {  	[tilespmem:$0x1868] =	vst v0  }
0x179: {  	[tilespmem:$0x1878] =	vst v0  }
0x17a: {  	[tilespmem:$0x1888] =	vst v0  }
0x17b: {  	[tilespmem:$0x1898] =	vst v0  }
0x17c: {  	[tilespmem:$0x18A8] =	vst v0  }
0x17d: {  	[tilespmem:$0x18B8] =	vst v0  }
0x17e: {  	[tilespmem:$0x18C8] =	vst v0  }
0x17f: {  	[tilespmem:$0x18D8] =	vst v0  }
0x180: {  	[tilespmem:$0x18E8] =	vst v0  }
0x181: {  	[tilespmem:$0x18F8] =	vst v0  }
0x182: {  	[tilespmem:$0x1908] =	vst v0  }
0x183: {  	[tilespmem:$0x1918] =	vst v0  }
0x184: {  	[tilespmem:$0x1928] =	vst v0  }
0x185: {  	[tilespmem:$0x1938] =	vst v0  }
0x186: {  	[tilespmem:$0x1948] =	vst v0  }
0x187: {  	[tilespmem:$0x1958] =	vst v0  }
0x188: {  	[tilespmem:$0x1968] =	vst v0  }
0x189: {  	[tilespmem:$0x1978] =	vst v0  }
0x18a: {  	[tilespmem:$0x1988] =	vst v0  }
0x18b: {  	[tilespmem:$0x1998] =	vst v0  }
0x18c: {  	[tilespmem:$0x19A8] =	vst v0  }
0x18d: {  	[tilespmem:$0x19B8] =	vst v0  }
0x18e: {  	[tilespmem:$0x19C8] =	vst v0  }
0x18f: {  	[tilespmem:$0x19D8] =	vst v0  }
0x190: {  	[tilespmem:$0x19E8] =	vst v0  }
0x191: {  	[tilespmem:$0x19F8] =	vst v0  }
0x192: {  	[tilespmem:$0x1A08] =	vst v0  }
0x193: {  	[tilespmem:$0x1A18] =	vst v0  }
0x194: {  	[tilespmem:$0x1A28] =	vst v0  }
0x195: {  	[tilespmem:$0x1A38] =	vst v0  }
0x196: {  	[tilespmem:$0x1A48] =	vst v0  }
0x197: {  	[tilespmem:$0x1A58] =	vst v0  }
0x198: {  	[tilespmem:$0x1A68] =	vst v0  }
0x199: {  	[tilespmem:$0x1A78] =	vst v0  }
0x19a: {  	[tilespmem:$0x1A88] =	vst v0  }
0x19b: {  	[tilespmem:$0x1A98] =	vst v0  }
0x19c: {  	[tilespmem:$0x1AA8] =	vst v0  }
0x19d: {  	[tilespmem:$0x1AB8] =	vst v0  }
0x19e: {  	[tilespmem:$0x1AC8] =	vst v0  }
0x19f: {  	[tilespmem:$0x1AD8] =	vst v0  }
0x1a0: {  	[tilespmem:$0x1AE8] =	vst v0  }
0x1a1: {  	[tilespmem:$0x1AF8] =	vst v0  }
0x1a2: {  	[tilespmem:$0x1B08] =	vst v0  }
0x1a3: {  	[tilespmem:$0x1B18] =	vst v0  }
0x1a4: {  	[tilespmem:$0x1B28] =	vst v0  }
0x1a5: {  	[tilespmem:$0x1B38] =	vst v0  }
0x1a6: {  	[tilespmem:$0x1B48] =	vst v0  }
0x1a7: {  	[tilespmem:$0x1B58] =	vst v0  }
0x1a8: {  	[tilespmem:$0x1B68] =	vst v0  }
0x1a9: {  	[tilespmem:$0x1B78] =	vst v0  }
0x1aa: {  	[tilespmem:$0x1B88] =	vst v0  }
0x1ab: {  	[tilespmem:$0x1B98] =	vst v0  }
0x1ac: {  	[tilespmem:$0x1BA8] =	vst v0  }
0x1ad: {  	[tilespmem:$0x1BB8] =	vst v0  }
0x1ae: {  	[tilespmem:$0x1BC8] =	vst v0  }
0x1af: {  	[tilespmem:$0x1BD8] =	vst v0  }
0x1b0: {  	[tilespmem:$0x1BE8] =	vst v0  }
0x1b1: {  	[tilespmem:$0x1BF8] =	vst v0  }
0x1b2: {  	[tilespmem:$0x1C08] =	vst v0  }
0x1b3: {  	[tilespmem:$0x1C18] =	vst v0  }
0x1b4: {  	[tilespmem:$0x1C28] =	vst v0  }
0x1b5: {  	[tilespmem:$0x1C38] =	vst v0  }
0x1b6: {  	[tilespmem:$0x1C48] =	vst v0  }
0x1b7: {  	[tilespmem:$0x1C58] =	vst v0  }
0x1b8: {  	[tilespmem:$0x1C68] =	vst v0  }
0x1b9: {  	[tilespmem:$0x1C78] =	vst v0  }
0x1ba: {  	[tilespmem:$0x1C88] =	vst v0  }
0x1bb: {  	[tilespmem:$0x1C98] =	vst v0  }
0x1bc: {  	[tilespmem:$0x1CA8] =	vst v0  }
0x1bd: {  	[tilespmem:$0x1CB8] =	vst v0  }
0x1be: {  	[tilespmem:$0x1CC8] =	vst v0  }
0x1bf: {  	[tilespmem:$0x1CD8] =	vst v0  }
0x1c0: {  	[tilespmem:$0x1CE8] =	vst v0  }
0x1c1: {  	[tilespmem:$0x1CF8] =	vst v0  }
0x1c2: {  	[tilespmem:$0x1D08] =	vst v0  }
0x1c3: {  	[tilespmem:$0x1D18] =	vst v0  }
0x1c4: {  	[tilespmem:$0x1D28] =	vst v0  }
0x1c5: {  	[tilespmem:$0x1D38] =	vst v0  }
0x1c6: {  	[tilespmem:$0x1D48] =	vst v0  }
0x1c7: {  	[tilespmem:$0x1D58] =	vst v0  }
0x1c8: {  	[tilespmem:$0x1D68] =	vst v0  }
0x1c9: {  	[tilespmem:$0x1D78] =	vst v0  }
0x1ca: {  	[tilespmem:$0x1D88] =	vst v0  }
0x1cb: {  	[tilespmem:$0x1D98] =	vst v0  }
0x1cc: {  	[tilespmem:$0x1DA8] =	vst v0  }
0x1cd: {  	[tilespmem:$0x1DB8] =	vst v0  }
0x1ce: {  	[tilespmem:$0x1DC8] =	vst v0  }
0x1cf: {  	[tilespmem:$0x1DD8] =	vst v0  }
0x1d0: {  	[tilespmem:$0x1DE8] =	vst v0  }
0x1d1: {  	[tilespmem:$0x1DF8] =	vst v0  }
0x1d2: {  	[tilespmem:$0x1E08] =	vst v0  }
0x1d3: {  	[tilespmem:$0x1E18] =	vst v0  }
0x1d4: {  	[tilespmem:$0x1E28] =	vst v0  }
0x1d5: {  	[tilespmem:$0x1E38] =	vst v0  }
0x1d6: {  	[tilespmem:$0x1E48] =	vst v0  }
0x1d7: {  	[tilespmem:$0x1E58] =	vst v0  }
0x1d8: {  	[tilespmem:$0x1E68] =	vst v0  }
0x1d9: {  	[tilespmem:$0x1E78] =	vst v0  }
0x1da: {  	[tilespmem:$0x1E88] =	vst v0  }
0x1db: {  	[tilespmem:$0x1E98] =	vst v0  }
0x1dc: {  	[tilespmem:$0x1EA8] =	vst v0  }
0x1dd: {  	[tilespmem:$0x1EB8] =	vst v0  }
0x1de: {  	[tilespmem:$0x1EC8] =	vst v0  }
0x1df: {  	[tilespmem:$0x1ED8] =	vst v0  }
0x1e0: {  	[tilespmem:$0x1EE8] =	vst v0  }
0x1e1: {  	[tilespmem:$0x1EF8] =	vst v0  }
0x1e2: {  	[tilespmem:$0x1F08] =	vst v0  }
0x1e3: {  	[tilespmem:$0x1F18] =	vst v0  }
0x1e4: {  	[tilespmem:$0x1F28] =	vst v0  }
0x1e5: {  	[tilespmem:$0x1F38] =	vst v0  }
0x1e6: {  	[tilespmem:$0x1F48] =	vst v0  }
0x1e7: {  	[tilespmem:$0x1F58] =	vst v0  }
0x1e8: {  	[tilespmem:$0x1F68] =	vst v0  }
0x1e9: {  	[tilespmem:$0x1F78] =	vst v0  }
0x1ea: {  	[tilespmem:$0x1F88] =	vst v0  }
0x1eb: {  	[tilespmem:$0x1F98] =	vst v0  }
0x1ec: {  	[tilespmem:$0x1FA8] =	vst v0  }
0x1ed: {  	[tilespmem:$0x1FB8] =	vst v0  }
0x1ee: {  	[tilespmem:$0x1FC8] =	vst v0  }
0x1ef: {  	[tilespmem:$0x1FD8] =	vst v0  }
0x1f0: {  	[tilespmem:$0x1FE8] =	vst v0  }
0x1f1: {  	[tilespmem:$0x1FF8] =	vst v0  }
0x1f2: {  	[tilespmem:$0x2008] =	vst v0  }
0x1f3: {  	[tilespmem:$0x2018] =	vst v0  }
0x1f4: {  	[tilespmem:$0x2028] =	vst v0  }
0x1f5: {  	[tilespmem:$0x2038] =	vst v0  }
0x1f6: {  	[tilespmem:$0x2048] =	vst v0  }
0x1f7: {  	[tilespmem:$0x2058] =	vst v0  }
0x1f8: {  	[tilespmem:$0x2068] =	vst v0  }
0x1f9: {  	[tilespmem:$0x2078] =	vst v0  }
0x1fa: {  	[tilespmem:$0x2088] =	vst v0  }
0x1fb: {  	[tilespmem:$0x2098] =	vst v0  }
0x1fc: {  	[tilespmem:$0x20A8] =	vst v0  }
0x1fd: {  	[tilespmem:$0x20B8] =	vst v0  }
0x1fe: {  	[tilespmem:$0x20C8] =	vst v0  }
0x1ff: {  	[tilespmem:$0x20D8] =	vst v0  }
0x200: {  	[tilespmem:$0x20E8] =	vst v0  }
0x201: {  	[tilespmem:$0x20F8] =	vst v0  }
0x202: {  	[tilespmem:$0x2108] =	vst v0  }
0x203: {  	[tilespmem:$0x2118] =	vst v0  }
0x204: {  	[tilespmem:$0x2128] =	vst v0  }
0x205: {  	[tilespmem:$0x2138] =	vst v0  }
0x206: {  	[tilespmem:$0x2148] =	vst v0  }
0x207: {  	[tilespmem:$0x2158] =	vst v0  }
0x208: {  	[tilespmem:$0x2168] =	vst v0  }
0x209: {  	[tilespmem:$0x2178] =	vst v0  }
0x20a: {  	[tilespmem:$0x2188] =	vst v0  }
0x20b: {  	[tilespmem:$0x2198] =	vst v0  }
0x20c: {  	[tilespmem:$0x21A8] =	vst v0  }
0x20d: {  	[tilespmem:$0x21B8] =	vst v0  }
0x20e: {  	[tilespmem:$0x21C8] =	vst v0  }
0x20f: {  	[tilespmem:$0x21D8] =	vst v0  }
0x210: {  	[tilespmem:$0x21E8] =	vst v0  }
0x211: {  	[tilespmem:$0x21F8] =	vst v0  }
0x212: {  	[tilespmem:$0x2208] =	vst v0  }
0x213: {  	[tilespmem:$0x2218] =	vst v0  }
0x214: {  	[tilespmem:$0x2228] =	vst v0  }
0x215: {  	[tilespmem:$0x2238] =	vst v0  }
0x216: {  	[tilespmem:$0x2248] =	vst v0  }
0x217: {  	[tilespmem:$0x2258] =	vst v0  }
0x218: {  	[tilespmem:$0x2268] =	vst v0  }
0x219: {  	[tilespmem:$0x2278] =	vst v0  }
0x21a: {  	[tilespmem:$0x2288] =	vst v0  }
0x21b: {  	[tilespmem:$0x2298] =	vst v0  }
0x21c: {  	[tilespmem:$0x22A8] =	vst v0  }
0x21d: {  	[tilespmem:$0x22B8] =	vst v0  }
0x21e: {  	[tilespmem:$0x22C8] =	vst v0  }
0x21f: {  	[tilespmem:$0x22D8] =	vst v0  }
0x220: {  	[tilespmem:$0x22E8] =	vst v0  }
0x221: {  	[tilespmem:$0x22F8] =	vst v0  }
0x222: {  	[tilespmem:$0x2308] =	vst v0  }
0x223: {  	[tilespmem:$0x2318] =	vst v0  }
0x224: {  	[tilespmem:$0x2328] =	vst v0  }
0x225: {  	[tilespmem:$0x2338] =	vst v0  }
0x226: {  	[tilespmem:$0x2348] =	vst v0  }
0x227: {  	[tilespmem:$0x2358] =	vst v0  }
0x228: {  	[tilespmem:$0x2368] =	vst v0  }
0x229: {  	[tilespmem:$0x2378] =	vst v0  }
0x22a: {  	[tilespmem:$0x2388] =	vst v0  }
0x22b: {  	[tilespmem:$0x2398] =	vst v0  }
0x22c: {  	[tilespmem:$0x23A8] =	vst v0  }
0x22d: {  	[tilespmem:$0x23B8] =	vst v0  }
0x22e: {  	[tilespmem:$0x23C8] =	vst v0  }
0x22f: {  	[tilespmem:$0x23D8] =	vst v0  }
0x230: {  	[tilespmem:$0x23E8] =	vst v0  }
0x231: {  	[tilespmem:$0x23F8] =	vst v0  }
0x232: {  	[tilespmem:$0x2408] =	vst v0  }
0x233: {  	[tilespmem:$0x2418] =	vst v0  }
0x234: {  	[tilespmem:$0x2428] =	vst v0  }
0x235: {  	[tilespmem:$0x2438] =	vst v0  }
0x236: {  	[tilespmem:$0x2448] =	vst v0  }
0x237: {  	[tilespmem:$0x2458] =	vst v0  }
0x238: {  	[tilespmem:$0x2468] =	vst v0  }
0x239: {  	[tilespmem:$0x2478] =	vst v0  }
0x23a: {  	[tilespmem:$0x33A8] =	vst v0  }
0x23b: {  	[tilespmem:$0x33B8] =	vst v0  }
0x23c: {  	[tilespmem:$0x2488] =	vst v0  }
0x23d: {  	[tilespmem:$0x2498] =	vst v0  }
0x23e: {  	[tilespmem:$0x24A8] =	vst v0  }
0x23f: {  	[tilespmem:$0x24B8] =	vst v0  }
0x240: {  	[tilespmem:$0x24C8] =	vst v0  }
0x241: {  	[tilespmem:$0x24D8] =	vst v0  }
0x242: {  	[tilespmem:$0x24E8] =	vst v0  }
0x243: {  	[tilespmem:$0x24F8] =	vst v0  }
0x244: {  	[tilespmem:$0x2508] =	vst v0  }
0x245: {  	[tilespmem:$0x2518] =	vst v0  }
0x246: {  	[tilespmem:$0x2528] =	vst v0  }
0x247: {  	[tilespmem:$0x2538] =	vst v0  }
0x248: {  	[tilespmem:$0x2548] =	vst v0  }
0x249: {  	[tilespmem:$0x2558] =	vst v0  }
0x24a: {  	[tilespmem:$0x2568] =	vst v0  }
0x24b: {  	[tilespmem:$0x2578] =	vst v0  }
0x24c: {  	[tilespmem:$0x2588] =	vst v0  }
0x24d: {  	[tilespmem:$0x2598] =	vst v0  }
0x24e: {  	[tilespmem:$0x25A8] =	vst v0  }
0x24f: {  	[tilespmem:$0x25B8] =	vst v0  }
0x250: {  	[tilespmem:$0x25C8] =	vst v0  }
0x251: {  	[tilespmem:$0x25D8] =	vst v0  }
0x252: {  	[tilespmem:$0x25E8] =	vst v0  }
0x253: {  	[tilespmem:$0x25F8] =	vst v0  }
0x254: {  	[tilespmem:$0x2608] =	vst v0  }
0x255: {  	[tilespmem:$0x2618] =	vst v0  }
0x256: {  	[tilespmem:$0x2628] =	vst v0  }
0x257: {  	[tilespmem:$0x2638] =	vst v0  }
0x258: {  	[tilespmem:$0x2648] =	vst v0  }
0x259: {  	[tilespmem:$0x2658] =	vst v0  }
0x25a: {  	[tilespmem:$0x2668] =	vst v0  }
0x25b: {  	[tilespmem:$0x2678] =	vst v0  }
0x25c: {  	[tilespmem:$0x2688] =	vst v0  }
0x25d: {  	[tilespmem:$0x2698] =	vst v0  }
0x25e: {  	[tilespmem:$0x26A8] =	vst v0  }
0x25f: {  	[tilespmem:$0x26B8] =	vst v0  }
0x260: {  	[tilespmem:$0x26C8] =	vst v0  }
0x261: {  	[tilespmem:$0x26D8] =	vst v0  }
0x262: {  	[tilespmem:$0x26E8] =	vst v0  }
0x263: {  	[tilespmem:$0x26F8] =	vst v0  }
0x264: {  	[tilespmem:$0x2708] =	vst v0  }
0x265: {  	[tilespmem:$0x2718] =	vst v0  }
0x266: {  	[tilespmem:$0x2728] =	vst v0  }
0x267: {  	[tilespmem:$0x2738] =	vst v0  }
0x268: {  	[tilespmem:$0x2748] =	vst v0  }
0x269: {  	[tilespmem:$0x2758] =	vst v0  }
0x26a: {  	[tilespmem:$0x2768] =	vst v0  }
0x26b: {  	[tilespmem:$0x2778] =	vst v0  }
0x26c: {  	[tilespmem:$0x2788] =	vst v0  }
0x26d: {  	[tilespmem:$0x2798] =	vst v0  }
0x26e: {  	[tilespmem:$0x27A8] =	vst v0  }
0x26f: {  	[tilespmem:$0x27B8] =	vst v0  }
0x270: {  	[tilespmem:$0x27C8] =	vst v0  }
0x271: {  	[tilespmem:$0x27D8] =	vst v0  }
0x272: {  	[tilespmem:$0x27E8] =	vst v0  }
0x273: {  	[tilespmem:$0x27F8] =	vst v0  }
0x274: {  	[tilespmem:$0x2808] =	vst v0  }
0x275: {  	[tilespmem:$0x2818] =	vst v0  }
0x276: {  	[tilespmem:$0x2828] =	vst v0  }
0x277: {  	[tilespmem:$0x2838] =	vst v0  }
0x278: {  	[tilespmem:$0x2848] =	vst v0  }
0x279: {  	[tilespmem:$0x2858] =	vst v0  }
0x27a: {  	[tilespmem:$0x2868] =	vst v0  }
0x27b: {  	[tilespmem:$0x2878] =	vst v0  }
0x27c: {  	[tilespmem:$0x2888] =	vst v0  }
0x27d: {  	[tilespmem:$0x2898] =	vst v0  }
0x27e: {  	[tilespmem:$0x28A8] =	vst v0  }
0x27f: {  	[tilespmem:$0x28B8] =	vst v0  }
0x280: {  	[tilespmem:$0x28C8] =	vst v0  }
0x281: {  	[tilespmem:$0x28D8] =	vst v0  }
0x282: {  	[tilespmem:$0x28E8] =	vst v0  }
0x283: {  	[tilespmem:$0x28F8] =	vst v0  }
0x284: {  	[tilespmem:$0x2908] =	vst v0  }
0x285: {  	[tilespmem:$0x2918] =	vst v0  }
0x286: {  	[tilespmem:$0x2928] =	vst v0  }
0x287: {  	[tilespmem:$0x2938] =	vst v0  }
0x288: {  	[tilespmem:$0x2948] =	vst v0  }
0x289: {  	[tilespmem:$0x2958] =	vst v0  }
0x28a: {  	[tilespmem:$0x2968] =	vst v0  }
0x28b: {  	[tilespmem:$0x2978] =	vst v0  }
0x28c: {  	[tilespmem:$0x2988] =	vst v0  }
0x28d: {  	[tilespmem:$0x2998] =	vst v0  }
0x28e: {  	[tilespmem:$0x29A8] =	vst v0  }
0x28f: {  	[tilespmem:$0x29B8] =	vst v0  }
0x290: {  	[tilespmem:$0x29C8] =	vst v0  }
0x291: {  	[tilespmem:$0x29D8] =	vst v0  }
0x292: {  	[tilespmem:$0x29E8] =	vst v0  }
0x293: {  	[tilespmem:$0x29F8] =	vst v0  }
0x294: {  	[tilespmem:$0x2A08] =	vst v0  }
0x295: {  	[tilespmem:$0x2A18] =	vst v0  }
0x296: {  	[tilespmem:$0x2A28] =	vst v0  }
0x297: {  	[tilespmem:$0x2A38] =	vst v0  }
0x298: {  	[tilespmem:$0x2A48] =	vst v0  }
0x299: {  	[tilespmem:$0x2A58] =	vst v0  }
0x29a: {  	[tilespmem:$0x2A68] =	vst v0  }
0x29b: {  	[tilespmem:$0x2A78] =	vst v0  }
0x29c: {  	[tilespmem:$0x2A88] =	vst v0  }
0x29d: {  	[tilespmem:$0x2A98] =	vst v0  }
0x29e: {  	[tilespmem:$0x2AA8] =	vst v0  }
0x29f: {  	[tilespmem:$0x2AB8] =	vst v0  }
0x2a0: {  	[tilespmem:$0x2AC8] =	vst v0  }
0x2a1: {  	[tilespmem:$0x2AD8] =	vst v0  }
0x2a2: {  	[tilespmem:$0x2AE8] =	vst v0  }
0x2a3: {  	[tilespmem:$0x2AF8] =	vst v0  }
0x2a4: {  	[tilespmem:$0x2B08] =	vst v0  }
0x2a5: {  	[tilespmem:$0x2B18] =	vst v0  }
0x2a6: {  	[tilespmem:$0x2B28] =	vst v0  }
0x2a7: {  	[tilespmem:$0x2B38] =	vst v0  }
0x2a8: {  	[tilespmem:$0x2B48] =	vst v0  }
0x2a9: {  	[tilespmem:$0x2B58] =	vst v0  }
0x2aa: {  	[tilespmem:$0x2B68] =	vst v0  }
0x2ab: {  	[tilespmem:$0x2B78] =	vst v0  }
0x2ac: {  	[tilespmem:$0x2B88] =	vst v0  }
0x2ad: {  	[tilespmem:$0x2B98] =	vst v0  }
0x2ae: {  	[tilespmem:$0x2BA8] =	vst v0  }
0x2af: {  	[tilespmem:$0x2BB8] =	vst v0  }
0x2b0: {  	[tilespmem:$0x2BC8] =	vst v0  }
0x2b1: {  	[tilespmem:$0x2BD8] =	vst v0  }
0x2b2: {  	[tilespmem:$0x2BE8] =	vst v0  }
0x2b3: {  	[tilespmem:$0x2BF8] =	vst v0  }
0x2b4: {  	[tilespmem:$0x2C08] =	vst v0  }
0x2b5: {  	[tilespmem:$0x2C18] =	vst v0  }
0x2b6: {  	[tilespmem:$0x2C28] =	vst v0  }
0x2b7: {  	[tilespmem:$0x2C38] =	vst v0  }
0x2b8: {  	[tilespmem:$0x2C48] =	vst v0  }
0x2b9: {  	[tilespmem:$0x2C58] =	vst v0  }
0x2ba: {  	[tilespmem:$0x2C68] =	vst v0  }
0x2bb: {  	[tilespmem:$0x2C78] =	vst v0  }
0x2bc: {  	[tilespmem:$0x2C88] =	vst v0  }
0x2bd: {  	[tilespmem:$0x2C98] =	vst v0  }
0x2be: {  	[tilespmem:$0x2CA8] =	vst v0  }
0x2bf: {  	[tilespmem:$0x2CB8] =	vst v0  }
0x2c0: {  	[tilespmem:$0x2CC8] =	vst v0  }
0x2c1: {  	[tilespmem:$0x2CD8] =	vst v0  }
0x2c2: {  	[tilespmem:$0x2CE8] =	vst v0  }
0x2c3: {  	[tilespmem:$0x2CF8] =	vst v0  }
0x2c4: {  	[tilespmem:$0x2D08] =	vst v0  }
0x2c5: {  	[tilespmem:$0x2D18] =	vst v0  }
0x2c6: {  	[tilespmem:$0x2D28] =	vst v0  }
0x2c7: {  	[tilespmem:$0x2D38] =	vst v0  }
0x2c8: {  	[tilespmem:$0x2D48] =	vst v0  }
0x2c9: {  	[tilespmem:$0x2D58] =	vst v0  }
0x2ca: {  	[tilespmem:$0x2D68] =	vst v0  }
0x2cb: {  	[tilespmem:$0x2D78] =	vst v0  }
0x2cc: {  	[tilespmem:$0x2D88] =	vst v0  }
0x2cd: {  	[tilespmem:$0x2D98] =	vst v0  }
0x2ce: {  	[tilespmem:$0x2DA8] =	vst v0  }
0x2cf: {  	[tilespmem:$0x2DB8] =	vst v0  }
0x2d0: {  	[tilespmem:$0x2DC8] =	vst v0  }
0x2d1: {  	[tilespmem:$0x2DD8] =	vst v0  }
0x2d2: {  	[tilespmem:$0x2DE8] =	vst v0  }
0x2d3: {  	[tilespmem:$0x2DF8] =	vst v0  }
0x2d4: {  	[tilespmem:$0x2E08] =	vst v0  }
0x2d5: {  	[tilespmem:$0x2E18] =	vst v0  }
0x2d6: {  	[tilespmem:$0x2E28] =	vst v0  }
0x2d7: {  	[tilespmem:$0x2E38] =	vst v0  }
0x2d8: {  	[tilespmem:$0x2E48] =	vst v0  }
0x2d9: {  	[tilespmem:$0x2E58] =	vst v0  }
0x2da: {  	[tilespmem:$0x2E68] =	vst v0  }
0x2db: {  	[tilespmem:$0x2E78] =	vst v0  }
0x2dc: {  	[tilespmem:$0x2E88] =	vst v0  }
0x2dd: {  	[tilespmem:$0x2E98] =	vst v0  }
0x2de: {  	[tilespmem:$0x2EA8] =	vst v0  }
0x2df: {  	[tilespmem:$0x2EB8] =	vst v0  }
0x2e0: {  	[tilespmem:$0x2EC8] =	vst v0  }
0x2e1: {  	[tilespmem:$0x2ED8] =	vst v0  }
0x2e2: {  	[tilespmem:$0x2EE8] =	vst v0  }
0x2e3: {  	[tilespmem:$0x2EF8] =	vst v0  }
0x2e4: {  	[tilespmem:$0x2F08] =	vst v0  }
0x2e5: {  	[tilespmem:$0x2F18] =	vst v0  }
0x2e6: {  	[tilespmem:$0x2F28] =	vst v0  }
0x2e7: {  	[tilespmem:$0x2F38] =	vst v0  }
0x2e8: {  	[tilespmem:$0x2F48] =	vst v0  }
0x2e9: {  	[tilespmem:$0x2F58] =	vst v0  }
0x2ea: {  	[tilespmem:$0x2F68] =	vst v0  }
0x2eb: {  	[tilespmem:$0x2F78] =	vst v0  }
0x2ec: {  	[tilespmem:$0x2F88] =	vst v0  }
0x2ed: {  	[tilespmem:$0x2F98] =	vst v0  }
0x2ee: {  	[tilespmem:$0x2FA8] =	vst v0  }
0x2ef: {  	[tilespmem:$0x2FB8] =	vst v0  }
0x2f0: {  	[tilespmem:$0x2FC8] =	vst v0  }
0x2f1: {  	[tilespmem:$0x2FD8] =	vst v0  }
0x2f2: {  	[tilespmem:$0x2FE8] =	vst v0  }
0x2f3: {  	[tilespmem:$0x2FF8] =	vst v0  }
0x2f4: {  	[tilespmem:$0x3008] =	vst v0  }
0x2f5: {  	[tilespmem:$0x3018] =	vst v0  }
0x2f6: {  	[tilespmem:$0x3028] =	vst v0  }
0x2f7: {  	[tilespmem:$0x3038] =	vst v0  }
0x2f8: {  	[tilespmem:$0x3048] =	vst v0  }
0x2f9: {  	[tilespmem:$0x3058] =	vst v0  }
0x2fa: {  	[tilespmem:$0x3068] =	vst v0  }
0x2fb: {  	[tilespmem:$0x3078] =	vst v0  }
0x2fc: {  	[tilespmem:$0x3088] =	vst v0  }
0x2fd: {  	[tilespmem:$0x3098] =	vst v0  }
0x2fe: {  	[tilespmem:$0x30A8] =	vst v0  }
0x2ff: {  	[tilespmem:$0x30B8] =	vst v0  }
0x300: {  	[tilespmem:$0x30C8] =	vst v0  }
0x301: {  	[tilespmem:$0x30D8] =	vst v0  }
0x302: {  	[tilespmem:$0x30E8] =	vst v0  }
0x303: {  	[tilespmem:$0x30F8] =	vst v0  }
0x304: {  	[tilespmem:$0x3108] =	vst v0  }
0x305: {  	[tilespmem:$0x3118] =	vst v0  }
0x306: {  	[tilespmem:$0x3128] =	vst v0  }
0x307: {  	[tilespmem:$0x3138] =	vst v0  }
0x308: {  	[tilespmem:$0x3148] =	vst v0  }
0x309: {  	[tilespmem:$0x3158] =	vst v0  }
0x30a: {  	[tilespmem:$0x3168] =	vst v0  }
0x30b: {  	[tilespmem:$0x3178] =	vst v0  }
0x30c: {  	[tilespmem:$0x3188] =	vst v0  }
0x30d: {  	[tilespmem:$0x3198] =	vst v0  }
0x30e: {  	[tilespmem:$0x31A8] =	vst v0  }
0x30f: {  	[tilespmem:$0x31B8] =	vst v0  }
0x310: {  	[tilespmem:$0x31C8] =	vst v0  }
0x311: {  	[tilespmem:$0x31D8] =	vst v0  }
0x312: {  	[tilespmem:$0x31E8] =	vst v0  }
0x313: {  	[tilespmem:$0x31F8] =	vst v0  }
0x314: {  	[tilespmem:$0x3208] =	vst v0  }
0x315: {  	[tilespmem:$0x3218] =	vst v0  }
0x316: {  	[tilespmem:$0x3228] =	vst v0  }
0x317: {  	[tilespmem:$0x3238] =	vst v0  }
0x318: {  	[tilespmem:$0x3248] =	vst v0  }
0x319: {  	[tilespmem:$0x3258] =	vst v0  }
0x31a: {  	[tilespmem:$0x3268] =	vst v0  }
0x31b: {  	[tilespmem:$0x3278] =	vst v0  }
0x31c: {  	[tilespmem:$0x3288] =	vst v0  }
0x31d: {  	[tilespmem:$0x3298] =	vst v0  }
0x31e: {  	[tilespmem:$0x32A8] =	vst v0  }
0x31f: {  	[tilespmem:$0x32B8] =	vst v0  }
0x320: {  	[tilespmem:$0x32C8] =	vst v0  }
0x321: {  	[tilespmem:$0x32D8] =	vst v0  }
0x322: {  	[tilespmem:$0x32E8] =	vst v0  }
0x323: {  	[tilespmem:$0x32F8] =	vst v0  }
0x324: {  	[tilespmem:$0x3308] =	vst v0  }
0x325: {  	[tilespmem:$0x3318] =	vst v0  }
0x326: {  	[tilespmem:$0x3328] =	vst v0  }
0x327: {  	[tilespmem:$0x3338] =	vst v0  }
0x328: {  	[tilespmem:$0x3348] =	vst v0  }
0x329: {  	[tilespmem:$0x3358] =	vst v0  }
0x32a: {  	[tilespmem:$0x3368] =	vst v0  }
0x32b: {  	[tilespmem:$0x3378] =	vst v0  }
0x32c: {  	[tilespmem:$0x3388] =	vst v0  }
0x32d: {  	[tilespmem:$0x3398] =	vst v0  }
0x32e: {  	[tilespmem:$0x33C8] =	vst v0  }
0x32f: {  	[tilespmem:$0x33D8] =	vst v0  }
0x330: {  	[tilespmem:$0x33E8] =	vst v0  }
0x331: {  	[tilespmem:$0x33F8] =	vst v0  }
0x332: {  	[tilespmem:$0x3408] =	vst v0  }
0x333: {  	[tilespmem:$0x3418] =	vst v0  }
0x334: {  	[tilespmem:$0x3428] =	vst v0  }
0x335: {  	[tilespmem:$0x3438] =	vst v0  }
0x336: {  	[tilespmem:$0x3448] =	vst v0  }
0x337: {  	[tilespmem:$0x3458] =	vst v0  }
0x338: {  	[tilespmem:$0x3468] =	vst v0  }
0x339: {  	[tilespmem:$0x3478] =	vst v0  }
0x33a: {  	[tilespmem:$0x3488] =	vst v0  }
0x33b: {  	[tilespmem:$0x3498] =	vst v0  }
0x33c: {  	[tilespmem:$0x34A8] =	vst v0  }
0x33d: {  	[tilespmem:$0x34B8] =	vst v0  }
0x33e: {  	[tilespmem:$0x34C8] =	vst v0  }
0x33f: {  	[tilespmem:$0x34D8] =	vst v0  }
0x340: {  	[tilespmem:$0x34E8] =	vst v0  }
0x341: {  	[tilespmem:$0x34F8] =	vst v0  }
0x342: {  	[tilespmem:$0x3508] =	vst v0  }
0x343: {  	[tilespmem:$0x3518] =	vst v0  }
0x344: {  	[tilespmem:$0x3528] =	vst v0  }
0x345: {  	[tilespmem:$0x3538] =	vst v0  }
0x346: {  	[tilespmem:$0x3548] =	vst v0  }
0x347: {  	[tilespmem:$0x3558] =	vst v0  }
0x348: {  	[tilespmem:$0x3568] =	vst v0  }
0x349: {  	[tilespmem:$0x3578] =	vst v0  }
0x34a: {  	[tilespmem:$0x3588] =	vst v0  }
0x34b: {  	[tilespmem:$0x3598] =	vst v0  }
0x34c: {  	[tilespmem:$0x35A8] =	vst v0  }
0x34d: {  	[tilespmem:$0x35B8] =	vst v0  }
0x34e: {  	[tilespmem:$0x35C8] =	vst v0  }
0x34f: {  	[tilespmem:$0x35D8] =	vst v0  }
0x350: {  	[tilespmem:$0x35E8] =	vst v0  }
0x351: {  	[tilespmem:$0x35F8] =	vst v0  }
0x352: {  	[tilespmem:$0x3608] =	vst v0  }
0x353: {  	[tilespmem:$0x3618] =	vst v0  }
0x354: {  	[tilespmem:$0x3628] =	vst v0  }
0x355: {  	[tilespmem:$0x3638] =	vst v0  }
0x356: {  	[tilespmem:$0x3648] =	vst v0  }
0x357: {  	[tilespmem:$0x3658] =	vst v0  }
0x358: {  	[tilespmem:$0x3668] =	vst v0  }
0x359: {  	[tilespmem:$0x3678] =	vst v0  }
0x35a: {  	[tilespmem:$0x3688] =	vst v0  }
0x35b: {  	[tilespmem:$0x3698] =	vst v0  }
0x35c: {  	[tilespmem:$0x36A8] =	vst v0  }
0x35d: {  	[tilespmem:$0x36B8] =	vst v0  }
0x35e: {  	[tilespmem:$0x36C8] =	vst v0  }
0x35f: {  	[tilespmem:$0x36D8] =	vst v0  }
0x360: {  	[tilespmem:$0x36E8] =	vst v0  }
0x361: {  	[tilespmem:$0x36F8] =	vst v0  }
0x362: {  	[tilespmem:$0x3708] =	vst v0  }
0x363: {  	[tilespmem:$0x3718] =	vst v0  }
0x364: {  	[tilespmem:$0x3728] =	vst v0  }
0x365: {  	[tilespmem:$0x3738] =	vst v0  }
0x366: {  	[tilespmem:$0x3748] =	vst v0  }
0x367: {  	[tilespmem:$0x3758] =	vst v0  }
0x368: {  	[tilespmem:$0x3768] =	vst v0  }
0x369: {  	[tilespmem:$0x3778] =	vst v0  }
0x36a: {  	[tilespmem:$0x3788] =	vst v0  }
0x36b: {  	[tilespmem:$0x3798] =	vst v0  }
0x36c: {  	[tilespmem:$0x37A8] =	vst v0  }
0x36d: {  	[tilespmem:$0x37B8] =	vst v0  }
0x36e: {  	[tilespmem:$0x37C8] =	vst v0  }
0x36f: {  	[tilespmem:$0x37D8] =	vst v0  }
0x370: {  	[tilespmem:$0x37E8] =	vst v0  }
0x371: {  	[tilespmem:$0x37F8] =	vst v0  }
0x372: {  	[tilespmem:$0x3808] =	vst v0  }
0x373: {  	[tilespmem:$0x3818] =	vst v0  }
0x374: {  	[tilespmem:$0x3828] =	vst v0  }
0x375: {  	[tilespmem:$0x3838] =	vst v0  }
0x376: {  	[tilespmem:$0x3848] =	vst v0  }
0x377: {  	[tilespmem:$0x3858] =	vst v0  }
0x378: {  	[tilespmem:$0x3868] =	vst v0  }
0x379: {  	[tilespmem:$0x3878] =	vst v0  }
0x37a: {  	[tilespmem:$0x3888] =	vst v0  }
0x37b: {  	[tilespmem:$0x3898] =	vst v0  }
0x37c: {  	[tilespmem:$0x38A8] =	vst v0  }
0x37d: {  	[tilespmem:$0x38B8] =	vst v0  }
0x37e: {  	[tilespmem:$0x38C8] =	vst v0  }
0x37f: {  	[tilespmem:$0x38D8] =	vst v0  }
0x380: {  	[tilespmem:$0x38E8] =	vst v0  }
0x381: {  	[tilespmem:$0x38F8] =	vst v0  }
0x382: {  	[tilespmem:$0x3908] =	vst v0  }
0x383: {  	[tilespmem:$0x3918] =	vst v0  }
0x384: {  	[tilespmem:$0x3928] =	vst v0  }
0x385: {  	[tilespmem:$0x3938] =	vst v0  }
0x386: {  	[tilespmem:$0x3948] =	vst v0  }
0x387: {  	[tilespmem:$0x3958] =	vst v0  }
0x388: {  	[tilespmem:$0x3968] =	vst v0  }
0x389: {  	[tilespmem:$0x3978] =	vst v0  }
0x38a: {  	[tilespmem:$0x3988] =	vst v0  }
0x38b: {  	[tilespmem:$0x3998] =	vst v0  }
0x38c: {  	[tilespmem:$0x39A8] =	vst v0  }
0x38d: {  	[tilespmem:$0x39B8] =	vst v0  }
0x38e: {  	[tilespmem:$0x39C8] =	vst v0  }
0x38f: {  	[tilespmem:$0x39D8] =	vst v0  }
0x390: {  	[tilespmem:$0x39E8] =	vst v0  }
0x391: {  	[tilespmem:$0x39F8] =	vst v0  }
0x392: {  	[tilespmem:$0x3A08] =	vst v0  }
0x393: {  	[tilespmem:$0x3A18] =	vst v0  }
0x394: {  	[tilespmem:$0x3A28] =	vst v0  }
0x395: {  	[tilespmem:$0x3A38] =	vst v0  }
0x396: {  	[tilespmem:$0x3A48] =	vst v0  }
0x397: {  	[tilespmem:$0x3A58] =	vst v0  }
0x398: {  	[tilespmem:$0x3A68] =	vst v0  }
0x399: {  	[tilespmem:$0x3A78] =	vst v0  }
0x39a: {  	[tilespmem:$0x3A88] =	vst v0  }
0x39b: {  	[tilespmem:$0x3A98] =	vst v0  }
0x39c: {  	[tilespmem:$0x3AA8] =	vst v0  }
0x39d: {  	[tilespmem:$0x3AB8] =	vst v0  }
0x39e: {  	[tilespmem:$0x3AC8] =	vst v0  }
0x39f: {  	[tilespmem:$0x3AD8] =	vst v0  }
0x3a0: {  	[tilespmem:$0x3AE8] =	vst v0  }
0x3a1: {  	[tilespmem:$0x3AF8] =	vst v0  }
0x3a2: {  	[tilespmem:$0x3B08] =	vst v0  }
0x3a3: {  	[tilespmem:$0x3B18] =	vst v0  }
0x3a4: {  	[tilespmem:$0x3B28] =	vst v0  }
0x3a5: {  	[tilespmem:$0x3B38] =	vst v0  }
0x3a6: {  	[tilespmem:$0x3B48] =	vst v0  }
0x3a7: {  	[tilespmem:$0x3B58] =	vst v0  }
0x3a8: {  	[tilespmem:$0x3B68] =	vst v0  }
0x3a9: {  	[tilespmem:$0x3B78] =	vst v0  }
0x3aa: {  	[tilespmem:$0x3B88] =	vst v0  }
0x3ab: {  	[tilespmem:$0x3B98] =	vst v0  }
0x3ac: {  	[tilespmem:$0x3BA8] =	vst v0  }
0x3ad: {  	[tilespmem:$0x3BB8] =	vst v0  }
0x3ae: {  	[tilespmem:$0x3BC8] =	vst v0  }
0x3af: {  	[tilespmem:$0x3BD8] =	vst v0  }
0x3b0: {  	[tilespmem:$0x3BE8] =	vst v0  }
0x3b1: {  	[tilespmem:$0x3BF8] =	vst v0  }
0x3b2: {  	[tilespmem:$0x3C08] =	vst v0  }
0x3b3: {  	[tilespmem:$0x3C18] =	vst v0  }
0x3b4: {  	[tilespmem:$0x3C28] =	vst v0  }
0x3b5: {  	[tilespmem:$0x3C38] =	vst v0  }
0x3b6: {  	[tilespmem:$0x3C48] =	vst v0  }
0x3b7: {  	[tilespmem:$0x3C58] =	vst v0  }
0x3b8: {  	[tilespmem:$0x3C68] =	vst v0  }
0x3b9: {  	[tilespmem:$0x3C78] =	vst v0  }
0x3ba: {  	[tilespmem:$0x3C88] =	vst v0  }
0x3bb: {  	[tilespmem:$0x3C98] =	vst v0  }
0x3bc: {  	[tilespmem:$0x3CA8] =	vst v0  }
0x3bd: {  	[tilespmem:$0x3CB8] =	vst v0  }
0x3be: {  	[tilespmem:$0x3CC8] =	vst v0  }
0x3bf: {  	[tilespmem:$0x3CD8] =	vst v0  }
0x3c0: {  	[tilespmem:$0x3CE8] =	vst v0  }
0x3c1: {  	[tilespmem:$0x3CF8] =	vst v0  }
0x3c2: {  	[tilespmem:$0x3D08] =	vst v0  }
0x3c3: {  	[tilespmem:$0x3D18] =	vst v0  }
0x3c4: {  	[tilespmem:$0x3D28] =	vst v0  }
0x3c5: {  	[tilespmem:$0x3D38] =	vst v0  }
0x3c6: {  	[tilespmem:$0x3D48] =	vst v0  }
0x3c7: {  	[tilespmem:$0x3D58] =	vst v0  }
0x3c8: {  	[tilespmem:$0x3D68] =	vst v0  }
0x3c9: {  	[tilespmem:$0x3D78] =	vst v0  }
0x3ca: {  	[tilespmem:$0x3D88] =	vst v0  }
0x3cb: {  	[tilespmem:$0x3D98] =	vst v0  }
0x3cc: {  	[tilespmem:$0x3DA8] =	vst v0  }
0x3cd: {  	[tilespmem:$0x3DB8] =	vst v0  }
0x3ce: {  	[tilespmem:$0x3DC8] =	vst v0  }
0x3cf: {  	[tilespmem:$0x3DD8] =	vst v0  }
0x3d0: {  	[tilespmem:$0x3DE8] =	vst v0  }
0x3d1: {  	[tilespmem:$0x3DF8] =	vst v0  }
0x3d2: {  	[tilespmem:$0x3E08] =	vst v0  }
0x3d3: {  	[tilespmem:$0x3E18] =	vst v0  }
0x3d4: {  	[tilespmem:$0x3E28] =	vst v0  }
0x3d5: {  	[tilespmem:$0x3E38] =	vst v0  }
0x3d6: {  	[tilespmem:$0x3E48] =	vst v0  }
0x3d7: {  	[tilespmem:$0x3E58] =	vst v0  }
0x3d8: {  	[tilespmem:$0x3E68] =	vst v0  }
0x3d9: {  	[tilespmem:$0x3E78] =	vst v0  }
0x3da: {  	[tilespmem:$0x3E88] =	vst v0  }
0x3db: {  	[tilespmem:$0x3E98] =	vst v0  }
0x3dc: {  	[tilespmem:$0x3EA8] =	vst v0  }
0x3dd: {  	[tilespmem:$0x3EB8] =	vst v0  }
0x3de: {  	[tilespmem:$0x3EC8] =	vst v0  }
0x3df: {  	[tilespmem:$0x3ED8] =	vst v0  }
0x3e0: {  	[tilespmem:$0x3EE8] =	vst v0  }
0x3e1: {  	[tilespmem:$0x3EF8] =	vst v0  }
0x3e2: {  	[tilespmem:$0x3F08] =	vst v0  }
0x3e3: {  	[tilespmem:$0x3F18] =	vst v0  }
0x3e4: {  	[tilespmem:$0x3F28] =	vst v0  }
0x3e5: {  	[tilespmem:$0x3F38] =	vst v0  }
0x3e6: {  	[tilespmem:$0x3F48] =	vst v0  }
0x3e7: {  	[tilespmem:$0x3F58] =	vst v0  }
0x3e8: {  	[tilespmem:$0x3F68] =	vst v0  }
0x3e9: {  	[tilespmem:$0x3F78] =	vst v0  }
0x3ea: {  	[tilespmem:$0x3F88] =	vst v0  }
0x3eb: {  	[tilespmem:$0x3F98] =	vst v0  }
0x3ec: {  	[tilespmem:$0x3FA8] =	vst v0  }
0x3ed: {  	[tilespmem:$0x3FB8] =	vst v0  }
0x3ee: {  	[tilespmem:$0x3FC8] =	vst v0  }
0x3ef: {  	[tilespmem:$0x3FD8] =	vst v0  }
0x3f0: {  	[tilespmem:$0x3FE8] =	vst v0  }
0x3f1: {  	[tilespmem:$0x3FF8] =	vst v0  }
0x3f2: {  	[tilespmem:$0x4008] =	vst v0  }
0x3f3: {  	[tilespmem:$0x4018] =	vst v0  }
0x3f4: {  	[tilespmem:$0x4028] =	vst v0  }
0x3f5: {  	[tilespmem:$0x4038] =	vst v0  }
0x3f6: {  	[tilespmem:$0x4048] =	vst v0  }
0x3f7: {  	[tilespmem:$0x4058] =	vst v0  }
0x3f8: {  	[tilespmem:$0x4068] =	vst v0  }
0x3f9: {  	[tilespmem:$0x4078] =	vst v0  }
0x3fa: {  	[tilespmem:$0x4088] =	vst v0  }
0x3fb: {  	[tilespmem:$0x4098] =	vst v0  }
0x3fc: {  	[tilespmem:$0x40A8] =	vst v0  }
0x3fd: {  	[tilespmem:$0x40B8] =	vst v0  }
0x3fe: {  	[tilespmem:$0x40C8] =	vst v0  }
0x3ff: {  	[tilespmem:$0x40D8] =	vst v0  }
0x400: {  	[tilespmem:$0x40E8] =	vst v0  }
0x401: {  	[tilespmem:$0x40F8] =	vst v0  }
0x402: {  	[tilespmem:$0x4108] =	vst v0  }
0x403: {  	[tilespmem:$0x4118] =	vst v0  }
0x404: {  	[tilespmem:$0x4128] =	vst v0  }
0x405: {  	[tilespmem:$0x4138] =	vst v0  }
0x406: {  	[tilespmem:$0x4148] =	vst v0  }
0x407: {  	[tilespmem:$0x4158] =	vst v0  }
0x408: {  	[tilespmem:$0x4168] =	vst v0  }
0x409: {  	[tilespmem:$0x4178] =	vst v0  }
0x40a: {  	[tilespmem:$0x4188] =	vst v0  }
0x40b: {  	[tilespmem:$0x4198] =	vst v0  }
0x40c: {  	[tilespmem:$0x41A8] =	vst v0  }
0x40d: {  	[tilespmem:$0x41B8] =	vst v0  }
0x40e: {  	[tilespmem:$0x41C8] =	vst v0  }
0x40f: {  	[tilespmem:$0x41D8] =	vst v0  }
0x410: {  	[tilespmem:$0x41E8] =	vst v0  }
0x411: {  	[tilespmem:$0x41F8] =	vst v0  }
0x412: {  	[tilespmem:$0x4208] =	vst v0  }
0x413: {  	[tilespmem:$0x4218] =	vst v0  }
0x414: {  	[tilespmem:$0x4228] =	vst v0  }
0x415: {  	[tilespmem:$0x4238] =	vst v0  }
0x416: {  	[tilespmem:$0x4248] =	vst v0  }
0x417: {  	[tilespmem:$0x4258] =	vst v0  }
0x418: {  	[tilespmem:$0x4268] =	vst v0  }
0x419: {  	[tilespmem:$0x4278] =	vst v0  }
0x41a: {  	[tilespmem:$0x4288] =	vst v0  }
0x41b: {  	[tilespmem:$0x4298] =	vst v0  }
0x41c: {  	[tilespmem:$0x42A8] =	vst v0  }
0x41d: {  	[tilespmem:$0x42B8] =	vst v0  }
0x41e: {  	[tilespmem:$0x42C8] =	vst v0  }
0x41f: {  	[tilespmem:$0x42D8] =	vst v0  }
0x420: {  	[tilespmem:$0x42E8] =	vst v0  }
0x421: {  	[tilespmem:$0x42F8] =	vst v0  }
0x422: {  	[tilespmem:$0x4308] =	vst v0  }
0x423: {  	[tilespmem:$0x4318] =	vst v0  }
0x424: {  	[tilespmem:$0x4328] =	vst v0  }
0x425: {  	[tilespmem:$0x4338] =	vst v0  }
0x426: {  	[tilespmem:$0x4348] =	vst v0  }
0x427: {  	[tilespmem:$0x4358] =	vst v0  }
0x428: {  	[tilespmem:$0x4368] =	vst v0  }
0x429: {  	[tilespmem:$0x4378] =	vst v0  }
0x42a: {  	[tilespmem:$0x4388] =	vst v0  }
0x42b: {  	[tilespmem:$0x4398] =	vst v0  }
0x42c: {  	[tilespmem:$0x43A8] =	vst v0  }
0x42d: {  	[tilespmem:$0x43C8] =	vst v0  }
0x42e: {  	[tilespmem:$0x4478] =	vst v0  }
0x42f: {  	[tilespmem:$0x52A8] =	vst v0  }
0x430: {  	[tilespmem:$0x5298] =	vst v0  }
0x431: {  	[tilespmem:$0x5288] =	vst v0  }
0x432: {  	[tilespmem:$0x5278] =	vst v0  }
0x433: {  	[tilespmem:$0x5268] =	vst v0  }
0x434: {  	[tilespmem:$0x5258] =	vst v0  }
0x435: {  	[tilespmem:$0x5248] =	vst v0  }
0x436: {  	[tilespmem:$0x5238] =	vst v0  }
0x437: {  	[tilespmem:$0x5228] =	vst v0  }
0x438: {  	[tilespmem:$0x5218] =	vst v0  }
0x439: {  	[tilespmem:$0x5208] =	vst v0  }
0x43a: {  	[tilespmem:$0x51F8] =	vst v0  }
0x43b: {  	[tilespmem:$0x51E8] =	vst v0  }
0x43c: {  	[tilespmem:$0x51D8] =	vst v0  }
0x43d: {  	[tilespmem:$0x51C8] =	vst v0  }
0x43e: {  	[tilespmem:$0x51B8] =	vst v0  }
0x43f: {  	[tilespmem:$0x51A8] =	vst v0  }
0x440: {  	[tilespmem:$0x5198] =	vst v0  }
0x441: {  	[tilespmem:$0x5188] =	vst v0  }
0x442: {  	[tilespmem:$0x5178] =	vst v0  }
0x443: {  	[tilespmem:$0x5168] =	vst v0  }
0x444: {  	[tilespmem:$0x5158] =	vst v0  }
0x445: {  	[tilespmem:$0x5148] =	vst v0  }
0x446: {  	[tilespmem:$0x5138] =	vst v0  }
0x447: {  	[tilespmem:$0x5128] =	vst v0  }
0x448: {  	[tilespmem:$0x5118] =	vst v0  }
0x449: {  	[tilespmem:$0x5108] =	vst v0  }
0x44a: {  	[tilespmem:$0x50F8] =	vst v0  }
0x44b: {  	[tilespmem:$0x50E8] =	vst v0  }
0x44c: {  	[tilespmem:$0x50D8] =	vst v0  }
0x44d: {  	[tilespmem:$0x50C8] =	vst v0  }
0x44e: {  	[tilespmem:$0x50B8] =	vst v0  }
0x44f: {  	[tilespmem:$0x50A8] =	vst v0  }
0x450: {  	[tilespmem:$0x5098] =	vst v0  }
0x451: {  	[tilespmem:$0x5088] =	vst v0  }
0x452: {  	[tilespmem:$0x5078] =	vst v0  }
0x453: {  	[tilespmem:$0x5068] =	vst v0  }
0x454: {  	[tilespmem:$0x5058] =	vst v0  }
0x455: {  	[tilespmem:$0x5048] =	vst v0  }
0x456: {  	[tilespmem:$0x5038] =	vst v0  }
0x457: {  	[tilespmem:$0x5028] =	vst v0  }
0x458: {  	[tilespmem:$0x5018] =	vst v0  }
0x459: {  	[tilespmem:$0x5008] =	vst v0  }
0x45a: {  	[tilespmem:$0x4FF8] =	vst v0  }
0x45b: {  	[tilespmem:$0x4FE8] =	vst v0  }
0x45c: {  	[tilespmem:$0x4FD8] =	vst v0  }
0x45d: {  	[tilespmem:$0x4FC8] =	vst v0  }
0x45e: {  	[tilespmem:$0x4FB8] =	vst v0  }
0x45f: {  	[tilespmem:$0x4FA8] =	vst v0  }
0x460: {  	[tilespmem:$0x4F98] =	vst v0  }
0x461: {  	[tilespmem:$0x4F88] =	vst v0  }
0x462: {  	[tilespmem:$0x4F78] =	vst v0  }
0x463: {  	[tilespmem:$0x4F68] =	vst v0  }
0x464: {  	[tilespmem:$0x4F58] =	vst v0  }
0x465: {  	[tilespmem:$0x4F48] =	vst v0  }
0x466: {  	[tilespmem:$0x4F38] =	vst v0  }
0x467: {  	[tilespmem:$0x4F28] =	vst v0  }
0x468: {  	[tilespmem:$0x4F18] =	vst v0  }
0x469: {  	[tilespmem:$0x4F08] =	vst v0  }
0x46a: {  	[tilespmem:$0x4EF8] =	vst v0  }
0x46b: {  	[tilespmem:$0x4EE8] =	vst v0  }
0x46c: {  	[tilespmem:$0x4ED8] =	vst v0  }
0x46d: {  	[tilespmem:$0x4EC8] =	vst v0  }
0x46e: {  	[tilespmem:$0x4EB8] =	vst v0  }
0x46f: {  	[tilespmem:$0x4EA8] =	vst v0  }
0x470: {  	[tilespmem:$0x4E98] =	vst v0  }
0x471: {  	[tilespmem:$0x4E88] =	vst v0  }
0x472: {  	[tilespmem:$0x4E78] =	vst v0  }
0x473: {  	[tilespmem:$0x4E68] =	vst v0  }
0x474: {  	[tilespmem:$0x4E58] =	vst v0  }
0x475: {  	[tilespmem:$0x4E48] =	vst v0  }
0x476: {  	[tilespmem:$0x4E38] =	vst v0  }
0x477: {  	[tilespmem:$0x4E28] =	vst v0  }
0x478: {  	[tilespmem:$0x4E18] =	vst v0  }
0x479: {  	[tilespmem:$0x4E08] =	vst v0  }
0x47a: {  	[tilespmem:$0x4DF8] =	vst v0  }
0x47b: {  	[tilespmem:$0x4DE8] =	vst v0  }
0x47c: {  	[tilespmem:$0x4DD8] =	vst v0  }
0x47d: {  	[tilespmem:$0x4DC8] =	vst v0  }
0x47e: {  	[tilespmem:$0x4DB8] =	vst v0  }
0x47f: {  	[tilespmem:$0x4DA8] =	vst v0  }
0x480: {  	[tilespmem:$0x4D98] =	vst v0  }
0x481: {  	[tilespmem:$0x4D88] =	vst v0  }
0x482: {  	[tilespmem:$0x4D78] =	vst v0  }
0x483: {  	[tilespmem:$0x4D68] =	vst v0  }
0x484: {  	[tilespmem:$0x4D58] =	vst v0  }
0x485: {  	[tilespmem:$0x4D48] =	vst v0  }
0x486: {  	[tilespmem:$0x4D38] =	vst v0  }
0x487: {  	[tilespmem:$0x4D28] =	vst v0  }
0x488: {  	[tilespmem:$0x4D18] =	vst v0  }
0x489: {  	[tilespmem:$0x4D08] =	vst v0  }
0x48a: {  	[tilespmem:$0x4CF8] =	vst v0  }
0x48b: {  	[tilespmem:$0x4CE8] =	vst v0  }
0x48c: {  	[tilespmem:$0x4CD8] =	vst v0  }
0x48d: {  	[tilespmem:$0x4CC8] =	vst v0  }
0x48e: {  	[tilespmem:$0x4CB8] =	vst v0  }
0x48f: {  	[tilespmem:$0x4CA8] =	vst v0  }
0x490: {  	[tilespmem:$0x4C98] =	vst v0  }
0x491: {  	[tilespmem:$0x4C88] =	vst v0  }
0x492: {  	[tilespmem:$0x4C78] =	vst v0  }
0x493: {  	[tilespmem:$0x4C68] =	vst v0  }
0x494: {  	[tilespmem:$0x4C58] =	vst v0  }
0x495: {  	[tilespmem:$0x4C48] =	vst v0  }
0x496: {  	[tilespmem:$0x4C38] =	vst v0  }
0x497: {  	[tilespmem:$0x4C28] =	vst v0  }
0x498: {  	[tilespmem:$0x4C18] =	vst v0  }
0x499: {  	[tilespmem:$0x4C08] =	vst v0  }
0x49a: {  	[tilespmem:$0x4BF8] =	vst v0  }
0x49b: {  	[tilespmem:$0x4BE8] =	vst v0  }
0x49c: {  	[tilespmem:$0x4BD8] =	vst v0  }
0x49d: {  	[tilespmem:$0x4BC8] =	vst v0  }
0x49e: {  	[tilespmem:$0x4BB8] =	vst v0  }
0x49f: {  	[tilespmem:$0x4BA8] =	vst v0  }
0x4a0: {  	[tilespmem:$0x4B98] =	vst v0  }
0x4a1: {  	[tilespmem:$0x4B88] =	vst v0  }
0x4a2: {  	[tilespmem:$0x4B78] =	vst v0  }
0x4a3: {  	[tilespmem:$0x4B68] =	vst v0  }
0x4a4: {  	[tilespmem:$0x4B58] =	vst v0  }
0x4a5: {  	[tilespmem:$0x4B48] =	vst v0  }
0x4a6: {  	[tilespmem:$0x4B38] =	vst v0  }
0x4a7: {  	[tilespmem:$0x4B28] =	vst v0  }
0x4a8: {  	[tilespmem:$0x4B18] =	vst v0  }
0x4a9: {  	[tilespmem:$0x4B08] =	vst v0  }
0x4aa: {  	[tilespmem:$0x4AF8] =	vst v0  }
0x4ab: {  	[tilespmem:$0x4AE8] =	vst v0  }
0x4ac: {  	[tilespmem:$0x4AD8] =	vst v0  }
0x4ad: {  	[tilespmem:$0x4AC8] =	vst v0  }
0x4ae: {  	[tilespmem:$0x4AB8] =	vst v0  }
0x4af: {  	[tilespmem:$0x4AA8] =	vst v0  }
0x4b0: {  	[tilespmem:$0x4A98] =	vst v0  }
0x4b1: {  	[tilespmem:$0x4A88] =	vst v0  }
0x4b2: {  	[tilespmem:$0x4A78] =	vst v0  }
0x4b3: {  	[tilespmem:$0x4A68] =	vst v0  }
0x4b4: {  	[tilespmem:$0x4A58] =	vst v0  }
0x4b5: {  	[tilespmem:$0x4A48] =	vst v0  }
0x4b6: {  	[tilespmem:$0x4A38] =	vst v0  }
0x4b7: {  	[tilespmem:$0x4A28] =	vst v0  }
0x4b8: {  	[tilespmem:$0x4A18] =	vst v0  }
0x4b9: {  	[tilespmem:$0x4A08] =	vst v0  }
0x4ba: {  	[tilespmem:$0x49F8] =	vst v0  }
0x4bb: {  	[tilespmem:$0x49E8] =	vst v0  }
0x4bc: {  	[tilespmem:$0x49D8] =	vst v0  }
0x4bd: {  	[tilespmem:$0x49C8] =	vst v0  }
0x4be: {  	[tilespmem:$0x49B8] =	vst v0  }
0x4bf: {  	[tilespmem:$0x49A8] =	vst v0  }
0x4c0: {  	[tilespmem:$0x4998] =	vst v0  }
0x4c1: {  	[tilespmem:$0x4988] =	vst v0  }
0x4c2: {  	[tilespmem:$0x4978] =	vst v0  }
0x4c3: {  	[tilespmem:$0x4968] =	vst v0  }
0x4c4: {  	[tilespmem:$0x4958] =	vst v0  }
0x4c5: {  	[tilespmem:$0x4948] =	vst v0  }
0x4c6: {  	[tilespmem:$0x4938] =	vst v0  }
0x4c7: {  	[tilespmem:$0x4928] =	vst v0  }
0x4c8: {  	[tilespmem:$0x4918] =	vst v0  }
0x4c9: {  	[tilespmem:$0x4908] =	vst v0  }
0x4ca: {  	[tilespmem:$0x48F8] =	vst v0  }
0x4cb: {  	[tilespmem:$0x48E8] =	vst v0  }
0x4cc: {  	[tilespmem:$0x48D8] =	vst v0  }
0x4cd: {  	[tilespmem:$0x48C8] =	vst v0  }
0x4ce: {  	[tilespmem:$0x48B8] =	vst v0  }
0x4cf: {  	[tilespmem:$0x48A8] =	vst v0  }
0x4d0: {  	[tilespmem:$0x4898] =	vst v0  }
0x4d1: {  	[tilespmem:$0x4888] =	vst v0  }
0x4d2: {  	[tilespmem:$0x4878] =	vst v0  }
0x4d3: {  	[tilespmem:$0x4868] =	vst v0  }
0x4d4: {  	[tilespmem:$0x4858] =	vst v0  }
0x4d5: {  	[tilespmem:$0x4848] =	vst v0  }
0x4d6: {  	[tilespmem:$0x4838] =	vst v0  }
0x4d7: {  	[tilespmem:$0x4828] =	vst v0  }
0x4d8: {  	[tilespmem:$0x4818] =	vst v0  }
0x4d9: {  	[tilespmem:$0x4808] =	vst v0  }
0x4da: {  	[tilespmem:$0x47F8] =	vst v0  }
0x4db: {  	[tilespmem:$0x47E8] =	vst v0  }
0x4dc: {  	[tilespmem:$0x47D8] =	vst v0  }
0x4dd: {  	[tilespmem:$0x47C8] =	vst v0  }
0x4de: {  	[tilespmem:$0x47B8] =	vst v0  }
0x4df: {  	[tilespmem:$0x47A8] =	vst v0  }
0x4e0: {  	[tilespmem:$0x4798] =	vst v0  }
0x4e1: {  	[tilespmem:$0x4788] =	vst v0  }
0x4e2: {  	[tilespmem:$0x4778] =	vst v0  }
0x4e3: {  	[tilespmem:$0x4768] =	vst v0  }
0x4e4: {  	[tilespmem:$0x4758] =	vst v0  }
0x4e5: {  	[tilespmem:$0x4748] =	vst v0  }
0x4e6: {  	[tilespmem:$0x4738] =	vst v0  }
0x4e7: {  	[tilespmem:$0x4728] =	vst v0  }
0x4e8: {  	[tilespmem:$0x4718] =	vst v0  }
0x4e9: {  	[tilespmem:$0x4708] =	vst v0  }
0x4ea: {  	[tilespmem:$0x46F8] =	vst v0  }
0x4eb: {  	[tilespmem:$0x46E8] =	vst v0  }
0x4ec: {  	[tilespmem:$0x46D8] =	vst v0  }
0x4ed: {  	[tilespmem:$0x46C8] =	vst v0  }
0x4ee: {  	[tilespmem:$0x46B8] =	vst v0  }
0x4ef: {  	[tilespmem:$0x46A8] =	vst v0  }
0x4f0: {  	[tilespmem:$0x4698] =	vst v0  }
0x4f1: {  	[tilespmem:$0x4688] =	vst v0  }
0x4f2: {  	[tilespmem:$0x4678] =	vst v0  }
0x4f3: {  	[tilespmem:$0x4668] =	vst v0  }
0x4f4: {  	[tilespmem:$0x4658] =	vst v0  }
0x4f5: {  	[tilespmem:$0x4648] =	vst v0  }
0x4f6: {  	[tilespmem:$0x4638] =	vst v0  }
0x4f7: {  	[tilespmem:$0x4628] =	vst v0  }
0x4f8: {  	[tilespmem:$0x4618] =	vst v0  }
0x4f9: {  	[tilespmem:$0x4608] =	vst v0  }
0x4fa: {  	[tilespmem:$0x45F8] =	vst v0  }
0x4fb: {  	[tilespmem:$0x45E8] =	vst v0  }
0x4fc: {  	[tilespmem:$0x45D8] =	vst v0  }
0x4fd: {  	[tilespmem:$0x45C8] =	vst v0  }
0x4fe: {  	[tilespmem:$0x45B8] =	vst v0  }
0x4ff: {  	[tilespmem:$0x45A8] =	vst v0  }
0x500: {  	[tilespmem:$0x4598] =	vst v0  }
0x501: {  	[tilespmem:$0x4588] =	vst v0  }
0x502: {  	[tilespmem:$0x4578] =	vst v0  }
0x503: {  	[tilespmem:$0x4568] =	vst v0  }
0x504: {  	[tilespmem:$0x4558] =	vst v0  }
0x505: {  	[tilespmem:$0x4548] =	vst v0  }
0x506: {  	[tilespmem:$0x4538] =	vst v0  }
0x507: {  	[tilespmem:$0x4528] =	vst v0  }
0x508: {  	[tilespmem:$0x4518] =	vst v0  }
0x509: {  	[tilespmem:$0x4508] =	vst v0  }
0x50a: {  	[tilespmem:$0x44F8] =	vst v0  }
0x50b: {  	[tilespmem:$0x44E8] =	vst v0  }
0x50c: {  	[tilespmem:$0x44D8] =	vst v0  }
0x50d: {  	[tilespmem:$0x44C8] =	vst v0  }
0x50e: {  	[tilespmem:$0x44B8] =	vst v0  }
0x50f: {  	s10 =	stileid.u32;
	[tilespmem:$0x44A8] =	vst v0  }
0x510: {  	s26 =	smul.u32 $0x45, s10;
	[tilespmem:$0x4498] =	vst v0  }
0x511: {  	s1 =	smin.u32 s10, $0x8;
	[tilespmem:$0x4488] =	vst v0  }
0x512: {  	[tilespmem:$0x4458] =	vst v0;
	s0 =	sadd.s32 s1, s26  }
0x513: {  	p0 =	slt.u32 s10, $0x8;
	[tilespmem:$0x4468] =	vst v0;
	s1 =	simm.s32 $0x2760;
	s8 =	smul.u32 $0x90, s0  }
0x514: {  	[tilespmem:$0x4448] =	vst v0;
	s1 =	simm.s32 @!p0 $0x26D0  }
0x515: {  	s5 =	simm.s32 $0x2;
	[tilespmem:$0x43D8] =	vst v0;
	s0 =	sadd.s32 s1, s8  }
0x516: {  	s7 =	simm.s32 $0x9;
	s29 =	simm.s32 $0xA;
	[tilespmem:$0x4438] =	vst v0;
	s9 =	smin.u32 s0, $0x27100  }
0x517: {  	s30 =	simm.s32 $0xB;
	s24 =	simm.s32 $0x0;
	[tilespmem:$0x4428] =	vst v0;
	s0 =	ssub.s32 s9, s8  }
0x518: {  	p1 =	por $0x0, $0x0;
	s18 =	simm.s32 $0x80;
	[tilespmem:$0x4418] =	vst v0;
	p0 =	sgt.s32 s0, $0x0  }
0x519: {  	s19 =	simm.s32 $0x400;
	s20 =	simm.s32 $0xC;
	[tilespmem:$0x4408] =	vst v0;
	s0 =	simm.s32 @!p0 $0x0  }
0x51a: {  	s21 =	simm.s32 $0x0;
	s2 =	sand.u32 $0x1, s2;
	[tilespmem:$0x43F8] =	vst v0;
	s28 =	smulhi.u32 $0x38E38E39, s0  }
0x51b: {  	s23 =	simm.s32 $0x0;
	s31 =	smul.u32 $0x480, s10;
	[dreg:$0x4] =	wrdreg s2;
	[tilespmem:$0x43E8] =	vst v0  }
0x51c: {  	[tilespmem:$0x43B8] =	vst v0;
	s2 =	smul.u32 $0x4E20, s2;
	[sflag:s5] =	ssyncpa.u1 $0x0;
	v0 =	vimm.s32 $0xFFFFFFFF;
	s1 =	sshrl.u32 s28, $0x5  }
0x51d: {  	s5 =	sadd.s32 $0x17C00, s4;
	[tilespmem:$0xA448] =	vst v0;
	[sflag:s7] =	ssyncpa.u1 $0x0;
	s6 =	smul.u32 $0x90, s1  }
.Ltmp0:
0x51e: {  	s16 =	sshrl.u32 s31, $0x2;
	s2 =	sadd.s32 s2, s4;
	(pc) =	sbr.rel .LBB2_1-.Ltmp0, $4  }
0x51f: {  	[sflag:s29] =	ssyncpa.u1 $0x0;
	p0 =	sne.s32 s0, s6;
	s0 =	simm.s32 $0x1  }
0x520: {  	s4 =	sadd.s32 $0x9E5A00, s4;
	[sflag:s30] =	ssyncpa.u1 $0x0;
	s0 =	simm.s32 @!p0 $0x0  }
0x521: {  	s12 =	sadd.s32 $0x9DBC00, s2;
	s17 =	sadd.s32 $0x1800, s2;
	s13 =	sadd.s32 s0, s1  }
0x522: {  	v0 =	vlaneseq.u32;
	s22 =	smov.u32 s8;
	p0 =	por $0x1, $0x1;
	s15 =	sadd.s32 $0x1, s13  }
.LBB2_22:
0x523: {  	s1 =	sshrl.u32 s1, $0x2  }
.LBB2_24:
0x524: {  	_ =	swait.ge [sflag:s20], s1  }
0x525: {  	s31 =	ssub.s32 $0x0, s1;
	v1 =	vmov s26;
	vm0 =	veq.s32 v0, $0x0;
	[sflag:s20] =	ssyncset.done $0x0  }
0x526: {  	vm15 =	veq.s32 v0, $0x2;
	v1 =	vsel vm0, s0, v1;
	[sflag:s20] =	ssyncadd.s32 s31  }
0x527: {  	v1 =	vsel vm15, s24, v1;
	[sflag:s20] =	ssyncpa.u1 $0x1  }
0x528: {  	[tilespmem:$0xA448] =	vst v1  }
.LBB2_25:
0x529: {  	s0 =	sadd.s32 $0x90, s22  }
0x52a: {  	s1 =	smov.u32 s8;
	p2 =	slt.s32 s0, s9  }
0x52b: {  	s1 =	smov.u32 @p2 s0;
	p2 =	sne.s32 s23, s15  }
.Ltmp1:
0x52c: {  	_ = 	snop;
	(pc) =	sbr.rel @!p2 .LBB2_26-.Ltmp1, $4  }
0x52d: {  	_ = 	snop  }
0x52e: {  	s24 =	smov.u32 s21  }
0x52f: {  	s31 =	sadd.s32 $0x1, s23;
	s21 =	smov.u32 s22;
	p0 =	por !p0, !p0  }
0x530: {  	p1 =	por !p1, !p1;
	s23 =	smov.u32 s31;
	s22 =	smov.u32 s1  }
.LBB2_1:
0x531: {  	p2 =	sge.u32 s23, s13  }
0x532: {  	s0 =	smulhi.u32 @!p2 $0xAAAAAAAB, s23  }
0x533: {  	s1 =	smov.u32 s22;
	p3 =	sgt.s32 @!p2 s22, $0x27070  }
0x534: {  	s2 =	sshra.s32 @!p2 s22, $0x1F;
	p3 =	por !p3, p2;
	s0 =	sshrl.u32 @!p2 s0, $0x1  }
0x535: {  	s2 =	sand.u32 @!p2 s2, s22;
	s1 =	simm.s32 @p3 $0x27070;
	s0 =	smul.u32 @!p2 $0x3, s0  }
0x536: {  	s1 =	ssub.s32 @!p2 s1, s2  }
0x537: {  	s1 =	sadd.s32 @!p2 $0xFFFD8F90, s1;
	s0 =	ssub.s32 @!p2 s23, s0  }
0x538: {  	s2 =	sshll.u32 @!p2 s1, $0x2;
	p3 =	sgt.s32 @!p2 s1, $0x8F;
	s0 =	smul.u32 @!p2 $0x240, s0  }
0x539: {  	s6 =	sand.u32 @!p2 $0x7, s22;
	s1 =	ssub.s32 @!p2 $0x240, s2;
	p3 =	por !p3, p2  }
0x53a: {  	s2 =	sshrl.u32 @!p2 s22, $0x3;
	s1 =	sshrl.u32 @!p2 s1, $0x2;
	s0 =	sshrl.u32 @!p2 s0, $0x2  }
0x53b: {  	s2 =	sadd.s32 @!p2 s2, s12;
	s1 =	simm.s32 @!p3 $0x0;
	s0 =	sadd.s32 @!p2 $0xB688, s0  }
0x53c: {  	[tilespmem:s0], [sflag:$0xA] =	stream.linear.gather @!p2 [hbm4b:s2+s6], s1, $0x38;
	[tilespmem:$0x1D958] =	vst v63  }
0x53d: {  	s1 =	sadd.s32 $0xFFFFFFFF, s23  }
0x53e: {  	p2 =	sge.u32 s1, s13  }
0x53f: {  	p3 =	sgt.s32 @!p2 s21, $0x27070  }
0x540: {  	s0 =	smov.u32 s21;
	s2 =	sshra.s32 @!p2 s21, $0x1F;
	p3 =	por !p3, p2  }
0x541: {  	s2 =	sand.u32 @!p2 s2, s21;
	s0 =	simm.s32 @p3 $0x27070  }
0x542: {  	s0 =	ssub.s32 @!p2 s0, s2  }
0x543: {  	s0 =	sadd.s32 @!p2 $0xFFFD8F90, s0  }
0x544: {  	s2 =	sshll.u32 @!p2 s0, $0x2  }
0x545: {  	p3 =	sgt.s32 @!p2 s0, $0x8F;
	s0 =	ssub.s32 @!p2 $0x240, s2  }
0x546: {  	p3 =	por !p3, p2;
	s0 =	sshrl.u32 @!p2 s0, $0x2  }
0x547: {  	s6 =	simm.s32 @!p2 $0xA;
	s2 =	sand.u32 @!p2 $0x1, s1;
	s0 =	simm.s32 @!p3 $0x0  }
0x548: {  	s2 =	smul.u32 @!p2 $0x240, s2;
	_ =	swait.ge @!p2 [sflag:s6], s0  }
0x549: {  	s7 =	ssub.s32 @!p2 $0x0, s0;
	[sflag:s6] =	ssyncset.done @!p2 $0x0  }
0x54a: {  	s2 =	sshrl.u32 @!p2 s2, $0x2;
	[sflag:s6] =	ssyncadd.s32 @!p2 s7;
	s6 =	sshrl.u32 @!p2 s21, $0x3  }
0x54b: {  	s2 =	sadd.s32 @!p2 $0xB838, s2;
	s7 =	sand.u32 @!p2 $0x7, s21;
	s6 =	sadd.s32 @!p2 s6, s17  }
0x54c: {  	[tilespmem:s2], [sflag:$0xB] =	stream.linear.gather @!p2 [hbm4b:s6+s7], s0, $0x38;
	[tilespmem:$0x1D958] =	vst v63  }
0x54d: {  	s0 =	ssub.s32 @!p2 $0x27100, s21  }
0x54e: {  	p3 =	slt.s32 @!p2 s0, $0x1  }
0x54f: {  	p3 =	por p2, p3  }
.Ltmp2:
0x550: {  	_ = 	snop;
	(pc) =	sbr.rel @p3 .LBB2_7-.Ltmp2, $1  }
0x551: {  	_ =	sdelay $0x3  }
0x552: {  	s2 =	smulhi.u32 $0xAAAAAAAB, s1;
	_ =	sdelay $0x1  }
0x553: {  	s2 =	sshrl.u32 s2, $0x1  }
0x554: {  	s2 =	smul.u32 $0x3, s2;
	_ =	sdelay $0x1  }
0x555: {  	s29 =	ssub.s32 s1, s2  }
0x556: {  	s6 =	simm.s32 $0x1;
	s1 =	smul.u32 $0x240, s29  }
.Ltmp3:
0x557: {  	s6 =	simm.s32 @!p0 $0x0;
	(pc) =	sbr.rel .LBB2_4-.Ltmp3, $4  }
0x558: {  	s30 =	smul.u32 $0x24000, s6  }
0x559: {  	p3 =	slt.s32 @!p2 s0, $0x90;
	s1 =	sshrl.u32 s1, $0x2  }
0x55a: {  	p2 =	por !p3, p2;
	s2 =	sshrl.u32 s30, $0x2;
	s31 =	sadd.s32 $0xB688, s1  }
0x55b: {  	s0 =	simm.s32 @p2 $0x90;
	s1 =	sadd.s32 $0xB958, s2;
	s2 =	simm.s32 $0x0;
	v1 =	vmov s31  }
.LBB2_3:
0x55c: {  	p2 =	sge.s32 s2, s0  }
.Ltmp4:
0x55d: {  	_ = 	snop;
	(pc) =	sbr.rel @p2 .LBB2_7-.Ltmp4, $2  }
0x55e: {  	_ =	sdelay $0x2  }
0x55f: {  	s1 =	sadd.s32 $0x1000, s1  }
.LBB2_4:
0x560: {  	p2 =	sle.s32 s0, s2  }
.Ltmp5:
0x561: {  	_ = 	snop;
	(pc) =	sbr.rel @p2 .LBB2_3-.Ltmp5, $2  }
0x562: {  	_ =	sdelay $0x2  }
0x563: {  	s7 =	smov.u32 s2;
	s2 =	sadd.s32 $0x10, s2  }
0x564: {  	s6 =	ssub.s32 s0, s7  }
0x565: {  	p2 =	slt.s32 s6, $0x10  }
0x566: {  	s6 =	simm.s32 @!p2 $0x10  }
0x567: {  	v2 =	vmov s6  }
0x568: {  	vm0 =	vgt.s32 v2, v0;
	_ =	sdelay $0x5  }
0x569: {  	v2 =	vld.idx.msk [tilespmem:v1+s7+$0x0 ss:$0x1], vm0;
	_ =	sdelay $0x2  }
0x56a: {  	p2 =	slt.s32 s2, s0;
	s6 =	smov.u32 s0  }
0x56b: {  	s10 =	smov.u32 s1;
	s25 =	simm.s32 $0x0;
	s6 =	smov.u32 @p2 s2  }
.LBB2_6:
0x56c: {  	(v2sf) =	vpush v2, s25;
	_ =	sdelay $0xe  }
0x56d: {  	s25 =	sadd.s32 $0x1, s25;
	s11 =	spop (v2sf)  }
0x56e: {  	s31 =	sadd.s32 s25, s7;
	s26 =	sshll.u32 s11, $0x8;
	s11 =	sshll.u32 s11, $0x7  }
0x56f: {  	p2 =	slt.s32 s31, s6;
	s26 =	sand.u32 $0xFFFFF800, s26;
	s11 =	sand.u32 $0x380, s11  }
.Ltmp6:
0x570: {  	s11 =	sor.u32 s11, s26;
	(pc) =	sbr.rel @p2 .LBB2_6-.Ltmp6, $4  }
0x571: {  	s11 =	sshrl.u32 s11, $0x3  }
0x572: {  	s11 =	sadd.s32 s4, s11  }
0x573: {  	[tilespmem:s10], [sflag:$0x9] =	stream.strided.gather [hbm4b:s11+s18], $0x100, s19, s18, $0x38;
	[tilespmem:$0x1D958] =	vst v63  }
0x574: {  	s10 =	sadd.s32 $0x100, s10  }
.Ltmp7:
0x575: {  	_ = 	snop;
	(pc) =	sbr.rel .LBB2_3-.Ltmp7, $1  }
0x576: {  	_ =	sdelay $0x3  }
.LBB2_7:
0x577: {  	p2 =	slt.u32 s23, $0x2  }
.Ltmp8:
0x578: {  	_ = 	snop;
	(pc) =	sbr.rel @p2 .LBB2_25-.Ltmp8, $1  }
0x579: {  	_ =	sdelay $0x3  }
0x57a: {  	p2 =	sgt.s32 s24, $0x27070  }
0x57b: {  	s0 =	smov.u32 s24;
	s1 =	sshra.s32 s24, $0x1F;
	s2 =	ssub.s32 $0x27100, s24  }
0x57c: {  	s0 =	simm.s32 @!p2 $0x27070;
	s1 =	sand.u32 s1, s24;
	p2 =	slt.s32 s2, $0x90  }
0x57d: {  	s0 =	ssub.s32 s0, s1;
	s2 =	simm.s32 @!p2 $0x90  }
0x57e: {  	s0 =	sadd.s32 $0xFFFD8F90, s0;
	s14 =	sshll.u32 s2, $0x8  }
0x57f: {  	s29 =	simm.s32 $0x9;
	s25 =	sshll.u32 s0, $0x2;
	s1 =	sand.u32 $0x3FFFFF00, s14  }
0x580: {  	p2 =	sgt.s32 s0, $0x8F;
	s26 =	ssub.s32 $0x240, s25;
	_ =	swait.ge [sflag:s29], s1  }
0x581: {  	s1 =	ssub.s32 $0x0, s1;
	[sflag:s29] =	ssyncset.done $0x0;
	s0 =	sshrl.u32 s26, $0x2  }
0x582: {  	s30 =	simm.s32 $0xB;
	[sflag:s29] =	ssyncadd.s32 s1;
	s0 =	simm.s32 @p2 $0x0  }
0x583: {  	_ =	swait.ge [sflag:s30], s0  }
0x584: {  	s0 =	ssub.s32 $0x0, s0;
	[sflag:s30] =	ssyncset.done $0x0  }
0x585: {  	[sflag:s30] =	ssyncadd.s32 s0  }
0x586: {  	v1 =	vld [tilespmem:$0xA448];
	_ =	sdelay $0x4  }
0x587: {  	(v2sf) =	vpush v1, $0x0  }
0x588: {  	(v2sf) =	vpush v1, $0x1  }
0x589: {  	(v2sf) =	vpush v1, $0x2;
	_ =	sdelay $0x3  }
0x58a: {  	s0 =	sadd.s32 $0x90, s24  }
0x58b: {  	s6 =	ssub.s32 $0x4E200, s24;
	p2 =	slt.s32 s9, s0  }
0x58c: {  	s0 =	smov.u32 @p2 s9;
	p2 =	sgt.s32 s6, $0x0  }
0x58d: {  	s0 =	ssub.s32 s0, s24;
	s6 =	simm.s32 @!p2 $0x0  }
0x58e: {  	p2 =	slt.s32 s6, s0  }
0x58f: {  	s0 =	smov.u32 @p2 s6  }
0x590: {  	s1 =	simm.s32 $0x1;
	p2 =	slt.s32 s0, $0x1  }
.Ltmp9:
0x591: {  	s1 =	simm.s32 @!p1 $0x0;
	(pc) =	sbr.rel @p2 .LBB2_12-.Ltmp9, $4  }
0x592: {  	s7 =	smul.u32 $0x240, s1  }
0x593: {  	s2 =	spop (v2sf)  }
0x594: {  	s31 =	sshrl.u32 s7, $0x2;
	s28 =	spop (v2sf)  }
0x595: {  	s25 =	sadd.s32 $0xB838, s31;
	s24 =	spop (v2sf)  }
0x596: {  	s6 =	smin.u32 s0, $0x10  }
0x597: {  	v1 =	vmov s6  }
0x598: {  	vm1 =	vgt.u32 v1, v0  }
0x599: {  	p3 =	sgt.s32 s0, $0x10  }
.Ltmp10:
0x59a: {  	_ = 	snop;
	(pc) =	sbr.rel @!p3 .LBB2_11-.Ltmp10, $2  }
0x59b: {  	_ =	sdelay $0x2  }
0x59c: {  	s26 =	simm.s32 $0x10;
	s29 =	sadd.s32 $0xFFFFFFF0, s0;
	s7 =	smov.u32 s25;
	vm0 =	vmmov vm1;
	v1 =	vld.msk [tilespmem:s25+$0x0 ss:$0x1], vm1  }
.LBB2_10:
0x59d: {  	s6 =	smin.u32 s29, $0x10;
	s26 =	sadd.s32 $0x10, s26  }
0x59e: {  	v2 =	vmov s6;
	p3 =	slt.s32 s26, s0  }
0x59f: {  	vm1 =	vgt.u32 v2, v0;
	_ =	sdelay $0x1  }
0x5a0: {  	v2 =	vshll.u32 v1, $0x5;
	v1 =	vshll.u32 v1, $0x4  }
.Ltmp11:
0x5a1: {  	v2 =	vand.u32 $0xFFFFFF00, v2;
	v1 =	vand.u32 $0x70, v1;
	(pc) =	sbr.rel @p3 .LBB2_10-.Ltmp11, $4  }
0x5a2: {  	v1 =	vor.u32 v1, v2  }
0x5a3: {  	[tilespmem:s7+$0x0] =	vst.msk vm0, v1;
	s7 =	sadd.s32 $0x10, s7;
	vm0 =	vmmov vm1  }
0x5a4: {  	v1 =	vld.msk [tilespmem:s7+$0x0 ss:$0x1], vm1  }
0x5a5: {  	s29 =	sadd.s32 $0xFFFFFFF0, s29  }
.LBB2_11:
0x5a6: {  	_ =	sdelay $0x3  }
0x5a7: {  	v2 =	vshll.u32 v1, $0x5;
	v1 =	vshll.u32 v1, $0x4  }
0x5a8: {  	v2 =	vand.u32 $0xFFFFFF00, v2;
	v1 =	vand.u32 $0x70, v1  }
0x5a9: {  	v1 =	vor.u32 v1, v2  }
0x5aa: {  	[tilespmem:s7+$0x0] =	vst.msk vm0, v1  }
.LBB2_12:
0x5ab: {  	s6 =	sand.u32 $0x1, s23  }
0x5ac: {  	s6 =	smul.u32 $0x90, s6  }
0x5ad: {  	p3 =	sne.s32 s28, $0xFFFFFFFF  }
0x5ae: {  	v1 =	vld.msk @!p3 [tilespmem:s6+$0xB838], $0x1;
	_ =	sdelay $0x4  }
0x5af: {  	(v2sf) =	vpush @!p3 v1, $0x0;
	_ =	sdelay $0xc  }
.Ltmp12:
0x5b0: {  	_ = 	snop;
	(pc) =	sbr.rel @p2 .LBB2_23-.Ltmp12, $4  }
0x5b1: {  	_ = 	snop  }
0x5b2: {  	s31 =	spop @!p3 (v2sf)  }
0x5b3: {  	s24 =	simm.s32 @!p3 $0x0;
	s26 =	smov.u32 s31  }
0x5b4: {  	[sflag:s20] =	ssyncpa.u1 $0x0;
	s31 =	smov.u32 @p3 s2;
	s26 =	smov.u32 @p3 s28  }
0x5b5: {  	v1 =	vld.msk [tilespmem:s25+$0x0], $0x1;
	_ =	sdelay $0x4  }
0x5b6: {  	(v2sf) =	vpush v1, $0x0;
	_ =	sdelay $0xd  }
0x5b7: {  	s3 =	smov.u32 s8;
	s8 =	smov.u32 s15  }
0x5b8: {  	s15 =	smov.u32 s12;
	s1 =	smul.u32 $0x24000, s1;
	s2 =	spop (v2sf)  }
0x5b9: {  	s28 =	simm.s32 $0x0;
	s7 =	smov.u32 s31;
	p2 =	seq.s32 s31, s2  }
0x5ba: {  	s30 =	ssub.s32 $0x0, s0;
	p3 =	sgt.s32 @!p2 s31, $0x0;
	s6 =	smul.u32 @!p2 $0x240, s28  }
0x5bb: {  	s0 =	sadd.s32 $0x1, s30;
	s1 =	sshrl.u32 s1, $0x2;
	p3 =	por !p3, p2  }
0x5bc: {  	s29 =	sadd.s32 $0xB998, s1;
	s7 =	simm.s32 @p3 $0x0;
	s1 =	sshra.s32 @!p2 s6, $0x2  }
0x5bd: {  	p3 =	seq.s32 s0, $0x0;
	s6 =	smin.u32 @!p2 s7, $0x4E17F;
	s7 =	simm.s32 @!p2 $0x1  }
.Ltmp13:
0x5be: {  	s10 =	sadd.s32 @!p2 $0x52B8, s1;
	s11 =	sand.u32 @!p2 $0x7FFF8, s6;
	(pc) =	sbr.rel @p3 .LBB2_15-.Ltmp13, $4  }
0x5bf: {  	s12 =	sadd.s32 @!p2 $0x80, s6;
	s6 =	sand.u32 @!p2 $0x7, s6;
	s11 =	sadd.s32 @!p2 s5, s11  }
0x5c0: {  	[tilespmem:s10], [sflag:$0x2] =	stream.linear.gather @!p2 [hbm4b:s11+s6], $0x80, $0x38;
	[tilespmem:$0x1D958] =	vst v63  }
0x5c1: {  	s7 =	smov.u32 @p2 s28;
	s11 =	sand.u32 @!p2 $0xFFFF8, s12  }
0x5c2: {  	s10 =	sadd.s32 @!p2 $0x5338, s1;
	s1 =	sadd.s32 $0x1, s25;
	s11 =	sadd.s32 @!p2 s5, s11  }
.LBB2_14:
0x5c3: {  	s12 =	smov.u32 s7  }
0x5c4: {  	[tilespmem:s10], [sflag:$0x2] =	stream.linear.gather @!p2 [hbm4b:s11+s6], $0x5, $0x38;
	[tilespmem:$0x1D958] =	vst v63  }
0x5c5: {  	s0 =	sadd.s32 $0x1, s0;
	s6 =	smov.u32 s2;
	v1 =	vld.msk [tilespmem:s1+$0x0], $0x1  }
0x5c6: {  	p3 =	seq.s32 s0, $0x0;
	_ =	sdelay $0x3  }
0x5c7: {  	(v2sf) =	vpush v1, $0x0;
	_ =	sdelay $0xe  }
0x5c8: {  	s2 =	spop (v2sf)  }
0x5c9: {  	p2 =	seq.s32 s6, s2  }
0x5ca: {  	p4 =	sgt.s32 @!p2 s6, $0x0;
	s10 =	smul.u32 @!p2 $0x240, s7;
	s7 =	sadd.s32 @!p2 $0x1, s7  }
0x5cb: {  	p4 =	por !p4, p2;
	s7 =	smov.u32 @p2 s12  }
0x5cc: {  	s6 =	simm.s32 @p4 $0x0;
	s10 =	sshra.s32 @!p2 s10, $0x2  }
.Ltmp14:
0x5cd: {  	s6 =	smin.u32 @!p2 s6, $0x4E17F;
	s11 =	sadd.s32 @!p2 $0x52B8, s10;
	(pc) =	sbr.rel @!p3 .LBB2_14-.Ltmp14, $4  }
0x5ce: {  	s10 =	sadd.s32 @!p2 $0x5338, s10;
	s12 =	sand.u32 @!p2 $0x7FFF8, s6;
	s14 =	sadd.s32 @!p2 $0x80, s6  }
0x5cf: {  	s6 =	sand.u32 @!p2 $0x7, s6;
	s12 =	sadd.s32 @!p2 s5, s12;
	s14 =	sand.u32 @!p2 $0xFFFF8, s14  }
0x5d0: {  	[tilespmem:s11], [sflag:$0x2] =	stream.linear.gather @!p2 [hbm4b:s12+s6], $0x80, $0x38;
	[tilespmem:$0x1D958] =	vst v63  }
0x5d1: {  	s1 =	sadd.s32 $0x1, s1;
	s11 =	sadd.s32 @!p2 s5, s14  }
.LBB2_15:
0x5d2: {  	s0 =	smul.u32 $0x214, s7  }
0x5d3: {  	[tilespmem:s10], [sflag:$0x2] =	stream.linear.gather @!p2 [hbm4b:s11+s6], $0x5, $0x38;
	[tilespmem:$0x1D958] =	vst v63  }
.Ltmp15:
0x5d4: {  	_ = 	snop;
	(pc) =	sbr.rel .LBB2_16-.Ltmp15, $4  }
0x5d5: {  	s1 =	simm.s32 $0x2;
	s0 =	sshrl.u32 s0, $0x2  }
0x5d6: {  	s12 =	smov.u32 s15;
	s15 =	smov.u32 s8;
	_ =	swait.ge [sflag:s1], s0  }
0x5d7: {  	s8 =	smov.u32 s3;
	s0 =	ssub.s32 $0x0, s0;
	[sflag:s1] =	ssyncset.done $0x0  }
0x5d8: {  	s3 =	simm.s32 $0x1;
	[sflag:s1] =	ssyncadd.s32 s0;
	s1 =	simm.s32 $0x0  }
.LBB2_17:
0x5d9: {  	v1 =	vld [tilespmem:s29+$0xFFFFFFC0];
	_ =	sdelay $0x4  }
0x5da: {  	[tilespmem:s2+$0x128] =	vst.add.f32.msk $0xffff, v1  }
0x5db: {  	v1 =	vld [tilespmem:s29+$0xFFFFFFD0];
	_ =	sdelay $0x4  }
0x5dc: {  	[tilespmem:s2+$0x138] =	vst.add.f32.msk $0xffff, v1  }
0x5dd: {  	v1 =	vld [tilespmem:s29+$0xFFFFFFE0];
	_ =	sdelay $0x4  }
0x5de: {  	[tilespmem:s2+$0x148] =	vst.add.f32.msk $0xffff, v1  }
0x5df: {  	v1 =	vld [tilespmem:s29+$0xFFFFFFF0];
	_ =	sdelay $0x4  }
0x5e0: {  	[tilespmem:s2+$0x158] =	vst.add.f32.msk $0xffff, v1  }
0x5e1: {  	v1 =	vld [tilespmem:s29+$0x0];
	_ =	sdelay $0x4  }
0x5e2: {  	[tilespmem:s2+$0x168] =	vst.add.f32.msk $0xffff, v1  }
0x5e3: {  	v1 =	vld [tilespmem:s29+$0x10];
	_ =	sdelay $0x4  }
0x5e4: {  	[tilespmem:s2+$0x178] =	vst.add.f32.msk $0xffff, v1  }
0x5e5: {  	v1 =	vld [tilespmem:s29+$0x20];
	_ =	sdelay $0x4  }
0x5e6: {  	[tilespmem:s2+$0x188] =	vst.add.f32.msk $0xffff, v1  }
0x5e7: {  	v1 =	vld [tilespmem:s29+$0x30];
	_ =	sdelay $0x4  }
0x5e8: {  	[tilespmem:s2+$0x198] =	vst.add.f32.msk $0xffff, v1  }
0x5e9: {  	v1 =	vld.msk [tilespmem:s29+$0x40], $0x1f;
	_ =	sdelay $0x4  }
0x5ea: {  	[tilespmem:s2+$0x1A8] =	vst.add.f32.msk $0x1f, v1  }
.LBB2_21:
0x5eb: {  	s30 =	sadd.s32 $0x1, s30  }
0x5ec: {  	p2 =	seq.s32 s30, $0x0  }
.Ltmp16:
0x5ed: {  	_ = 	snop;
	(pc) =	sbr.rel @p2 .LBB2_22-.Ltmp16, $2  }
0x5ee: {  	_ =	sdelay $0x2  }
0x5ef: {  	s25 =	sadd.s32 $0x1, s25;
	s29 =	sadd.s32 $0x100, s29;
	s31 =	smov.u32 s0  }
.LBB2_16:
0x5f0: {  	v1 =	vld.msk [tilespmem:s25+$0x0], $0x1;
	_ =	sdelay $0x4  }
0x5f1: {  	(v2sf) =	vpush v1, $0x0;
	_ =	sdelay $0xe  }
0x5f2: {  	s0 =	spop (v2sf)  }
0x5f3: {  	p2 =	sne.s32 s31, s0  }
.Ltmp17:
0x5f4: {  	_ = 	snop;
	(pc) =	sbr.rel @!p2 .LBB2_17-.Ltmp17, $3  }
0x5f5: {  	_ = 	snop  }
0x5f6: {  	s2 =	smul.u32 $0x240, s24;
	_ =	sdelay $0x1  }
0x5f7: {  	s2 =	sshra.s32 s2, $0x2  }
0x5f8: {  	p2 =	seq.s32 s31, s26  }
.Ltmp18:
0x5f9: {  	_ = 	snop;
	(pc) =	sbr.rel @!p2 .LBB2_19-.Ltmp18, $1  }
0x5fa: {  	_ =	sdelay $0x3  }
.Ltmp19:
0x5fb: {  	s2 =	sadd.s32 $0x128, s2;
	(pc) =	sbr.rel .LBB2_20-.Ltmp19, $4  }
0x5fc: {  	[spmem:s16] =	stream.linear.scatter [tilespmem:s2], [sflag:$0x1], $0x85, $0x38;
	[tilespmem:$0x1D958] =	vst v63  }
0x5fd: {  	_ =	swait.ge [sflag:s3], $0x85  }
0x5fe: {  	[sflag:s3] =	ssyncset.done $0x0  }
0x5ff: {  	[sflag:s3] =	ssyncadd.s32 $0xFFFFFF7B  }
.LBB2_19:
0x600: {  	s6 =	smul.u32 $0x240, s28;
	_ =	sdelay $0x1  }
0x601: {  	s6 =	sshra.s32 s6, $0x2  }
0x602: {  	v1 =	vld [tilespmem:s6+$0x52B8];
	_ =	sdelay $0x4  }
0x603: {  	[tilespmem:s2+$0x128] =	vst.add.f32.msk $0xffff, v1  }
0x604: {  	v1 =	vld [tilespmem:s6+$0x52C8];
	_ =	sdelay $0x4  }
0x605: {  	[tilespmem:s2+$0x138] =	vst.add.f32.msk $0xffff, v1  }
0x606: {  	v1 =	vld [tilespmem:s6+$0x52D8];
	_ =	sdelay $0x4  }
0x607: {  	[tilespmem:s2+$0x148] =	vst.add.f32.msk $0xffff, v1  }
0x608: {  	v1 =	vld [tilespmem:s6+$0x52E8];
	_ =	sdelay $0x4  }
0x609: {  	[tilespmem:s2+$0x158] =	vst.add.f32.msk $0xffff, v1  }
0x60a: {  	v1 =	vld [tilespmem:s6+$0x52F8];
	_ =	sdelay $0x4  }
0x60b: {  	[tilespmem:s2+$0x168] =	vst.add.f32.msk $0xffff, v1  }
0x60c: {  	v1 =	vld [tilespmem:s6+$0x5308];
	_ =	sdelay $0x4  }
0x60d: {  	[tilespmem:s2+$0x178] =	vst.add.f32.msk $0xffff, v1  }
0x60e: {  	v1 =	vld [tilespmem:s6+$0x5318];
	_ =	sdelay $0x4  }
0x60f: {  	[tilespmem:s2+$0x188] =	vst.add.f32.msk $0xffff, v1  }
0x610: {  	v1 =	vld [tilespmem:s6+$0x5328];
	_ =	sdelay $0x4  }
0x611: {  	[tilespmem:s2+$0x198] =	vst.add.f32.msk $0xffff, v1  }
0x612: {  	v1 =	vld.msk [tilespmem:s6+$0x5338], $0x1f;
	_ =	sdelay $0x2  }
0x613: {  	p2 =	sgt.u32 s31, $0x4E17F  }
0x614: {  	s6 =	sand.u32 @!p2 $0x7FFF8, s31  }
0x615: {  	s7 =	sadd.s32 $0x128, s2;
	s10 =	sand.u32 @!p2 $0x7, s31;
	s6 =	sadd.s32 @!p2 s5, s6;
	[tilespmem:s2+$0x1A8] =	vst.add.f32.msk $0x1f, v1  }
0x616: {  	[hbm4b:s6+s10] =	stream.linear.scatter @!p2 [tilespmem:s7], [sflag:$0xC], $0x80, $0x38;
	[tilespmem:$0x1D958] =	vst v63  }
0x617: {  	s6 =	sadd.s32 @!p2 $0x80, s31  }
0x618: {  	s6 =	sand.u32 @!p2 $0xFFFF8, s6  }
0x619: {  	s2 =	sadd.s32 $0x1A8, s2;
	s6 =	sadd.s32 @!p2 s5, s6  }
0x61a: {  	[hbm4b:s6+s10] =	stream.linear.scatter @!p2 [tilespmem:s2], [sflag:$0xC], $0x5, $0x38;
	[tilespmem:$0x1D958] =	vst v63  }
0x61b: {  	s2 =	simm.s32 $0x0  }
0x61c: {  	s2 =	simm.s32 @!p2 $0x214  }
0x61d: {  	s1 =	sadd.s32 s2, s1  }
.LBB2_20:
0x61e: {  	s2 =	sadd.s32 $0x1, s24  }
0x61f: {  	s6 =	smulhi.u32 $0x38E38E39, s2;
	_ =	sdelay $0x1  }
0x620: {  	s6 =	sshrl.u32 s6, $0x5  }
0x621: {  	s6 =	smul.u32 $0x90, s6  }
0x622: {  	v1 =	vld [tilespmem:s29+$0xFFFFFFC0]  }
0x623: {  	s24 =	ssub.s32 s2, s6  }
0x624: {  	s2 =	smul.u32 $0x240, s24;
	_ =	sdelay $0x1  }
0x625: {  	s2 =	sshrl.u32 s2, $0x2  }
0x626: {  	[tilespmem:s2+$0x128] =	vst v1  }
0x627: {  	v1 =	vld [tilespmem:s29+$0xFFFFFFD0];
	_ =	sdelay $0x4  }
0x628: {  	[tilespmem:s2+$0x138] =	vst v1  }
0x629: {  	v1 =	vld [tilespmem:s29+$0xFFFFFFE0];
	_ =	sdelay $0x4  }
0x62a: {  	[tilespmem:s2+$0x148] =	vst v1  }
0x62b: {  	v1 =	vld [tilespmem:s29+$0xFFFFFFF0];
	_ =	sdelay $0x4  }
0x62c: {  	[tilespmem:s2+$0x158] =	vst v1  }
0x62d: {  	v1 =	vld [tilespmem:s29+$0x0];
	_ =	sdelay $0x4  }
0x62e: {  	[tilespmem:s2+$0x168] =	vst v1  }
0x62f: {  	v1 =	vld [tilespmem:s29+$0x10];
	_ =	sdelay $0x4  }
0x630: {  	[tilespmem:s2+$0x178] =	vst v1  }
0x631: {  	v1 =	vld [tilespmem:s29+$0x20];
	_ =	sdelay $0x4  }
0x632: {  	[tilespmem:s2+$0x188] =	vst v1  }
0x633: {  	v1 =	vld [tilespmem:s29+$0x30];
	_ =	sdelay $0x4  }
0x634: {  	[tilespmem:s2+$0x198] =	vst v1  }
0x635: {  	v1 =	vld.msk [tilespmem:s29+$0x40], $0x1f  }
.Ltmp20:
0x636: {  	_ = 	snop;
	(pc) =	sbr.rel .LBB2_21-.Ltmp20, $2  }
0x637: {  	_ =	sdelay $0x2  }
0x638: {  	s28 =	sadd.s32 $0x1, s28;
	[tilespmem:s2+$0x1A8] =	vst.msk $0x1f, v1  }
.LBB2_23:
.Ltmp21:
0x639: {  	(pc) =	sbr.rel .LBB2_24-.Ltmp21, $4  }
0x63a: {  	_ = 	snop  }
0x63b: {  	s0 =	simm.s32 $0x2  }
0x63c: {  	_ =	swait.ge [sflag:s0], $0x0  }
0x63d: {  	s1 =	simm.s32 $0x0;
	[sflag:s0] =	ssyncset.done $0x0;
	s0 =	smov.u32 s31  }
.LBB2_26:
0x63e: {  	_ =	sfence.sel $0x180000  }
0x63f: {  	s0 =	simm.s32 $0x9;
	[bflag:$0x0] =	sbarrier.arrive $0xFFFF  }
0x640: {  	s24 =	simm.s32 $0xA;
	[sflag:s0] =	ssyncpa.u1 $0x1  }
0x641: {  	s25 =	simm.s32 $0xB;
	[sflag:s24] =	ssyncpa.u1 $0x1  }
0x642: {  	s26 =	simm.s32 $0x2;
	[sflag:s25] =	ssyncpa.u1 $0x1  }
0x643: {  	[sflag:s26] =	ssyncpa.u1 $0x1  }
0x644: {  	v0 =	vld [tilespmem:$0xA448];
	_ =	sdelay $0x4  }
0x645: {  	(v2sf) =	vpush v0, $0x0  }
0x646: {  	(v2sf) =	vpush v0, $0x1  }
0x647: {  	(v2sf) =	vpush v0, $0x2;
	_ =	sdelay $0xc  }
0x648: {  	s0 =	spop (v2sf)  }
0x649: {  	s1 =	spop (v2sf)  }
0x64a: {  	s2 =	smov.u32 s0;
	p0 =	sne.s32 s0, s1;
	s3 =	spop (v2sf)  }
0x64b: {  	s2 =	simm.s32 @!p0 $0xFFFFFFFF;
	p0 =	seq.s32 s3, $0xFFFFFFFF  }
0x64c: {  	v2 =	vimm.s32 $0x1;
	v3 =	vlaneseq.u32;
	v1 =	vmov s2;
	p1 =	sne.s32 @!p0 s0, s1  }
0x64d: {  	s14 =	stileid.u32;
	v0 =	vperm.xlane v0, v2;
	s0 =	simm.s32 @!p0 $0x1;
	v1 =	vperm.xlane v1, v3;
	p1 =	por !p1, p0  }
0x64e: {  	vm0 =	vcmask $0x3F04;
	s2 =	sshll.u32 s14, $0x1;
	s1 =	smul.u32 @!p0 $0x240, s3;
	s0 =	simm.s32 @p1 $0x0  }
0x64f: {  	s6 =	simm.s32 $0xA448;
	v0 =	vsel vm0, v1, v0;
	s0 =	sor.u32 @!p0 s0, s2  }
0x650: {  	s4 =	sor.u32 $0x1200, s2;
	s1 =	sshra.s32 @!p0 s1, $0x2;
	[tilespmem:$0xA448] =	vst v0;
	s0 =	smul.u32 @!p0 $0x240, s0  }
0x651: {  	[spmem:s4] =	stream.linear.scatter [tilespmem:s6], [sflag:$0x1], $0x2, $0x38;
	[tilespmem:$0x1D958] =	vst v63  }
0x652: {  	s1 =	sadd.s32 @!p0 $0x128, s1;
	s0 =	sshrl.u32 @!p0 s0, $0x2  }
0x653: {  	[spmem:s0] =	stream.linear.scatter @!p0 [tilespmem:s1], [sflag:$0x1], $0x90, $0x38;
	[tilespmem:$0x1D958] =	vst v63  }
0x654: {  	s0 =	simm.s32 @!p0 $0x92  }
0x655: {  	s28 =	simm.s32 $0x1;
	s0 =	simm.s32 @p0 $0x2  }
0x656: {  	_ =	swait.ge [sflag:s28], s0  }
0x657: {  	s0 =	ssub.s32 $0x0, s0;
	[sflag:s28] =	ssyncset.done $0x0  }
0x658: {  	p0 =	sne.s32 s14, $0x0;
	[sflag:s28] =	ssyncadd.s32 s0  }
.Ltmp22:
0x659: {  	_ =	sfence.stream.spmem;
	(pc) =	sbr.rel @p0 .LBB2_43-.Ltmp22, $4  }
0x65a: {  	s29 =	simm.s32 $0x3;
	[bflag:$0x0] =	sbarrier.arrive $0xFFFF  }
0x65b: {  	s30 =	simm.s32 $0x4;
	[sflag:s29] =	ssyncpa.u1 $0x1  }
0x65c: {  	s31 =	simm.s32 $0x3C;
	[sflag:s30] =	ssyncpa.u1 $0x1  }
0x65d: {  	s15 =	rddreg [dreg:$0x4];
	[sflag:s31] =	ssyncpa.u1 $0x1  }
0x65e: {  	_ =	sfence.stream.spmem;
	s0 =	simm.s32 $0x5  }
0x65f: {  	s1 =	simm.s32 $0x1200;
	s2 =	simm.s32 $0xA458;
	[sflag:s0] =	ssyncpa.u1 $0x0  }
0x660: {  	[tilespmem:s2], [sflag:$0x5] =	stream.linear.gather [spmem:s1], $0x20, $0x38;
	[tilespmem:$0x1D958] =	vst v63  }
0x661: {  	s26 =	simm.s32 $0x0;
	s28 =	simm.s32 $0xA478  }
0x662: {  	[tilespmem:s28], [sflag:$0x5] =	stream.linear.gather [spmem:s26], $0x1200, $0x38;
	[tilespmem:$0x1D958] =	vst v63  }
0x663: {  	_ =	swait.ge [sflag:s0], $0x1220  }
0x664: {  	[sflag:s0] =	ssyncset.done $0x0  }
0x665: {  	s29 =	simm.s32 $0x0;
	[sflag:s0] =	ssyncadd.s32 $0xFFFFEDE0  }
0x666: {  	v0 =	vld.msk [tilespmem:s29+$0xA458], $0x1;
	_ =	sdelay $0x1  }
0x667: {  	s30 =	simm.s32 $0x1  }
0x668: {  	v1 =	vld.msk [tilespmem:s30+$0xA458], $0x1;
	_ =	sdelay $0x1  }
0x669: {  	(v2sf) =	vpush v0, $0x0;
	_ =	sdelay $0x2  }
0x66a: {  	(v2sf) =	vpush v1, $0x0;
	_ =	sdelay $0x2  }
0x66b: {  	s31 =	simm.s32 $0x2  }
0x66c: {  	v0 =	vld.msk [tilespmem:s31+$0xA458], $0x1;
	_ =	sdelay $0x2  }
0x66d: {  	s1 =	simm.s32 $0xFFFFFFFF;
	s2 =	simm.s32 $0xFFFFFFFF;
	s0 =	simm.s32 $0xC  }
.LBB2_28:
0x66e: {  	s3 =	smov.u32 s2;
	s4 =	smov.u32 s1  }
0x66f: {  	s1 =	sshra.s32 s0, $0x2;
	p1 =	sne.s32 s0, $0x7C;
	s0 =	sadd.s32 $0x4, s0;
	(v2sf) =	vpush v0, $0x0  }
0x670: {  	v0 =	vld.msk [tilespmem:s1+$0xA458], $0x1  }
.Ltmp23:
0x671: {  	(pc) =	sbr.rel @p1 .LBB2_28-.Ltmp23, $4  }
0x672: {  	s2 =	spop (v2sf)  }
0x673: {  	p2 =	sne.s32 s4, $0xFFFFFFFF;
	s1 =	smov.u32 s2  }
0x674: {  	p3 =	seq.s32 s2, $0xFFFFFFFF;
	s1 =	smov.u32 @p2 s4  }
0x675: {  	s2 =	smov.u32 @p3 s3;
	s1 =	smov.u32 @p3 s4  }
0x676: {  	(v2sf) =	vpush v0, $0x0;
	_ =	sdelay $0x8  }
0x677: {  	s0 =	spop (v2sf)  }
0x678: {  	p1 =	sne.s32 s1, $0xFFFFFFFF;
	s9 =	simm.s32 $0x6;
	s3 =	smov.u32 s0  }
0x679: {  	s10 =	simm.s32 $0xA3B8;
	p2 =	seq.s32 s0, $0xFFFFFFFF;
	s3 =	smov.u32 @p1 s1  }
0x67a: {  	s11 =	simm.s32 $0xA438;
	s3 =	smov.u32 @p2 s1;
	s1 =	spop (v2sf)  }
0x67b: {  	s0 =	smov.u32 @p2 s2;
	p1 =	sne.s32 s3, $0xFFFFFFFF;
	s6 =	smov.u32 s1  }
.Ltmp24:
0x67c: {  	p2 =	seq.s32 s1, $0xFFFFFFFF;
	s6 =	smov.u32 @p1 s3;
	(pc) =	sbr.rel .LBB2_30-.Ltmp24, $4  }
0x67d: {  	s12 =	simm.s32 $0x0;
	s6 =	smov.u32 @p2 s3;
	s4 =	spop (v2sf)  }
0x67e: {  	[sflag:s9] =	ssyncpa.u1 $0x0;
	p1 =	sne.s32 s6, $0xFFFFFFFF;
	s8 =	smov.u32 s4  }
0x67f: {  	s1 =	smov.u32 @p2 s0;
	p2 =	seq.s32 s4, $0xFFFFFFFF;
	s8 =	smov.u32 @p1 s6  }
0x680: {  	s3 =	simm.s32 $0x0;
	s4 =	smov.u32 @p2 s1;
	s8 =	smov.u32 @p2 s6  }
.LBB2_36:
0x681: {  	p1 =	sgt.u32 s0, $0x4E17F  }
0x682: {  	p2 =	seq.s32 @!p1 s0, s8  }
0x683: {  	p1 =	por p1, p2  }
0x684: {  	p2 =	sne.s32 @!p1 s0, s4  }
0x685: {  	p1 =	por p1, !p2  }
0x686: {  	s0 =	smul.u32 @p1 $0x240, s12;
	_ =	sdelay $0x1  }
0x687: {  	s1 =	sand.u32 @!p1 $0x7FFF8, s0;
	s2 =	sand.u32 @!p1 $0x7, s0;
	s0 =	sadd.s32 @!p1 $0x80, s0  }
0x688: {  	s1 =	sadd.s32 @!p1 s5, s1;
	s0 =	sand.u32 @!p1 $0xFFFF8, s0  }
0x689: {  	[tilespmem:s10], [sflag:$0x6] =	stream.linear.gather @!p1 [hbm4b:s1+s2], $0x80, $0x38;
	[tilespmem:$0x1D958] =	vst v63  }
0x68a: {  	s0 =	sadd.s32 @!p1 s5, s0  }
0x68b: {  	[tilespmem:s11], [sflag:$0x6] =	stream.linear.gather @!p1 [hbm4b:s0+s2], $0x5, $0x38;
	[tilespmem:$0x1D958] =	vst v63  }
0x68c: {  	_ =	swait.ge @!p1 [sflag:s9], $0x85  }
0x68d: {  	[sflag:s9] =	ssyncset.done @!p1 $0x0  }
0x68e: {  	[sflag:s9] =	ssyncadd.s32 @!p1 $0xFFFFFF7B  }
0x68f: {  	v1 =	vld @!p1 [tilespmem:$0xA3B8];
	_ =	sdelay $0x1  }
0x690: {  	s0 =	smul.u32 @!p1 $0x240, s12;
	_ =	sdelay $0x1  }
0x691: {  	s1 =	sshra.s32 @!p1 s0, $0x2  }
0x692: {  	[tilespmem:s1+$0xA478] =	vst.add.f32.msk @!p1 $0xffff, v1  }
0x693: {  	v1 =	vld @!p1 [tilespmem:$0xA3C8];
	_ =	sdelay $0x4  }
0x694: {  	[tilespmem:s1+$0xA488] =	vst.add.f32.msk @!p1 $0xffff, v1  }
0x695: {  	v1 =	vld @!p1 [tilespmem:$0xA3D8];
	_ =	sdelay $0x4  }
0x696: {  	[tilespmem:s1+$0xA498] =	vst.add.f32.msk @!p1 $0xffff, v1  }
0x697: {  	v1 =	vld @!p1 [tilespmem:$0xA3E8];
	_ =	sdelay $0x4  }
0x698: {  	[tilespmem:s1+$0xA4A8] =	vst.add.f32.msk @!p1 $0xffff, v1  }
0x699: {  	v1 =	vld @!p1 [tilespmem:$0xA3F8];
	_ =	sdelay $0x4  }
0x69a: {  	[tilespmem:s1+$0xA4B8] =	vst.add.f32.msk @!p1 $0xffff, v1  }
0x69b: {  	v1 =	vld @!p1 [tilespmem:$0xA408];
	_ =	sdelay $0x4  }
0x69c: {  	[tilespmem:s1+$0xA4C8] =	vst.add.f32.msk @!p1 $0xffff, v1  }
0x69d: {  	v1 =	vld @!p1 [tilespmem:$0xA418];
	_ =	sdelay $0x4  }
0x69e: {  	[tilespmem:s1+$0xA4D8] =	vst.add.f32.msk @!p1 $0xffff, v1  }
0x69f: {  	v1 =	vld @!p1 [tilespmem:$0xA428];
	_ =	sdelay $0x4  }
0x6a0: {  	[tilespmem:s1+$0xA4E8] =	vst.add.f32.msk @!p1 $0xffff, v1  }
0x6a1: {  	v1 =	vld @!p1 [tilespmem:$0xA438];
	_ =	sdelay $0x4  }
0x6a2: {  	[tilespmem:s1+$0xA4F8] =	vst.add.f32.msk @!p1 $0xffff, v1  }
0x6a3: {  	s0 =	sshra.s32 s0, $0x2;
	[tilespmem:s3+$0xA458] =	vst.msk $0x1, v0  }
0x6a4: {  	v0 =	vld [tilespmem:s0+$0xA478];
	_ =	sdelay $0x1  }
0x6a5: {  	s31 =	smul.u32 $0x240, s3;
	_ =	sdelay $0x1  }
0x6a6: {  	s1 =	sshra.s32 s31, $0x2  }
0x6a7: {  	[tilespmem:s1+$0xA478] =	vst v0  }
0x6a8: {  	v0 =	vld [tilespmem:s0+$0xA488];
	_ =	sdelay $0x4  }
0x6a9: {  	[tilespmem:s1+$0xA488] =	vst v0  }
0x6aa: {  	v0 =	vld [tilespmem:s0+$0xA498];
	_ =	sdelay $0x4  }
0x6ab: {  	[tilespmem:s1+$0xA498] =	vst v0  }
0x6ac: {  	v0 =	vld [tilespmem:s0+$0xA4A8];
	_ =	sdelay $0x4  }
0x6ad: {  	[tilespmem:s1+$0xA4A8] =	vst v0  }
0x6ae: {  	v0 =	vld [tilespmem:s0+$0xA4B8];
	_ =	sdelay $0x4  }
0x6af: {  	[tilespmem:s1+$0xA4B8] =	vst v0  }
0x6b0: {  	v0 =	vld [tilespmem:s0+$0xA4C8];
	_ =	sdelay $0x4  }
0x6b1: {  	[tilespmem:s1+$0xA4C8] =	vst v0  }
0x6b2: {  	v0 =	vld [tilespmem:s0+$0xA4D8];
	_ =	sdelay $0x4  }
0x6b3: {  	[tilespmem:s1+$0xA4D8] =	vst v0  }
0x6b4: {  	v0 =	vld [tilespmem:s0+$0xA4E8];
	_ =	sdelay $0x4  }
0x6b5: {  	[tilespmem:s1+$0xA4E8] =	vst v0  }
0x6b6: {  	v0 =	vld [tilespmem:s0+$0xA4F8];
	_ =	sdelay $0x4  }
0x6b7: {  	s3 =	sadd.s32 $0x1, s3;
	[tilespmem:s1+$0xA4F8] =	vst v0  }
.LBB2_37:
0x6b8: {  	s12 =	sadd.s32 $0x1, s12  }
0x6b9: {  	p1 =	sne.s32 s12, $0x20  }
.Ltmp25:
0x6ba: {  	_ = 	snop;
	(pc) =	sbr.rel @!p1 .LBB2_38-.Ltmp25, $1  }
0x6bb: {  	_ =	sdelay $0x3  }
.LBB2_30:
0x6bc: {  	v0 =	vld.msk [tilespmem:s12+$0xA458], $0x1;
	_ =	sdelay $0x4  }
0x6bd: {  	(v2sf) =	vpush v0, $0x0;
	_ =	sdelay $0xe  }
0x6be: {  	s0 =	spop (v2sf)  }
0x6bf: {  	p1 =	seq.s32 s0, $0xFFFFFFFF  }
.Ltmp26:
0x6c0: {  	_ = 	snop;
	(pc) =	sbr.rel @p1 .LBB2_37-.Ltmp26, $1  }
0x6c1: {  	_ =	sdelay $0x3  }
0x6c2: {  	p1 =	slt.s32 s3, $0x1  }
.Ltmp27:
0x6c3: {  	_ = 	snop;
	(pc) =	sbr.rel @p1 .LBB2_36-.Ltmp27, $1  }
0x6c4: {  	_ =	sdelay $0x3  }
0x6c5: {  	s1 =	simm.s32 $0xA458;
	p1 =	por $0x0, $0x0  }
0x6c6: {  	v1 =	vld.msk @!p1 [tilespmem:s1+$0x0], $0x1;
	_ =	sdelay $0x4  }
0x6c7: {  	(v2sf) =	vpush @!p1 v1, $0x0;
	_ =	sdelay $0xd  }
0x6c8: {  	p3 =	sne.s32 s3, $0x1  }
.Ltmp28:
0x6c9: {  	s2 =	spop @!p1 (v2sf);
	(pc) =	sbr.rel @!p3 .LBB2_34-.Ltmp28, $4  }
0x6ca: {  	p2 =	seq.s32 @!p1 s0, s2  }
0x6cb: {  	s2 =	simm.s32 $0x0;
	p2 =	por !p2, p1  }
0x6cc: {  	s6 =	simm.s32 $0xFFFFFFFF;
	s2 =	simm.s32 @p2 $0xFFFFFFFF  }
0x6cd: {  	s13 =	simm.s32 $0x1;
	s2 =	smov.u32 @p1 s6  }
.LBB2_33:
0x6ce: {  	s6 =	smov.u32 s2;
	p1 =	sne.s32 s2, $0xFFFFFFFF  }
0x6cf: {  	s1 =	sadd.s32 $0x1, s1;
	s2 =	smov.u32 s13;
	s13 =	sadd.s32 $0x1, s13  }
0x6d0: {  	p2 =	sne.s32 s3, s13;
	v1 =	vld.msk @!p1 [tilespmem:s1+$0x0], $0x1;
	_ =	sdelay $0x4  }
0x6d1: {  	(v2sf) =	vpush @!p1 v1, $0x0;
	_ =	sdelay $0xe  }
.Ltmp29:
0x6d2: {  	s7 =	spop @!p1 (v2sf);
	(pc) =	sbr.rel @p2 .LBB2_33-.Ltmp29, $4  }
0x6d3: {  	p3 =	seq.s32 @!p1 s0, s7  }
0x6d4: {  	p3 =	por !p3, p1  }
0x6d5: {  	s2 =	simm.s32 @p3 $0xFFFFFFFF  }
0x6d6: {  	s2 =	smov.u32 @p1 s6  }
.LBB2_34:
0x6d7: {  	p1 =	seq.s32 s2, $0xFFFFFFFF  }
.Ltmp30:
0x6d8: {  	_ = 	snop;
	(pc) =	sbr.rel @p1 .LBB2_36-.Ltmp30, $1  }
0x6d9: {  	_ =	sdelay $0x3  }
0x6da: {  	s0 =	smul.u32 $0x240, s12;
	_ =	sdelay $0x1  }
0x6db: {  	s0 =	sshra.s32 s0, $0x2  }
0x6dc: {  	v0 =	vld [tilespmem:s0+$0xA478];
	_ =	sdelay $0x1  }
0x6dd: {  	s1 =	smul.u32 $0x240, s2;
	_ =	sdelay $0x1  }
0x6de: {  	s1 =	sshra.s32 s1, $0x2  }
0x6df: {  	[tilespmem:s1+$0xA478] =	vst.add.f32.msk $0xffff, v0  }
0x6e0: {  	v0 =	vld [tilespmem:s0+$0xA488];
	_ =	sdelay $0x4  }
0x6e1: {  	[tilespmem:s1+$0xA488] =	vst.add.f32.msk $0xffff, v0  }
0x6e2: {  	v0 =	vld [tilespmem:s0+$0xA498];
	_ =	sdelay $0x4  }
0x6e3: {  	[tilespmem:s1+$0xA498] =	vst.add.f32.msk $0xffff, v0  }
0x6e4: {  	v0 =	vld [tilespmem:s0+$0xA4A8];
	_ =	sdelay $0x4  }
0x6e5: {  	[tilespmem:s1+$0xA4A8] =	vst.add.f32.msk $0xffff, v0  }
0x6e6: {  	v0 =	vld [tilespmem:s0+$0xA4B8];
	_ =	sdelay $0x4  }
0x6e7: {  	[tilespmem:s1+$0xA4B8] =	vst.add.f32.msk $0xffff, v0  }
0x6e8: {  	v0 =	vld [tilespmem:s0+$0xA4C8];
	_ =	sdelay $0x4  }
0x6e9: {  	[tilespmem:s1+$0xA4C8] =	vst.add.f32.msk $0xffff, v0  }
0x6ea: {  	v0 =	vld [tilespmem:s0+$0xA4D8];
	_ =	sdelay $0x4  }
0x6eb: {  	[tilespmem:s1+$0xA4D8] =	vst.add.f32.msk $0xffff, v0  }
0x6ec: {  	v0 =	vld [tilespmem:s0+$0xA4E8];
	_ =	sdelay $0x4  }
0x6ed: {  	[tilespmem:s1+$0xA4E8] =	vst.add.f32.msk $0xffff, v0  }
0x6ee: {  	v0 =	vld [tilespmem:s0+$0xA4F8]  }
.Ltmp31:
0x6ef: {  	_ = 	snop;
	(pc) =	sbr.rel .LBB2_37-.Ltmp31, $2  }
0x6f0: {  	_ =	sdelay $0x2  }
0x6f1: {  	[tilespmem:s1+$0xA4F8] =	vst.add.f32.msk $0xffff, v0  }
.LBB2_38:
0x6f2: {  	s0 =	simm.s32 $0x6;
	p1 =	seq.s32 s3, $0x0  }
0x6f3: {  	[sflag:s0] =	ssyncpa.u1 $0x1;
	v0 =	vimm.s32 @p1 $0xFFFFFFFF  }
0x6f4: {  	s0 =	sadd.s32 $0xFFFFFFFF, s3;
	[tilespmem:$0xB678] =	vst @p1 v0  }
0x6f5: {  	v0 =	vld.msk @!p1 [tilespmem:s0+$0xA458], $0x1;
	_ =	sdelay $0x1  }
0x6f6: {  	v1 =	vld.msk @!p1 [tilespmem:$0xA458], $0x1;
	_ =	sdelay $0x2  }
0x6f7: {  	p2 =	seq.s32 @!p1 s0, $0x0;
	v0 =	vbroadcast @!p1 v0, $0x0  }
0x6f8: {  	vm0 =	vmmov @!p1 $0x1;
	p3 =	por !p2, p1  }
0x6f9: {  	p2 =	sne.s32 @!p1 s8, s4;
	v1 =	vnsel @!p1 vm0, $0xFFFFFFFF, v1;
	vm0 =	vcmask @!p1 $0x308;
	v0 =	vpsel !p3, $0xFFFFFFFF, v0  }
0x6fa: {  	p3 =	por !p2, p1;
	v0 =	vsel @!p1 vm0, v1, v0  }
0x6fb: {  	s1 =	simm.s32 @!p1 $0xA478;
	s2 =	simm.s32 @!p1 $0x0;
	s4 =	smul.u32 @!p3 $0x240, s0;
	[tilespmem:$0xB678] =	vst @!p1 v0  }
0x6fc: {  	[spmem:s2] =	stream.linear.scatter @!p1 [tilespmem:s1], [sflag:$0x1], $0x90, $0x38;
	[tilespmem:$0x1D958] =	vst v63  }
0x6fd: {  	s1 =	sshra.s32 @!p3 s4, $0x2  }
0x6fe: {  	s2 =	simm.s32 @!p3 $0x90;
	s1 =	sadd.s32 @!p3 $0xA478, s1  }
0x6ff: {  	[spmem:s2] =	stream.linear.scatter @!p3 [tilespmem:s1], [sflag:$0x1], $0x90, $0x38;
	[tilespmem:$0x1D958] =	vst v63  }
0x700: {  	s1 =	simm.s32 @!p3 $0x1  }
0x701: {  	_ =	swait.ge @!p3 [sflag:s1], $0x120  }
0x702: {  	p1 =	por p2, p1;
	[sflag:s1] =	ssyncset.done @!p3 $0x0  }
0x703: {  	[sflag:s1] =	ssyncadd.s32 @!p3 $0xFFFFFEE0;
	s1 =	simm.s32 @!p1 $0x1  }
0x704: {  	_ =	swait.ge @!p1 [sflag:s1], $0x90  }
0x705: {  	s29 =	simm.s32 $0xB678;
	[sflag:s1] =	ssyncset.done @!p1 $0x0  }
0x706: {  	s30 =	simm.s32 $0x1200;
	s31 =	simm.s32 $0x1;
	[sflag:s1] =	ssyncadd.s32 @!p1 $0xFFFFFF70  }
0x707: {  	[spmem:s30] =	stream.linear.scatter [tilespmem:s29], [sflag:$0x1], $0x10, $0x38;
	[tilespmem:$0x1D958] =	vst v63  }
0x708: {  	_ =	swait.ge [sflag:s31], $0x10  }
0x709: {  	[sflag:s31] =	ssyncset.done $0x0  }
0x70a: {  	p1 =	seq.s32 s15, $0x0;
	s9 =	rddreg [dreg:$0x1];
	[sflag:s31] =	ssyncadd.s32 $0xFFFFFFF0  }
0x70b: {  	s2 =	sshll.u32 @p1 s9, $0xE;
	s8 =	rddreg [dreg:$0x2]  }
0x70c: {  	s1 =	sadd.s32 @p1 $0x15C3C, s2;
	s2 =	sshll.u32 @p1 s8, $0x11  }
0x70d: {  	_ =	sfence.stream.spmem;
	s1 =	sor.u32 @p1 s2, s1  }
0x70e: {  	[sflag:s1] =	ssyncadd.remote.s32 @p1 $0x1;
	s1 =	simm.s32 @p1 $0x4  }
0x70f: {  	s4 =	simm.s32 @!p1 $0x3C;
	s2 =	sand.u32 $0xFFFFFFFE, s9;
	_ =	swait.ge @p1 [sflag:s1], $0x26  }
0x710: {  	s6 =	simm.s32 @!p1 $0x0;
	s2 =	sadd.s32 @!p1 $0x4, s2;
	[sflag:s1] =	ssyncset.done @p1 $0x0  }
0x711: {  	s7 =	simm.s32 @!p1 $0x120;
	[sflag:s1] =	ssyncadd.s32 @p1 $0xFFFFFFDA;
	s1 =	sshll.u32 @!p1 s2, $0x1A  }
0x712: {  	s2 =	sshll.u32 @!p1 s2, $0xD;
	s1 =	sor.u32 @!p1 s1, s8;
	_ =	swait.eq @!p1 [sflag:s4], $0x1  }
0x713: {  	s2 =	sor.u32 @!p1 $0x1C04, s2;
	s4 =	simm.s32 @!p1 $0x1C03;
	s1 =	sor.u32 @!p1 $0x80004000, s1  }
0x714: {  	[spmem:s7], [sflag:s2] =	dma.general @!p1 [spmem:s6], [sflag:s4], length:$0x24, [dreg:$0x0], stride_count:$0x0, ici_dest:s1, dma_misc:DstOpCode:WRITE  }
0x715: {  	p2 =	slt.s32 s0, $0x2;
	s6 =	simm.s32 @!p1 $0x240;
	s7 =	simm.s32 @!p1 $0x242  }
0x716: {  	[spmem:s7], [sflag:s2] =	dma.general @!p1 [spmem:s6], [sflag:s4], length:$0x2, [dreg:$0x0], stride_count:$0x0, ici_dest:s1, dma_misc:DstOpCode:WRITE  }
.Ltmp32:
0x717: {  	s1 =	simm.s32 @!p1 $0x3;
	(pc) =	sbr.rel @p2 .LBB2_42-.Ltmp32, $4  }
0x718: {  	s2 =	sshll.u32 @!p1 s9, $0xE;
	_ =	swait.ge @!p1 [sflag:s1], $0x26  }
0x719: {  	s4 =	sshll.u32 @!p1 s8, $0x11;
	s2 =	sadd.s32 @!p1 $0x11C3C, s2;
	[sflag:s1] =	ssyncset.done @!p1 $0x0  }
0x71a: {  	[sflag:s1] =	ssyncadd.s32 @!p1 $0xFFFFFFDA;
	s1 =	sor.u32 @!p1 s4, s2  }
0x71b: {  	s0 =	simm.s32 $0x0;
	[sflag:s1] =	ssyncadd.remote.s32 @!p1 $0xFFFFFFFF  }
0x71c: {  	s0 =	simm.s32 $0xA459  }
0x71d: {  	v0 =	vld.msk [tilespmem:s0+$0x0], $0x1;
	_ =	sdelay $0x4  }
0x71e: {  	(v2sf) =	vpush v0, $0x0;
	_ =	sdelay $0xd  }
0x71f: {  	s31 =	sadd.s32 $0xFFFFFFFE, s3  }
0x720: {  	s3 =	simm.s32 $0x0;
	s0 =	sadd.s32 $0xFFFFFFFF, s31;
	s2 =	spop (v2sf)  }
0x721: {  	s6 =	simm.s32 $0xA508;
	p1 =	sne.s32 s0, $0x0;
	p2 =	sgt.u32 s2, $0x4E17F  }
.Ltmp33:
0x722: {  	s1 =	simm.s32 $0xA598;
	s4 =	sand.u32 @!p2 $0x7FFF8, s2;
	(pc) =	sbr.rel @!p1 .LBB2_41-.Ltmp33, $4  }
0x723: {  	s7 =	sadd.s32 @!p2 $0x80, s2;
	s3 =	simm.s32 @!p2 $0x214;
	s8 =	sadd.s32 @!p2 s5, s4  }
0x724: {  	s4 =	sand.u32 @!p2 $0x7, s2;
	s2 =	simm.s32 $0xA45A;
	s7 =	sand.u32 @!p2 $0xFFFF8, s7  }
0x725: {  	[hbm4b:s8+s4] =	stream.linear.scatter @!p2 [tilespmem:s6], [sflag:$0x5], $0x80, $0x38;
	[tilespmem:$0x1D958] =	vst v63  }
0x726: {  	s3 =	sadd.s32 $0x0, s3;
	s6 =	simm.s32 @!p2 $0xA588;
	s7 =	sadd.s32 @!p2 s5, s7  }
.LBB2_40:
0x727: {  	[hbm4b:s7+s4] =	stream.linear.scatter @!p2 [tilespmem:s6], [sflag:$0x5], $0x5, $0x38;
	[tilespmem:$0x1D958] =	vst v63  }
0x728: {  	s0 =	sadd.s32 $0xFFFFFFFF, s0;
	s6 =	smov.u32 s1;
	v0 =	vld.msk [tilespmem:s2+$0x0], $0x1  }
0x729: {  	p1 =	sne.s32 s0, $0x0;
	_ =	sdelay $0x3  }
0x72a: {  	(v2sf) =	vpush v0, $0x0;
	_ =	sdelay $0xe  }
0x72b: {  	s1 =	sadd.s32 $0x90, s1;
	s8 =	simm.s32 $0x0;
	s4 =	spop (v2sf)  }
.Ltmp34:
0x72c: {  	s2 =	sadd.s32 $0x1, s2;
	p2 =	sgt.u32 s4, $0x4E17F;
	(pc) =	sbr.rel @p1 .LBB2_40-.Ltmp34, $4  }
0x72d: {  	s8 =	simm.s32 @!p2 $0x214;
	s7 =	sand.u32 @!p2 $0x7FFF8, s4;
	s9 =	sadd.s32 @!p2 $0x80, s4  }
0x72e: {  	s4 =	sand.u32 @!p2 $0x7, s4;
	s7 =	sadd.s32 @!p2 s5, s7;
	s9 =	sand.u32 @!p2 $0xFFFF8, s9  }
0x72f: {  	[hbm4b:s7+s4] =	stream.linear.scatter @!p2 [tilespmem:s6], [sflag:$0x5], $0x80, $0x38;
	[tilespmem:$0x1D958] =	vst v63  }
0x730: {  	s3 =	sadd.s32 s3, s8;
	s6 =	sadd.s32 @!p2 $0x80, s6;
	s7 =	sadd.s32 @!p2 s5, s9  }
.LBB2_41:
0x731: {  	[hbm4b:s7+s4] =	stream.linear.scatter @!p2 [tilespmem:s6], [sflag:$0x5], $0x5, $0x38;
	[tilespmem:$0x1D958] =	vst v63  }
0x732: {  	s0 =	sshrl.u32 s3, $0x2  }
.LBB2_42:
0x733: {  	s1 =	simm.s32 $0x5  }
0x734: {  	_ =	swait.ge [sflag:s1], s0  }
0x735: {  	s31 =	ssub.s32 $0x0, s0;
	[sflag:s1] =	ssyncset.done $0x0  }
0x736: {  	[sflag:s1] =	ssyncadd.s32 s31  }
0x737: {  	[sflag:s1] =	ssyncpa.u1 $0x1  }
.LBB2_43:
0x738: {  	s0 =	sor.u32 s15, s14  }
0x739: {  	p1 =	sne.s32 s0, $0x0  }
.Ltmp35:
0x73a: {  	_ = 	snop;
	(pc) =	sbr.rel @p1 .LBB2_58-.Ltmp35, $3  }
0x73b: {  	_ =	sdelay $0x1  }
0x73c: {  	[bflag:$0x0] =	sbarrier.arrive $0xFFFF  }
0x73d: {  	_ =	sfence  }
0x73e: {  	s0 =	simm.s32 $0x7  }
0x73f: {  	s1 =	simm.s32 $0x1200;
	s2 =	simm.s32 $0xA458;
	[sflag:s0] =	ssyncpa.u1 $0x0  }
0x740: {  	[tilespmem:s2], [sflag:$0x7] =	stream.linear.gather [spmem:s1], $0x20, $0x38;
	[tilespmem:$0x1D958] =	vst v63  }
0x741: {  	s30 =	simm.s32 $0xA478;
	s1 =	simm.s32 $0x0  }
0x742: {  	[tilespmem:s30], [sflag:$0x7] =	stream.linear.gather [spmem:s1], $0x1200, $0x38;
	[tilespmem:$0x1D958] =	vst v63  }
.Ltmp36:
0x743: {  	_ = 	snop;
	(pc) =	sbr.rel .LBB2_45-.Ltmp36, $4  }
0x744: {  	_ =	swait.ge [sflag:s0], $0x1220  }
0x745: {  	[sflag:s0] =	ssyncset.done $0x0  }
0x746: {  	s31 =	simm.s32 $0x8;
	[sflag:s0] =	ssyncadd.s32 $0xFFFFEDE0  }
0x747: {  	s2 =	simm.s32 $0x0;
	[sflag:s31] =	ssyncpa.u1 $0x0  }
.LBB2_51:
0x748: {  	p1 =	slt.u32 s0, $0x4E180  }
0x749: {  	s3 =	sand.u32 @p1 $0x7FFF8, s0;
	s4 =	sand.u32 @p1 $0x7, s0;
	s0 =	sadd.s32 @p1 $0x80, s0  }
0x74a: {  	s6 =	simm.s32 @p1 $0xA3B8;
	s3 =	sadd.s32 @p1 s5, s3;
	s0 =	sand.u32 @p1 $0xFFFF8, s0  }
0x74b: {  	[tilespmem:s6], [sflag:$0x8] =	stream.linear.gather @p1 [hbm4b:s3+s4], $0x80, $0x38;
	[tilespmem:$0x1D958] =	vst v63  }
0x74c: {  	s0 =	sadd.s32 @p1 s5, s0;
	s3 =	simm.s32 @p1 $0xA438  }
0x74d: {  	[tilespmem:s3], [sflag:$0x8] =	stream.linear.gather @p1 [hbm4b:s0+s4], $0x5, $0x38;
	[tilespmem:$0x1D958] =	vst v63  }
0x74e: {  	s0 =	simm.s32 @p1 $0x8  }
0x74f: {  	_ =	swait.ge @p1 [sflag:s0], $0x85  }
0x750: {  	[sflag:s0] =	ssyncset.done @p1 $0x0  }
0x751: {  	[sflag:s0] =	ssyncadd.s32 @p1 $0xFFFFFF7B  }
0x752: {  	v1 =	vld @p1 [tilespmem:$0xA3B8];
	_ =	sdelay $0x1  }
0x753: {  	s0 =	smul.u32 @p1 $0x240, s2;
	_ =	sdelay $0x1  }
0x754: {  	s3 =	sshra.s32 @p1 s0, $0x2  }
0x755: {  	[tilespmem:s3+$0xA478] =	vst.add.f32.msk @p1 $0xffff, v1  }
0x756: {  	v1 =	vld @p1 [tilespmem:$0xA3C8];
	_ =	sdelay $0x4  }
0x757: {  	[tilespmem:s3+$0xA488] =	vst.add.f32.msk @p1 $0xffff, v1  }
0x758: {  	v1 =	vld @p1 [tilespmem:$0xA3D8];
	_ =	sdelay $0x4  }
0x759: {  	[tilespmem:s3+$0xA498] =	vst.add.f32.msk @p1 $0xffff, v1  }
0x75a: {  	v1 =	vld @p1 [tilespmem:$0xA3E8];
	_ =	sdelay $0x4  }
0x75b: {  	[tilespmem:s3+$0xA4A8] =	vst.add.f32.msk @p1 $0xffff, v1  }
0x75c: {  	v1 =	vld @p1 [tilespmem:$0xA3F8];
	_ =	sdelay $0x4  }
0x75d: {  	[tilespmem:s3+$0xA4B8] =	vst.add.f32.msk @p1 $0xffff, v1  }
0x75e: {  	v1 =	vld @p1 [tilespmem:$0xA408];
	_ =	sdelay $0x4  }
0x75f: {  	[tilespmem:s3+$0xA4C8] =	vst.add.f32.msk @p1 $0xffff, v1  }
0x760: {  	v1 =	vld @p1 [tilespmem:$0xA418];
	_ =	sdelay $0x4  }
0x761: {  	[tilespmem:s3+$0xA4D8] =	vst.add.f32.msk @p1 $0xffff, v1  }
0x762: {  	v1 =	vld @p1 [tilespmem:$0xA428];
	_ =	sdelay $0x4  }
0x763: {  	[tilespmem:s3+$0xA4E8] =	vst.add.f32.msk @p1 $0xffff, v1  }
0x764: {  	v1 =	vld @p1 [tilespmem:$0xA438];
	_ =	sdelay $0x2  }
0x765: {  	s4 =	smul.u32 @!p1 $0x240, s2;
	_ =	sdelay $0x1  }
0x766: {  	s4 =	smov.u32 @p1 s0;
	[tilespmem:s3+$0xA4F8] =	vst.add.f32.msk @p1 $0xffff, v1  }
0x767: {  	s0 =	sshra.s32 s4, $0x2;
	[tilespmem:s1+$0xA458] =	vst.msk $0x1, v0  }
0x768: {  	v0 =	vld [tilespmem:s0+$0xA478];
	_ =	sdelay $0x1  }
0x769: {  	s31 =	smul.u32 $0x240, s1;
	_ =	sdelay $0x1  }
0x76a: {  	s3 =	sshra.s32 s31, $0x2  }
0x76b: {  	[tilespmem:s3+$0xA478] =	vst v0  }
0x76c: {  	v0 =	vld [tilespmem:s0+$0xA488];
	_ =	sdelay $0x4  }
0x76d: {  	[tilespmem:s3+$0xA488] =	vst v0  }
0x76e: {  	v0 =	vld [tilespmem:s0+$0xA498];
	_ =	sdelay $0x4  }
0x76f: {  	[tilespmem:s3+$0xA498] =	vst v0  }
0x770: {  	v0 =	vld [tilespmem:s0+$0xA4A8];
	_ =	sdelay $0x4  }
0x771: {  	[tilespmem:s3+$0xA4A8] =	vst v0  }
0x772: {  	v0 =	vld [tilespmem:s0+$0xA4B8];
	_ =	sdelay $0x4  }
0x773: {  	[tilespmem:s3+$0xA4B8] =	vst v0  }
0x774: {  	v0 =	vld [tilespmem:s0+$0xA4C8];
	_ =	sdelay $0x4  }
0x775: {  	[tilespmem:s3+$0xA4C8] =	vst v0  }
0x776: {  	v0 =	vld [tilespmem:s0+$0xA4D8];
	_ =	sdelay $0x4  }
0x777: {  	[tilespmem:s3+$0xA4D8] =	vst v0  }
0x778: {  	v0 =	vld [tilespmem:s0+$0xA4E8];
	_ =	sdelay $0x4  }
0x779: {  	[tilespmem:s3+$0xA4E8] =	vst v0  }
0x77a: {  	v0 =	vld [tilespmem:s0+$0xA4F8];
	_ =	sdelay $0x4  }
0x77b: {  	s1 =	sadd.s32 $0x1, s1;
	[tilespmem:s3+$0xA4F8] =	vst v0  }
.LBB2_52:
0x77c: {  	s2 =	sadd.s32 $0x1, s2  }
0x77d: {  	p1 =	sne.s32 s2, $0x20  }
.Ltmp37:
0x77e: {  	_ = 	snop;
	(pc) =	sbr.rel @!p1 .LBB2_53-.Ltmp37, $1  }
0x77f: {  	_ =	sdelay $0x3  }
.LBB2_45:
0x780: {  	v0 =	vld.msk [tilespmem:s2+$0xA458], $0x1;
	_ =	sdelay $0x4  }
0x781: {  	(v2sf) =	vpush v0, $0x0;
	_ =	sdelay $0xe  }
0x782: {  	s0 =	spop (v2sf)  }
0x783: {  	p1 =	seq.s32 s0, $0xFFFFFFFF  }
.Ltmp38:
0x784: {  	_ = 	snop;
	(pc) =	sbr.rel @p1 .LBB2_52-.Ltmp38, $1  }
0x785: {  	_ =	sdelay $0x3  }
0x786: {  	p1 =	slt.s32 s1, $0x1  }
.Ltmp39:
0x787: {  	_ = 	snop;
	(pc) =	sbr.rel @p1 .LBB2_51-.Ltmp39, $1  }
0x788: {  	_ =	sdelay $0x3  }
0x789: {  	s3 =	simm.s32 $0xA458;
	p1 =	por $0x0, $0x0  }
0x78a: {  	v1 =	vld.msk @!p1 [tilespmem:s3+$0x0], $0x1;
	_ =	sdelay $0x4  }
0x78b: {  	(v2sf) =	vpush @!p1 v1, $0x0;
	_ =	sdelay $0xd  }
0x78c: {  	p3 =	sne.s32 s1, $0x1  }
.Ltmp40:
0x78d: {  	s4 =	spop @!p1 (v2sf);
	(pc) =	sbr.rel @!p3 .LBB2_49-.Ltmp40, $4  }
0x78e: {  	p2 =	seq.s32 @!p1 s0, s4  }
0x78f: {  	s4 =	simm.s32 $0x0;
	p2 =	por !p2, p1  }
0x790: {  	s7 =	simm.s32 $0xFFFFFFFF;
	s4 =	simm.s32 @p2 $0xFFFFFFFF  }
0x791: {  	s6 =	simm.s32 $0x1;
	s4 =	smov.u32 @p1 s7  }
.LBB2_48:
0x792: {  	s7 =	smov.u32 s4;
	p1 =	sne.s32 s4, $0xFFFFFFFF  }
0x793: {  	s3 =	sadd.s32 $0x1, s3;
	s4 =	smov.u32 s6;
	s6 =	sadd.s32 $0x1, s6  }
0x794: {  	p2 =	sne.s32 s1, s6;
	v1 =	vld.msk @!p1 [tilespmem:s3+$0x0], $0x1;
	_ =	sdelay $0x4  }
0x795: {  	(v2sf) =	vpush @!p1 v1, $0x0;
	_ =	sdelay $0xe  }
.Ltmp41:
0x796: {  	s8 =	spop @!p1 (v2sf);
	(pc) =	sbr.rel @p2 .LBB2_48-.Ltmp41, $4  }
0x797: {  	p3 =	seq.s32 @!p1 s0, s8  }
0x798: {  	p3 =	por !p3, p1  }
0x799: {  	s4 =	simm.s32 @p3 $0xFFFFFFFF  }
0x79a: {  	s4 =	smov.u32 @p1 s7  }
.LBB2_49:
0x79b: {  	p1 =	seq.s32 s4, $0xFFFFFFFF  }
.Ltmp42:
0x79c: {  	_ = 	snop;
	(pc) =	sbr.rel @p1 .LBB2_51-.Ltmp42, $1  }
0x79d: {  	_ =	sdelay $0x3  }
0x79e: {  	s0 =	smul.u32 $0x240, s2;
	_ =	sdelay $0x1  }
0x79f: {  	s0 =	sshra.s32 s0, $0x2  }
0x7a0: {  	v0 =	vld [tilespmem:s0+$0xA478];
	_ =	sdelay $0x1  }
0x7a1: {  	s3 =	smul.u32 $0x240, s4;
	_ =	sdelay $0x1  }
0x7a2: {  	s3 =	sshra.s32 s3, $0x2  }
0x7a3: {  	[tilespmem:s3+$0xA478] =	vst.add.f32.msk $0xffff, v0  }
0x7a4: {  	v0 =	vld [tilespmem:s0+$0xA488];
	_ =	sdelay $0x4  }
0x7a5: {  	[tilespmem:s3+$0xA488] =	vst.add.f32.msk $0xffff, v0  }
0x7a6: {  	v0 =	vld [tilespmem:s0+$0xA498];
	_ =	sdelay $0x4  }
0x7a7: {  	[tilespmem:s3+$0xA498] =	vst.add.f32.msk $0xffff, v0  }
0x7a8: {  	v0 =	vld [tilespmem:s0+$0xA4A8];
	_ =	sdelay $0x4  }
0x7a9: {  	[tilespmem:s3+$0xA4A8] =	vst.add.f32.msk $0xffff, v0  }
0x7aa: {  	v0 =	vld [tilespmem:s0+$0xA4B8];
	_ =	sdelay $0x4  }
0x7ab: {  	[tilespmem:s3+$0xA4B8] =	vst.add.f32.msk $0xffff, v0  }
0x7ac: {  	v0 =	vld [tilespmem:s0+$0xA4C8];
	_ =	sdelay $0x4  }
0x7ad: {  	[tilespmem:s3+$0xA4C8] =	vst.add.f32.msk $0xffff, v0  }
0x7ae: {  	v0 =	vld [tilespmem:s0+$0xA4D8];
	_ =	sdelay $0x4  }
0x7af: {  	[tilespmem:s3+$0xA4D8] =	vst.add.f32.msk $0xffff, v0  }
0x7b0: {  	v0 =	vld [tilespmem:s0+$0xA4E8];
	_ =	sdelay $0x4  }
0x7b1: {  	[tilespmem:s3+$0xA4E8] =	vst.add.f32.msk $0xffff, v0  }
0x7b2: {  	v0 =	vld [tilespmem:s0+$0xA4F8]  }
.Ltmp43:
0x7b3: {  	_ = 	snop;
	(pc) =	sbr.rel .LBB2_52-.Ltmp43, $2  }
0x7b4: {  	_ =	sdelay $0x2  }
0x7b5: {  	[tilespmem:s3+$0xA4F8] =	vst.add.f32.msk $0xffff, v0  }
.LBB2_53:
0x7b6: {  	p1 =	slt.s32 s1, $0x1  }
.Ltmp44:
0x7b7: {  	_ = 	snop;
	(pc) =	sbr.rel @p1 .LBB2_57-.Ltmp44, $3  }
0x7b8: {  	_ =	sdelay $0x1  }
0x7b9: {  	s0 =	simm.s32 $0x8  }
0x7ba: {  	s3 =	simm.s32 $0x0;
	[sflag:s0] =	ssyncpa.u1 $0x1  }
0x7bb: {  	s0 =	simm.s32 $0xA458  }
0x7bc: {  	v0 =	vld.msk [tilespmem:s0+$0x0], $0x1;
	_ =	sdelay $0x4  }
0x7bd: {  	(v2sf) =	vpush v0, $0x0;
	_ =	sdelay $0xe  }
0x7be: {  	s0 =	sadd.s32 $0xFFFFFFFF, s1;
	s2 =	spop (v2sf)  }
0x7bf: {  	s6 =	simm.s32 $0xA478;
	p1 =	sne.s32 s0, $0x0;
	p2 =	sgt.u32 s2, $0x4E17F  }
.Ltmp45:
0x7c0: {  	s1 =	simm.s32 $0xA508;
	s4 =	sand.u32 @!p2 $0x7FFF8, s2;
	(pc) =	sbr.rel @!p1 .LBB2_56-.Ltmp45, $4  }
0x7c1: {  	s7 =	sadd.s32 @!p2 $0x80, s2;
	s3 =	simm.s32 @!p2 $0x214;
	s8 =	sadd.s32 @!p2 s5, s4  }
0x7c2: {  	s4 =	sand.u32 @!p2 $0x7, s2;
	s2 =	simm.s32 $0xA459;
	s7 =	sand.u32 @!p2 $0xFFFF8, s7  }
0x7c3: {  	[hbm4b:s8+s4] =	stream.linear.scatter @!p2 [tilespmem:s6], [sflag:$0x7], $0x80, $0x38;
	[tilespmem:$0x1D958] =	vst v63  }
0x7c4: {  	s3 =	sadd.s32 $0x0, s3;
	s6 =	simm.s32 @!p2 $0xA4F8;
	s7 =	sadd.s32 @!p2 s5, s7  }
.LBB2_55:
0x7c5: {  	[hbm4b:s7+s4] =	stream.linear.scatter @!p2 [tilespmem:s6], [sflag:$0x7], $0x5, $0x38;
	[tilespmem:$0x1D958] =	vst v63  }
0x7c6: {  	s0 =	sadd.s32 $0xFFFFFFFF, s0;
	s6 =	smov.u32 s1;
	v0 =	vld.msk [tilespmem:s2+$0x0], $0x1  }
0x7c7: {  	p1 =	sne.s32 s0, $0x0;
	_ =	sdelay $0x3  }
0x7c8: {  	(v2sf) =	vpush v0, $0x0;
	_ =	sdelay $0xe  }
0x7c9: {  	s1 =	sadd.s32 $0x90, s1;
	s8 =	simm.s32 $0x0;
	s4 =	spop (v2sf)  }
.Ltmp46:
0x7ca: {  	s2 =	sadd.s32 $0x1, s2;
	p2 =	sgt.u32 s4, $0x4E17F;
	(pc) =	sbr.rel @p1 .LBB2_55-.Ltmp46, $4  }
0x7cb: {  	s8 =	simm.s32 @!p2 $0x214;
	s7 =	sand.u32 @!p2 $0x7FFF8, s4;
	s9 =	sadd.s32 @!p2 $0x80, s4  }
0x7cc: {  	s4 =	sand.u32 @!p2 $0x7, s4;
	s7 =	sadd.s32 @!p2 s5, s7;
	s9 =	sand.u32 @!p2 $0xFFFF8, s9  }
0x7cd: {  	[hbm4b:s7+s4] =	stream.linear.scatter @!p2 [tilespmem:s6], [sflag:$0x7], $0x80, $0x38;
	[tilespmem:$0x1D958] =	vst v63  }
0x7ce: {  	s3 =	sadd.s32 s3, s8;
	s6 =	sadd.s32 @!p2 $0x80, s6;
	s7 =	sadd.s32 @!p2 s5, s9  }
.LBB2_56:
0x7cf: {  	[hbm4b:s7+s4] =	stream.linear.scatter @!p2 [tilespmem:s6], [sflag:$0x7], $0x5, $0x38;
	[tilespmem:$0x1D958] =	vst v63  }
0x7d0: {  	s3 =	sshrl.u32 s3, $0x2  }
.LBB2_57:
0x7d1: {  	s0 =	simm.s32 $0x7  }
0x7d2: {  	_ =	swait.ge [sflag:s0], s3  }
0x7d3: {  	s1 =	ssub.s32 $0x0, s3;
	[sflag:s0] =	ssyncset.done $0x0  }
0x7d4: {  	[sflag:s0] =	ssyncadd.s32 s1  }
0x7d5: {  	[sflag:s0] =	ssyncpa.u1 $0x1  }
.LBB2_58:
0x7d6: {  	_ =	sfence;
	s0 =	simm.s32 $0x1  }
0x7d7: {  	[sflag:s0] =	ssyncpa.u1 $0x1  }
0x7d8: {  	_ =	strace $0x90000047  }
0x7d9: {  	[bflag:$0x2] =	sbarrier.arrive $0xFFFF  }
0x7da: {  	s0 =	rddreg [dreg:$0x3]  }
0x7db: {  	s0 =	sadd.s32 @!p0 $0x100000, s0  }
0x7dc: {  	[sflag:s0] =	ssyncadd.tile.s32 @!p0 $0x1;
	_ =	shalt  }
.Lfunc_end2:
_tile_overlayer_lowered:
.L_overlay_start_2:
0x7dd: {  	(tag) =	ssettag $0x2  }
0x7de: {  	s0 =	rddreg [dreg:$0x0];
	s2 =	stileid.u32  }
0x7df: {  	s1 =	rddreg [dreg:$0x1];
	p0 =	sne.s32 s2, $0x0  }
0x7e0: {  	s3 =	rddreg [dreg:$0x2];
	[bflag:$0x3] =	sbarrier.arrive $0xFFFF;
	s2 =	simm.s32 @!p0 $0x1C01  }
0x7e1: {  	[timem:s3], [sflag:s2] =	dma.local @!p0 [hbm:s0], s1  }
0x7e2: {  	s0 =	simm.s32 @!p0 $0x1  }
0x7e3: {  	_ =	swait.ge @!p0 [sflag:s0], s1  }
0x7e4: {  	s1 =	ssub.s32 @!p0 $0x0, s1;
	[sflag:s0] =	ssyncset.done @!p0 $0x0  }
0x7e5: {  	[sflag:s0] =	ssyncadd.s32 @!p0 s1  }
0x7e6: {  	[bflag:$0x3] =	sbarrier.arrive $0xFFFF  }
0x7e7: {  	_ =	shalt  }

</sc_bundles>
